<compile_context>
chip_gen: v7x
topology: tpu7x:2x2x1
jax: 0.10.2.dev20260603
libtpu: 0.0.44.dev20260713+nightly
codegen_flags: <defaults>
</compile_context>

<pallas_src>
import functools

import jax
import jax.numpy as jnp
from jax import lax
from jax.experimental import pallas as pl
from jax.experimental.pallas import tpu as pltpu
from jax.experimental.pallas import tpu_sc as plsc

N = 10000
NP = 10240
E = 320000
G = 100
GP = 128
HID = 64
EPW = 10112
CPW = 79
LASTC = 51
NPT = NP // 16

_mesh = plsc.VectorSubcoreMesh(core_axis_name="c", subcore_axis_name="s")
_sc_params = pltpu.CompilerParams(use_tc_tiling_on_sc=False,
                                  needs_layout_passes=False)


def _copy_edges(ei, row, base, blk, last):

    @pl.when(jnp.logical_not(last))
    def _():
        pltpu.sync_copy(ei.at[row].at[pl.ds(base, EPW)],
                        blk.at[pl.ds(0, EPW)])

    @pl.when(last)
    def _():
        pltpu.sync_copy(ei.at[row].at[pl.ds(base, LASTC * 128)],
                        blk.at[pl.ds(0, LASTC * 128)])


@functools.partial(
    pl.kernel,
    out_type=(
        jax.ShapeDtypeStruct((2, NP), jnp.float32),
        jax.ShapeDtypeStruct((GP,), jnp.float32),
    ),
    mesh=_mesh,
    compiler_params=_sc_params,
    scratch_types=[
        pltpu.VMEM((EPW,), jnp.int32),
        pltpu.VMEM((640,), jnp.int32),
        pltpu.VMEM((128,), jnp.float32),
        pltpu.VMEM((128,), jnp.float32),
        pltpu.VMEM_SHARED((NP,), jnp.float32),
        pltpu.VMEM_SHARED((GP,), jnp.float32),
    ],
)
def _sc_a(ei, batch_h, deg_out, bc_out, dstblk, bblk, ones_v, zeros_v,
          deg_s, bc_s):
    cid = lax.axis_index("c")
    sid = lax.axis_index("s")
    wid = cid * 16 + sid
    last = wid == 31
    nch = jnp.where(last, LASTC, CPW)
    for k in range(8):
        ones_v[pl.ds(k * 16, 16)] = jnp.full((16,), 1.0, jnp.float32)
        zeros_v[pl.ds(k * 16, 16)] = jnp.zeros((16,), jnp.float32)

    for k in range(5):
        pltpu.sync_copy(zeros_v, deg_s.at[pl.ds(sid * NPT + k * 128, 128)])

    @pl.when(jnp.logical_and(cid == 1, sid == 0))
    def _():
        pltpu.sync_copy(zeros_v, bc_s)

    plsc.subcore_barrier()

    _copy_edges(ei, 1, wid * EPW, dstblk, last)

    def body(j, carry):
        pltpu.sync_copy(ones_v, deg_s.at[dstblk.at[pl.ds(j * 128, 128)]],
                        add=True)
        return carry

    lax.fori_loop(0, nch, body, 0)

    @pl.when(jnp.logical_and(cid == 1, sid < 15))
    def _():
        pltpu.sync_copy(batch_h.at[pl.ds(sid * 640, 640)], bblk)
        for j in range(5):
            pltpu.sync_copy(ones_v, bc_s.at[bblk.at[pl.ds(j * 128, 128)]],
                            add=True)

    @pl.when(jnp.logical_and(cid == 1, sid == 15))
    def _():
        pltpu.sync_copy(batch_h.at[pl.ds(9600, 400)], bblk.at[pl.ds(0, 400)])
        for j in range(3):
            pltpu.sync_copy(ones_v, bc_s.at[bblk.at[pl.ds(j * 128, 128)]],
                            add=True)
        pltpu.sync_copy(ones_v.at[pl.ds(0, 16)],
                        bc_s.at[bblk.at[pl.ds(384, 16)]], add=True)

    plsc.subcore_barrier()

    pltpu.sync_copy(deg_s.at[pl.ds(sid * NPT, NPT)],
                    deg_out.at[cid].at[pl.ds(sid * NPT, NPT)])

    @pl.when(jnp.logical_and(cid == 1, sid == 0))
    def _():
        pltpu.sync_copy(bc_s, bc_out)


def _tc_b_body(x_ref, w1_ref, b1_ref, deg_ref, bc_ref,
               y_ref, t1_ref, dinv_ref, idx_ref):
    xw = jnp.dot(x_ref[...], w1_ref[...], preferred_element_type=jnp.float32)
    xw = jnp.concatenate(
        [xw, jnp.zeros((NP - N, HID), jnp.float32)], axis=0)
    deg = deg_ref[0] + deg_ref[1] + 1.0
    dinv = lax.rsqrt(deg)
    y_ref[...] = xw * dinv
    t1_ref[...] = xw * (dinv * dinv) + b1_ref[...][None, :]
    dinv_ref[...] = dinv
    ri = lax.broadcasted_iota(jnp.int32, (GP, GP), 0)
    ci = lax.broadcasted_iota(jnp.int32, (GP, GP), 1)
    tri = (ri <= ci).astype(jnp.float32)
    cs = jnp.dot(bc_ref[...], tri, preferred_element_type=jnp.float32)
    idxf = cs - 1.0
    idxf = jnp.where(idxf < 0.0, idxf + float(N), idxf)
    idx_ref[...] = idxf.astype(jnp.int32)


_tc_b = pl.pallas_call(
    _tc_b_body,
    out_shape=(
        jax.ShapeDtypeStruct((NP, HID), jnp.float32),
        jax.ShapeDtypeStruct((NP, HID), jnp.float32),
        jax.ShapeDtypeStruct((NP, 1), jnp.float32),
        jax.ShapeDtypeStruct((1, GP), jnp.int32),
    ),
)


@functools.partial(
    pl.kernel,
    out_type=jax.ShapeDtypeStruct((2, NP, HID), jnp.float32),
    mesh=_mesh,
    compiler_params=_sc_params,
    scratch_types=[
        pltpu.VMEM((EPW,), jnp.int32),
        pltpu.VMEM((EPW,), jnp.int32),
        pltpu.VMEM((2, 128, HID), jnp.float32),
        pltpu.VMEM((128, HID), jnp.float32),
        pltpu.VMEM_SHARED((NP, HID), jnp.float32),
        pltpu.VMEM_SHARED((NP, HID), jnp.float32),
        [pltpu.SemaphoreType.DMA] * 2,
    ],
)
def _sc_c(y_hbm, ei, acc_out, srcblk, dstblk, rows, zrows, y_s, acc_s,
          sems):
    cid = lax.axis_index("c")
    sid = lax.axis_index("s")
    wid = cid * 16 + sid
    last = wid == 31
    nch = jnp.where(last, LASTC, CPW)

    def zbody(r, carry):
        for k in range(HID // 16):
            zrows[r, pl.ds(k * 16, 16)] = jnp.zeros((16,), jnp.float32)
        return carry

    lax.fori_loop(0, 128, zbody, 0)
    for k in range(5):
        pltpu.sync_copy(zrows, acc_s.at[pl.ds(sid * NPT + k * 128, 128)])
    pltpu.sync_copy(y_hbm.at[pl.ds(sid * NPT, NPT)],
                    y_s.at[pl.ds(sid * NPT, NPT)])
    plsc.subcore_barrier()

    _copy_edges(ei, 0, wid * EPW, srcblk, last)
    _copy_edges(ei, 1, wid * EPW, dstblk, last)

    for b in range(2):
        pltpu.async_copy(y_s.at[srcblk.at[pl.ds(b * 128, 128)]], rows.at[b],
                         sems[b])

    def body(jj, carry):
        for b in range(2):
            j = jj * 2 + b
            pltpu.make_async_copy(y_s.at[srcblk.at[pl.ds(0, 128)]],
                                  rows.at[b], sems[b]).wait()
            pltpu.sync_copy(rows.at[b],
                            acc_s.at[dstblk.at[pl.ds(j * 128, 128)]],
                            add=True)

            @pl.when(j + 2 < nch)
            def _():
                pltpu.async_copy(
                    y_s.at[srcblk.at[pl.ds((j + 2) * 128, 128)]],
                    rows.at[b], sems[b])

        return carry

    lax.fori_loop(0, (nch - 1) // 2, body, 0, unroll=False)

    def tail(j, carry):
        pltpu.make_async_copy(y_s.at[srcblk.at[pl.ds(0, 128)]],
                              rows.at[0], sems[0]).wait()
        pltpu.sync_copy(rows.at[0],
                        acc_s.at[dstblk.at[pl.ds(j * 128, 128)]],
                        add=True)
        return carry

    lax.fori_loop(nch - 1, nch, tail, 0)
    plsc.subcore_barrier()
    for k in range(5):
        pltpu.sync_copy(acc_s.at[pl.ds(sid * NPT + k * 128, 128)],
                        acc_out.at[cid].at[pl.ds(sid * NPT + k * 128, 128)])


def _tc_d_body(acc_ref, t1_ref, dinv_ref, w2_ref, b2_ref, v_ref, t2_ref):
    dinv = dinv_ref[...]
    agg = acc_ref[0] + acc_ref[1]
    h = jnp.maximum(agg * dinv + t1_ref[...], 0.0)
    u = jnp.dot(h, w2_ref[...], preferred_element_type=jnp.float32)
    v_ref[...] = dinv * u
    t2_ref[...] = dinv * dinv * u + b2_ref[...][None, :]


_tc_d = pl.pallas_call(
    _tc_d_body,
    out_shape=(
        jax.ShapeDtypeStruct((NP, 1), jnp.float32),
        jax.ShapeDtypeStruct((NP, 1), jnp.float32),
    ),
)


@functools.partial(
    pl.kernel,
    out_type=jax.ShapeDtypeStruct((2, GP), jnp.float32),
    mesh=_mesh,
    compiler_params=_sc_params,
    scratch_types=[
        pltpu.VMEM((NP,), jnp.float32),
        pltpu.VMEM((EPW,), jnp.int32),
        pltpu.VMEM((EPW,), jnp.int32),
        pltpu.VMEM((128,), jnp.float32),
        pltpu.VMEM((128,), jnp.float32),
        pltpu.VMEM((NP,), jnp.float32),
        pltpu.VMEM((NP,), jnp.float32),
        pltpu.VMEM((NP,), jnp.float32),
        pltpu.VMEM((8, 16), jnp.int32),
        pltpu.VMEM((GP,), jnp.float32),
        pltpu.VMEM_SHARED((NP,), jnp.float32),
    ],
)
def _sc_e(v_hbm, ei, dinv_hbm, t2_hbm, idx_hbm, out_hbm,
          vloc, srcblk, dstblk, vals, zeros_v, qloc, dloc, tloc, iloc,
          oloc, q_s):
    cid = lax.axis_index("c")
    sid = lax.axis_index("s")
    wid = cid * 16 + sid
    last = wid == 31
    nch = jnp.where(last, LASTC, CPW)

    for k in range(8):
        zeros_v[pl.ds(k * 16, 16)] = jnp.zeros((16,), jnp.float32)
    for k in range(5):
        pltpu.sync_copy(zeros_v, q_s.at[pl.ds(sid * NPT + k * 128, 128)])
    plsc.subcore_barrier()

    pltpu.sync_copy(v_hbm, vloc)
    _copy_edges(ei, 0, wid * EPW, srcblk, last)
    _copy_edges(ei, 1, wid * EPW, dstblk, last)
    zi = jnp.zeros((16,), jnp.int32)

    def body(j, carry):
        for k in range(8):
            iv = srcblk[pl.ds(j * 128 + k * 16, 16)]
            vv = plsc.load_gather(vloc, [iv])
            vals[pl.ds(k * 16, 16)] = vv
        pltpu.sync_copy(vals, q_s.at[dstblk.at[pl.ds(j * 128, 128)]],
                        add=True)
        return carry

    lax.fori_loop(0, nch, body, 0)
    plsc.subcore_barrier()

    @pl.when(sid == 0)
    def _():
        pltpu.sync_copy(q_s, qloc)
        pltpu.sync_copy(dinv_hbm, dloc)
        pltpu.sync_copy(idx_hbm, iloc)

        @pl.when(cid == 0)
        def _():
            pltpu.sync_copy(t2_hbm, tloc)

        for k in range(8):
            ii = iloc[k]
            qv = plsc.load_gather(qloc, [ii])
            dv = plsc.load_gather(dloc, [ii])
            oloc[pl.ds(k * 16, 16)] = dv * qv

        @pl.when(cid == 0)
        def _():
            for k in range(8):
                ii = iloc[k]
                tv = plsc.load_gather(tloc, [ii])
                oloc[pl.ds(k * 16, 16)] = oloc[pl.ds(k * 16, 16)] + tv
        pltpu.sync_copy(oloc, out_hbm.at[cid])


def kernel(x, edge_index, batch, W1, b1, W2, b2):
    ei = edge_index.astype(jnp.int32)
    batch_h = batch.astype(jnp.int32)

    degp, bc = _sc_a(ei, batch_h)
    y, t1, dinv, idx = _tc_b(x, W1, b1, degp.reshape(2, NP, 1),
                             bc.reshape(1, GP))
    acc = _sc_c(y, ei)
    v, t2 = _tc_d(acc, t1, dinv, W2, b2)
    outp = _sc_e(v.reshape(NP), ei, dinv.reshape(NP), t2.reshape(NP),
                 idx.reshape(8, 16))
    return (outp[0] + outp[1])[:G]

# --- scband reference (transcript-rebuilt; emitter-appended) ---
"""Pipeline reference for scband-gene-expression-gnn-79087527789063 (READ-ONLY COPY).

The authoritative reference and input builder live on the scoring server;
editing this copy changes nothing except your own understanding.
"""

import jax, jax.numpy as jnp
import numpy as np

N_NODES = 10000
N_EDGES = 320000
IN_CH = 128
HID_CH = 64
NUM_GRAPHS = 100


def setup_inputs(seed: int = 0) -> dict:
    key = jax.random.key(seed)
    k1, k2, k3, k4, k5, k6, k7, k8 = jax.random.split(key, 8)
    x = jax.random.normal(k1, (N_NODES, IN_CH), dtype=jnp.float32)
    edge_index = jax.random.randint(k2, (2, N_EDGES), 0, N_NODES, dtype=jnp.int64)
    batch = jnp.sort(jax.random.randint(k3, (N_NODES,), 0, NUM_GRAPHS, dtype=jnp.int64))
    W1 = jax.random.normal(k4, (IN_CH, HID_CH), dtype=jnp.float32) * (1.0 / np.sqrt(IN_CH))
    b1 = jnp.zeros((HID_CH,), dtype=jnp.float32)
    W2 = jax.random.normal(k5, (HID_CH, 1), dtype=jnp.float32) * (1.0 / np.sqrt(HID_CH))
    b2 = jnp.zeros((1,), dtype=jnp.float32)
    return {"x": x, "edge_index": edge_index, "batch": batch, "W1": W1, "b1": b1, "W2": W2, "b2": b2}


def gcn_conv(x, edge_index, W, b, num_nodes):
    # GCNConv: add self-loops, symmetric normalization, linear transform, scatter-add aggregate
    loop = jnp.arange(num_nodes, dtype=edge_index.dtype)
    src = jnp.concatenate([edge_index[0], loop])
    dst = jnp.concatenate([edge_index[1], loop])
    deg = jnp.zeros((num_nodes,), dtype=jnp.float32).at[dst].add(1.0)
    dinv = jnp.where(deg > 0, deg ** -0.5, 0.0)
    norm = dinv[src] * dinv[dst]
    xw = x @ W
    msgs = xw[src] * norm[:, None]
    out = jnp.zeros((num_nodes, W.shape[1]), dtype=x.dtype).at[dst].add(msgs)
    return out + b


def reference(x, edge_index, batch, W1, b1, W2, b2):
    num_nodes = x.shape[0]
    h = gcn_conv(x, edge_index, W1, b1, num_nodes)
    h = jax.nn.relu(h)
    h = gcn_conv(h, edge_index, W2, b2, num_nodes)
    num_nodes_per_graph = jnp.bincount(batch, length=NUM_GRAPHS)
    cumsum_nodes = jnp.cumsum(num_nodes_per_graph, axis=0)
    big_node_indices = cumsum_nodes - 1
    gene_node_embeddings = h[big_node_indices]
    gene_expression_pred = jnp.squeeze(gene_node_embeddings)
    return gene_expression_pred

if __name__ == "__main__":
    import jax
    _d = setup_inputs()
    print(jax.jit(kernel)(*tuple(_d.values())))

</pallas_src>

<mosaic_0001>
#map = affine_map<(d0, d1) -> (0, 0)>
#map1 = affine_map<(d0, d1) -> (0)>
module attributes {stable_mosaic.version = 14 : i64} {
  func.func @_sc_a(%arg0: i32, %arg1: i32, %arg2: memref<2x320000xi32, #tpu.memory_space<hbm>>, %arg3: memref<10000xi32, #tpu.memory_space<hbm>>, %arg4: memref<2x10240xf32, #tpu.memory_space<hbm>>, %arg5: memref<128xf32, #tpu.memory_space<hbm>>, %arg6: memref<10112xi32, #tpu.memory_space<vmem>>, %arg7: memref<640xi32, #tpu.memory_space<vmem>>, %arg8: memref<128xf32, #tpu.memory_space<vmem>>, %arg9: memref<128xf32, #tpu.memory_space<vmem>>, %arg10: memref<10240xf32, #tpu.memory_space<vmem_shared>>, %arg11: memref<128xf32, #tpu.memory_space<vmem_shared>>) attributes {dimension_semantics = [#tpu.dimension_semantics<core_parallel>, #tpu.dimension_semantics<subcore_parallel>], iteration_bounds = array<i64: 2, 16>, scalar_prefetch = 0 : i64, scratch_operands = 6 : i64, tpu.core_type = #tpu.core_type<sc_vector_subcore>, window_params = [{transform_indices = #map}, {transform_indices = #map1}, {transform_indices = #map}, {transform_indices = #map1}]} {
    %mul3A = arith.constant 16 : i32
    %mul3A_0 = arith.muli %arg0, %mul3A : i32
    %add3A = arith.addi %mul3A_0, %arg1 : i32
    %eq3A = arith.constant 31 : i32
    %eq3A_1 = arith.cmpi eq, %add3A, %eq3A : i32
    %jit3A = arith.constant 51 : i32
    %jit3A_2 = arith.constant 79 : i32
    %select_n3A = arith.select %eq3A_1, %jit3A, %jit3A_2 : i32
    %broadcast_in_dim3A = arith.constant 1.000000e+00 : f32
    %broadcast_in_dim3A_3 = vector.broadcast %broadcast_in_dim3A : f32 to vector<16xf32>
    %swap3A = arith.constant 0 : index
    %swap3A_4 = tpu.vector_load %arg8[%swap3A] {strides = array<i32>} : memref<128xf32, #tpu.memory_space<vmem>>, vector<16xf32>,
    tpu.vector_store %arg8[%swap3A], %broadcast_in_dim3A_3 {strides = array<i32>} : memref<128xf32, #tpu.memory_space<vmem>>, vector<16xf32>,
    %broadcast_in_dim3A_5 = arith.constant 0.000000e+00 : f32
    %broadcast_in_dim3A_6 = vector.broadcast %broadcast_in_dim3A_5 : f32 to vector<16xf32>
    %swap3A_7 = arith.constant 0 : index
    %swap3A_8 = tpu.vector_load %arg9[%swap3A_7] {strides = array<i32>} : memref<128xf32, #tpu.memory_space<vmem>>, vector<16xf32>,
    tpu.vector_store %arg9[%swap3A_7], %broadcast_in_dim3A_6 {strides = array<i32>} : memref<128xf32, #tpu.memory_space<vmem>>, vector<16xf32>,
    %broadcast_in_dim3A_9 = arith.constant 1.000000e+00 : f32
    %broadcast_in_dim3A_10 = vector.broadcast %broadcast_in_dim3A_9 : f32 to vector<16xf32>
    %swap3A_11 = arith.constant 16 : index
    %swap3A_12 = tpu.vector_load %arg8[%swap3A_11] {strides = array<i32>} : memref<128xf32, #tpu.memory_space<vmem>>, vector<16xf32>,
    tpu.vector_store %arg8[%swap3A_11], %broadcast_in_dim3A_10 {strides = array<i32>} : memref<128xf32, #tpu.memory_space<vmem>>, vector<16xf32>,
    %broadcast_in_dim3A_13 = arith.constant 0.000000e+00 : f32
    %broadcast_in_dim3A_14 = vector.broadcast %broadcast_in_dim3A_13 : f32 to vector<16xf32>
    %swap3A_15 = arith.constant 16 : index
    %swap3A_16 = tpu.vector_load %arg9[%swap3A_15] {strides = array<i32>} : memref<128xf32, #tpu.memory_space<vmem>>, vector<16xf32>,
    tpu.vector_store %arg9[%swap3A_15], %broadcast_in_dim3A_14 {strides = array<i32>} : memref<128xf32, #tpu.memory_space<vmem>>, vector<16xf32>,
    %broadcast_in_dim3A_17 = arith.constant 1.000000e+00 : f32
    %broadcast_in_dim3A_18 = vector.broadcast %broadcast_in_dim3A_17 : f32 to vector<16xf32>
    %swap3A_19 = arith.constant 32 : index
    %swap3A_20 = tpu.vector_load %arg8[%swap3A_19] {strides = array<i32>} : memref<128xf32, #tpu.memory_space<vmem>>, vector<16xf32>,
    tpu.vector_store %arg8[%swap3A_19], %broadcast_in_dim3A_18 {strides = array<i32>} : memref<128xf32, #tpu.memory_space<vmem>>, vector<16xf32>,
    %broadcast_in_dim3A_21 = arith.constant 0.000000e+00 : f32
    %broadcast_in_dim3A_22 = vector.broadcast %broadcast_in_dim3A_21 : f32 to vector<16xf32>
    %swap3A_23 = arith.constant 32 : index
    %swap3A_24 = tpu.vector_load %arg9[%swap3A_23] {strides = array<i32>} : memref<128xf32, #tpu.memory_space<vmem>>, vector<16xf32>,
    tpu.vector_store %arg9[%swap3A_23], %broadcast_in_dim3A_22 {strides = array<i32>} : memref<128xf32, #tpu.memory_space<vmem>>, vector<16xf32>,
    %broadcast_in_dim3A_25 = arith.constant 1.000000e+00 : f32
    %broadcast_in_dim3A_26 = vector.broadcast %broadcast_in_dim3A_25 : f32 to vector<16xf32>
    %swap3A_27 = arith.constant 48 : index
    %swap3A_28 = tpu.vector_load %arg8[%swap3A_27] {strides = array<i32>} : memref<128xf32, #tpu.memory_space<vmem>>, vector<16xf32>,
    tpu.vector_store %arg8[%swap3A_27], %broadcast_in_dim3A_26 {strides = array<i32>} : memref<128xf32, #tpu.memory_space<vmem>>, vector<16xf32>,
    %broadcast_in_dim3A_29 = arith.constant 0.000000e+00 : f32
    %broadcast_in_dim3A_30 = vector.broadcast %broadcast_in_dim3A_29 : f32 to vector<16xf32>
    %swap3A_31 = arith.constant 48 : index
    %swap3A_32 = tpu.vector_load %arg9[%swap3A_31] {strides = array<i32>} : memref<128xf32, #tpu.memory_space<vmem>>, vector<16xf32>,
    tpu.vector_store %arg9[%swap3A_31], %broadcast_in_dim3A_30 {strides = array<i32>} : memref<128xf32, #tpu.memory_space<vmem>>, vector<16xf32>,
    %broadcast_in_dim3A_33 = arith.constant 1.000000e+00 : f32
    %broadcast_in_dim3A_34 = vector.broadcast %broadcast_in_dim3A_33 : f32 to vector<16xf32>
    %swap3A_35 = arith.constant 64 : index
    %swap3A_36 = tpu.vector_load %arg8[%swap3A_35] {strides = array<i32>} : memref<128xf32, #tpu.memory_space<vmem>>, vector<16xf32>,
    tpu.vector_store %arg8[%swap3A_35], %broadcast_in_dim3A_34 {strides = array<i32>} : memref<128xf32, #tpu.memory_space<vmem>>, vector<16xf32>,
    %broadcast_in_dim3A_37 = arith.constant 0.000000e+00 : f32
    %broadcast_in_dim3A_38 = vector.broadcast %broadcast_in_dim3A_37 : f32 to vector<16xf32>
    %swap3A_39 = arith.constant 64 : index
    %swap3A_40 = tpu.vector_load %arg9[%swap3A_39] {strides = array<i32>} : memref<128xf32, #tpu.memory_space<vmem>>, vector<16xf32>,
    tpu.vector_store %arg9[%swap3A_39], %broadcast_in_dim3A_38 {strides = array<i32>} : memref<128xf32, #tpu.memory_space<vmem>>, vector<16xf32>,
    %broadcast_in_dim3A_41 = arith.constant 1.000000e+00 : f32
    %broadcast_in_dim3A_42 = vector.broadcast %broadcast_in_dim3A_41 : f32 to vector<16xf32>
    %swap3A_43 = arith.constant 80 : index
    %swap3A_44 = tpu.vector_load %arg8[%swap3A_43] {strides = array<i32>} : memref<128xf32, #tpu.memory_space<vmem>>, vector<16xf32>,
    tpu.vector_store %arg8[%swap3A_43], %broadcast_in_dim3A_42 {strides = array<i32>} : memref<128xf32, #tpu.memory_space<vmem>>, vector<16xf32>,
    %broadcast_in_dim3A_45 = arith.constant 0.000000e+00 : f32
    %broadcast_in_dim3A_46 = vector.broadcast %broadcast_in_dim3A_45 : f32 to vector<16xf32>
    %swap3A_47 = arith.constant 80 : index
    %swap3A_48 = tpu.vector_load %arg9[%swap3A_47] {strides = array<i32>} : memref<128xf32, #tpu.memory_space<vmem>>, vector<16xf32>,
    tpu.vector_store %arg9[%swap3A_47], %broadcast_in_dim3A_46 {strides = array<i32>} : memref<128xf32, #tpu.memory_space<vmem>>, vector<16xf32>,
    %broadcast_in_dim3A_49 = arith.constant 1.000000e+00 : f32
    %broadcast_in_dim3A_50 = vector.broadcast %broadcast_in_dim3A_49 : f32 to vector<16xf32>
    %swap3A_51 = arith.constant 96 : index
    %swap3A_52 = tpu.vector_load %arg8[%swap3A_51] {strides = array<i32>} : memref<128xf32, #tpu.memory_space<vmem>>, vector<16xf32>,
    tpu.vector_store %arg8[%swap3A_51], %broadcast_in_dim3A_50 {strides = array<i32>} : memref<128xf32, #tpu.memory_space<vmem>>, vector<16xf32>,
    %broadcast_in_dim3A_53 = arith.constant 0.000000e+00 : f32
    %broadcast_in_dim3A_54 = vector.broadcast %broadcast_in_dim3A_53 : f32 to vector<16xf32>
    %swap3A_55 = arith.constant 96 : index
    %swap3A_56 = tpu.vector_load %arg9[%swap3A_55] {strides = array<i32>} : memref<128xf32, #tpu.memory_space<vmem>>, vector<16xf32>,
    tpu.vector_store %arg9[%swap3A_55], %broadcast_in_dim3A_54 {strides = array<i32>} : memref<128xf32, #tpu.memory_space<vmem>>, vector<16xf32>,
    %broadcast_in_dim3A_57 = arith.constant 1.000000e+00 : f32
    %broadcast_in_dim3A_58 = vector.broadcast %broadcast_in_dim3A_57 : f32 to vector<16xf32>
    %swap3A_59 = arith.constant 112 : index
    %swap3A_60 = tpu.vector_load %arg8[%swap3A_59] {strides = array<i32>} : memref<128xf32, #tpu.memory_space<vmem>>, vector<16xf32>,
    tpu.vector_store %arg8[%swap3A_59], %broadcast_in_dim3A_58 {strides = array<i32>} : memref<128xf32, #tpu.memory_space<vmem>>, vector<16xf32>,
    %broadcast_in_dim3A_61 = arith.constant 0.000000e+00 : f32
    %broadcast_in_dim3A_62 = vector.broadcast %broadcast_in_dim3A_61 : f32 to vector<16xf32>
    %swap3A_63 = arith.constant 112 : index
    %swap3A_64 = tpu.vector_load %arg9[%swap3A_63] {strides = array<i32>} : memref<128xf32, #tpu.memory_space<vmem>>, vector<16xf32>,
    tpu.vector_store %arg9[%swap3A_63], %broadcast_in_dim3A_62 {strides = array<i32>} : memref<128xf32, #tpu.memory_space<vmem>>, vector<16xf32>,
    %mul3A_65 = arith.constant 640 : i32
    %mul3A_66 = arith.muli %arg1, %mul3A_65 : i32
    %add3A_67 = arith.constant 0 : i32
    %add3A_68 = arith.addi %mul3A_66, %add3A_67 : i32
    "tpu.region"() ({
      %run_scoped3A = tpu.sem_alloc : memref<!tpu.dma_semaphore, #tpu.memory_space<semaphore_mem>>
      %dma_start3A = tpu.memref_slice %arg10[%add3A_68] : memref<10240xf32, #tpu.memory_space<vmem_shared>> -> memref<128xf32, #tpu.memory_space<vmem_shared>>
      %dma_start3A_136 = tpu.memref_slice %arg10[%add3A_68] : memref<10240xf32, #tpu.memory_space<vmem_shared>> -> memref<128xf32, #tpu.memory_space<vmem_shared>>
      tpu.enqueue_dma source(%arg9 : memref<128xf32, #tpu.memory_space<vmem>>) target(%dma_start3A_136 : memref<128xf32, #tpu.memory_space<vmem_shared>>) target_semaphore(%run_scoped3A : memref<!tpu.dma_semaphore, #tpu.memory_space<semaphore_mem>>)
      %dma_wait3A = tpu.memref_slice %arg10[%add3A_68] : memref<10240xf32, #tpu.memory_space<vmem_shared>> -> memref<128xf32, #tpu.memory_space<vmem_shared>>
      %dma_wait3A_137 = tpu.memref_slice %arg10[%add3A_68] : memref<10240xf32, #tpu.memory_space<vmem_shared>> -> memref<128xf32, #tpu.memory_space<vmem_shared>>
      tpu.wait_dma2 semaphore(%run_scoped3A : memref<!tpu.dma_semaphore, #tpu.memory_space<semaphore_mem>>) src(%arg9 : memref<128xf32, #tpu.memory_space<vmem>>) dst(%dma_wait3A_137 : memref<128xf32, #tpu.memory_space<vmem_shared>>)
      tpu.yield
    }) : () -> ()
    %mul3A_69 = arith.constant 640 : i32
    %mul3A_70 = arith.muli %arg1, %mul3A_69 : i32
    %add3A_71 = arith.constant 128 : i32
    %add3A_72 = arith.addi %mul3A_70, %add3A_71 : i32
    "tpu.region"() ({
      %run_scoped3A = tpu.sem_alloc : memref<!tpu.dma_semaphore, #tpu.memory_space<semaphore_mem>>
      %dma_start3A = tpu.memref_slice %arg10[%add3A_72] : memref<10240xf32, #tpu.memory_space<vmem_shared>> -> memref<128xf32, #tpu.memory_space<vmem_shared>>
      %dma_start3A_136 = tpu.memref_slice %arg10[%add3A_72] : memref<10240xf32, #tpu.memory_space<vmem_shared>> -> memref<128xf32, #tpu.memory_space<vmem_shared>>
      tpu.enqueue_dma source(%arg9 : memref<128xf32, #tpu.memory_space<vmem>>) target(%dma_start3A_136 : memref<128xf32, #tpu.memory_space<vmem_shared>>) target_semaphore(%run_scoped3A : memref<!tpu.dma_semaphore, #tpu.memory_space<semaphore_mem>>)
      %dma_wait3A = tpu.memref_slice %arg10[%add3A_72] : memref<10240xf32, #tpu.memory_space<vmem_shared>> -> memref<128xf32, #tpu.memory_space<vmem_shared>>
      %dma_wait3A_137 = tpu.memref_slice %arg10[%add3A_72] : memref<10240xf32, #tpu.memory_space<vmem_shared>> -> memref<128xf32, #tpu.memory_space<vmem_shared>>
      tpu.wait_dma2 semaphore(%run_scoped3A : memref<!tpu.dma_semaphore, #tpu.memory_space<semaphore_mem>>) src(%arg9 : memref<128xf32, #tpu.memory_space<vmem>>) dst(%dma_wait3A_137 : memref<128xf32, #tpu.memory_space<vmem_shared>>)
      tpu.yield
    }) : () -> ()
    %mul3A_73 = arith.constant 640 : i32
    %mul3A_74 = arith.muli %arg1, %mul3A_73 : i32
    %add3A_75 = arith.constant 256 : i32
    %add3A_76 = arith.addi %mul3A_74, %add3A_75 : i32
    "tpu.region"() ({
      %run_scoped3A = tpu.sem_alloc : memref<!tpu.dma_semaphore, #tpu.memory_space<semaphore_mem>>
      %dma_start3A = tpu.memref_slice %arg10[%add3A_76] : memref<10240xf32, #tpu.memory_space<vmem_shared>> -> memref<128xf32, #tpu.memory_space<vmem_shared>>
      %dma_start3A_136 = tpu.memref_slice %arg10[%add3A_76] : memref<10240xf32, #tpu.memory_space<vmem_shared>> -> memref<128xf32, #tpu.memory_space<vmem_shared>>
      tpu.enqueue_dma source(%arg9 : memref<128xf32, #tpu.memory_space<vmem>>) target(%dma_start3A_136 : memref<128xf32, #tpu.memory_space<vmem_shared>>) target_semaphore(%run_scoped3A : memref<!tpu.dma_semaphore, #tpu.memory_space<semaphore_mem>>)
      %dma_wait3A = tpu.memref_slice %arg10[%add3A_76] : memref<10240xf32, #tpu.memory_space<vmem_shared>> -> memref<128xf32, #tpu.memory_space<vmem_shared>>
      %dma_wait3A_137 = tpu.memref_slice %arg10[%add3A_76] : memref<10240xf32, #tpu.memory_space<vmem_shared>> -> memref<128xf32, #tpu.memory_space<vmem_shared>>
      tpu.wait_dma2 semaphore(%run_scoped3A : memref<!tpu.dma_semaphore, #tpu.memory_space<semaphore_mem>>) src(%arg9 : memref<128xf32, #tpu.memory_space<vmem>>) dst(%dma_wait3A_137 : memref<128xf32, #tpu.memory_space<vmem_shared>>)
      tpu.yield
    }) : () -> ()
    %mul3A_77 = arith.constant 640 : i32
    %mul3A_78 = arith.muli %arg1, %mul3A_77 : i32
    %add3A_79 = arith.constant 384 : i32
    %add3A_80 = arith.addi %mul3A_78, %add3A_79 : i32
    "tpu.region"() ({
      %run_scoped3A = tpu.sem_alloc : memref<!tpu.dma_semaphore, #tpu.memory_space<semaphore_mem>>
      %dma_start3A = tpu.memref_slice %arg10[%add3A_80] : memref<10240xf32, #tpu.memory_space<vmem_shared>> -> memref<128xf32, #tpu.memory_space<vmem_shared>>
      %dma_start3A_136 = tpu.memref_slice %arg10[%add3A_80] : memref<10240xf32, #tpu.memory_space<vmem_shared>> -> memref<128xf32, #tpu.memory_space<vmem_shared>>
      tpu.enqueue_dma source(%arg9 : memref<128xf32, #tpu.memory_space<vmem>>) target(%dma_start3A_136 : memref<128xf32, #tpu.memory_space<vmem_shared>>) target_semaphore(%run_scoped3A : memref<!tpu.dma_semaphore, #tpu.memory_space<semaphore_mem>>)
      %dma_wait3A = tpu.memref_slice %arg10[%add3A_80] : memref<10240xf32, #tpu.memory_space<vmem_shared>> -> memref<128xf32, #tpu.memory_space<vmem_shared>>
      %dma_wait3A_137 = tpu.memref_slice %arg10[%add3A_80] : memref<10240xf32, #tpu.memory_space<vmem_shared>> -> memref<128xf32, #tpu.memory_space<vmem_shared>>
      tpu.wait_dma2 semaphore(%run_scoped3A : memref<!tpu.dma_semaphore, #tpu.memory_space<semaphore_mem>>) src(%arg9 : memref<128xf32, #tpu.memory_space<vmem>>) dst(%dma_wait3A_137 : memref<128xf32, #tpu.memory_space<vmem_shared>>)
      tpu.yield
    }) : () -> ()
    %mul3A_81 = arith.constant 640 : i32
    %mul3A_82 = arith.muli %arg1, %mul3A_81 : i32
    %add3A_83 = arith.constant 512 : i32
    %add3A_84 = arith.addi %mul3A_82, %add3A_83 : i32
    "tpu.region"() ({
      %run_scoped3A = tpu.sem_alloc : memref<!tpu.dma_semaphore, #tpu.memory_space<semaphore_mem>>
      %dma_start3A = tpu.memref_slice %arg10[%add3A_84] : memref<10240xf32, #tpu.memory_space<vmem_shared>> -> memref<128xf32, #tpu.memory_space<vmem_shared>>
      %dma_start3A_136 = tpu.memref_slice %arg10[%add3A_84] : memref<10240xf32, #tpu.memory_space<vmem_shared>> -> memref<128xf32, #tpu.memory_space<vmem_shared>>
      tpu.enqueue_dma source(%arg9 : memref<128xf32, #tpu.memory_space<vmem>>) target(%dma_start3A_136 : memref<128xf32, #tpu.memory_space<vmem_shared>>) target_semaphore(%run_scoped3A : memref<!tpu.dma_semaphore, #tpu.memory_space<semaphore_mem>>)
      %dma_wait3A = tpu.memref_slice %arg10[%add3A_84] : memref<10240xf32, #tpu.memory_space<vmem_shared>> -> memref<128xf32, #tpu.memory_space<vmem_shared>>
      %dma_wait3A_137 = tpu.memref_slice %arg10[%add3A_84] : memref<10240xf32, #tpu.memory_space<vmem_shared>> -> memref<128xf32, #tpu.memory_space<vmem_shared>>
      tpu.wait_dma2 semaphore(%run_scoped3A : memref<!tpu.dma_semaphore, #tpu.memory_space<semaphore_mem>>) src(%arg9 : memref<128xf32, #tpu.memory_space<vmem>>) dst(%dma_wait3A_137 : memref<128xf32, #tpu.memory_space<vmem_shared>>)
      tpu.yield
    }) : () -> ()
    %eq3A_85 = arith.constant 1 : i32
    %eq3A_86 = arith.cmpi eq, %arg0, %eq3A_85 : i32
    %eq3A_87 = arith.constant 0 : i32
    %eq3A_88 = arith.cmpi eq, %arg1, %eq3A_87 : i32
    %and3A = arith.andi %eq3A_86, %eq3A_88 : i1
    %convert_element_type3A = arith.extui %and3A : i1 to i32
    %cond3A = arith.constant 0 : i32
    %cond3A_89 = arith.cmpi ne, %convert_element_type3A, %cond3A : i32
    scf.if %cond3A_89 {
      "tpu.region"() ({
        %run_scoped3A = tpu.sem_alloc : memref<!tpu.dma_semaphore, #tpu.memory_space<semaphore_mem>>
        tpu.enqueue_dma source(%arg9 : memref<128xf32, #tpu.memory_space<vmem>>) target(%arg11 : memref<128xf32, #tpu.memory_space<vmem_shared>>) target_semaphore(%run_scoped3A : memref<!tpu.dma_semaphore, #tpu.memory_space<semaphore_mem>>)
        tpu.wait_dma2 semaphore(%run_scoped3A : memref<!tpu.dma_semaphore, #tpu.memory_space<semaphore_mem>>) src(%arg9 : memref<128xf32, #tpu.memory_space<vmem>>) dst(%arg11 : memref<128xf32, #tpu.memory_space<vmem_shared>>)
        tpu.yield
      }) : () -> ()
    } else {
    }
    %barrier3A = arith.constant 0 : index
    tpu.barrier barrier_id(%barrier3A)
    %mul3A_90 = arith.constant 10112 : i32
    %mul3A_91 = arith.muli %add3A, %mul3A_90 : i32
    %not3A = arith.constant true
    %not3A_92 = arith.xori %eq3A_1, %not3A : i1
    %convert_element_type3A_93 = arith.extui %not3A_92 : i1 to i32
    %cond3A_94 = arith.constant 0 : i32
    %cond3A_95 = arith.cmpi ne, %convert_element_type3A_93, %cond3A_94 : i32
    scf.if %cond3A_95 {
      %run_scoped3A = arith.constant 1 : i32
      "tpu.region"() ({
        %run_scoped3A_136 = tpu.sem_alloc : memref<!tpu.dma_semaphore, #tpu.memory_space<semaphore_mem>>
        %dma_start3A = arith.constant 0 : i32
        %dma_start3A_137 = tpu.memref_slice %arg6[%dma_start3A] : memref<10112xi32, #tpu.memory_space<vmem>> -> memref<10112xi32, #tpu.memory_space<vmem>>
        %dma_start3A_138 = arith.constant 0 : i32
        %dma_start3A_139 = tpu.memref_slice %arg2[%run_scoped3A, %dma_start3A_138] : memref<2x320000xi32, #tpu.memory_space<hbm>> -> memref<1x320000xi32, #tpu.memory_space<hbm>>
        %dma_start3A_140 = tpu.memref_squeeze %dma_start3A_139 : memref<1x320000xi32, #tpu.memory_space<hbm>> -> memref<320000xi32, #tpu.memory_space<hbm>>
        %dma_start3A_141 = tpu.memref_slice %dma_start3A_140[%mul3A_91] : memref<320000xi32, #tpu.memory_space<hbm>> -> memref<10112xi32, #tpu.memory_space<hbm>>
        %dma_start3A_142 = arith.constant 0 : i32
        %dma_start3A_143 = tpu.memref_slice %arg6[%dma_start3A_142] : memref<10112xi32, #tpu.memory_space<vmem>> -> memref<10112xi32, #tpu.memory_space<vmem>>
        %dma_start3A_144 = arith.constant 0 : i32
        %dma_start3A_145 = tpu.memref_slice %arg2[%run_scoped3A, %dma_start3A_144] : memref<2x320000xi32, #tpu.memory_space<hbm>> -> memref<1x320000xi32, #tpu.memory_space<hbm>>
        %dma_start3A_146 = tpu.memref_squeeze %dma_start3A_145 : memref<1x320000xi32, #tpu.memory_space<hbm>> -> memref<320000xi32, #tpu.memory_space<hbm>>
        %dma_start3A_147 = tpu.memref_slice %dma_start3A_146[%mul3A_91] : memref<320000xi32, #tpu.memory_space<hbm>> -> memref<10112xi32, #tpu.memory_space<hbm>>
        tpu.enqueue_dma source(%dma_start3A_147 : memref<10112xi32, #tpu.memory_space<hbm>>) target(%dma_start3A_143 : memref<10112xi32, #tpu.memory_space<vmem>>) target_semaphore(%run_scoped3A_136 : memref<!tpu.dma_semaphore, #tpu.memory_space<semaphore_mem>>)
        %dma_wait3A = arith.constant 0 : i32
        %dma_wait3A_148 = tpu.memref_slice %arg6[%dma_wait3A] : memref<10112xi32, #tpu.memory_space<vmem>> -> memref<10112xi32, #tpu.memory_space<vmem>>
        %dma_wait3A_149 = arith.constant 0 : i32
        %dma_wait3A_150 = tpu.memref_slice %arg2[%run_scoped3A, %dma_wait3A_149] : memref<2x320000xi32, #tpu.memory_space<hbm>> -> memref<1x320000xi32, #tpu.memory_space<hbm>>
        %dma_wait3A_151 = tpu.memref_squeeze %dma_wait3A_150 : memref<1x320000xi32, #tpu.memory_space<hbm>> -> memref<320000xi32, #tpu.memory_space<hbm>>
        %dma_wait3A_152 = tpu.memref_slice %dma_wait3A_151[%mul3A_91] : memref<320000xi32, #tpu.memory_space<hbm>> -> memref<10112xi32, #tpu.memory_space<hbm>>
        %dma_wait3A_153 = arith.constant 0 : i32
        %dma_wait3A_154 = tpu.memref_slice %arg6[%dma_wait3A_153] : memref<10112xi32, #tpu.memory_space<vmem>> -> memref<10112xi32, #tpu.memory_space<vmem>>
        %dma_wait3A_155 = arith.constant 0 : i32
        %dma_wait3A_156 = tpu.memref_slice %arg2[%run_scoped3A, %dma_wait3A_155] : memref<2x320000xi32, #tpu.memory_space<hbm>> -> memref<1x320000xi32, #tpu.memory_space<hbm>>
        %dma_wait3A_157 = tpu.memref_squeeze %dma_wait3A_156 : memref<1x320000xi32, #tpu.memory_space<hbm>> -> memref<320000xi32, #tpu.memory_space<hbm>>
        %dma_wait3A_158 = tpu.memref_slice %dma_wait3A_157[%mul3A_91] : memref<320000xi32, #tpu.memory_space<hbm>> -> memref<10112xi32, #tpu.memory_space<hbm>>
        tpu.wait_dma2 semaphore(%run_scoped3A_136 : memref<!tpu.dma_semaphore, #tpu.memory_space<semaphore_mem>>) src(%dma_wait3A_158 : memref<10112xi32, #tpu.memory_space<hbm>>) dst(%dma_wait3A_154 : memref<10112xi32, #tpu.memory_space<vmem>>)
        tpu.yield
      }) : () -> ()
    } else {
    }
    %convert_element_type3A_96 = arith.extui %eq3A_1 : i1 to i32
    %cond3A_97 = arith.constant 0 : i32
    %cond3A_98 = arith.cmpi ne, %convert_element_type3A_96, %cond3A_97 : i32
    scf.if %cond3A_98 {
      %run_scoped3A = arith.constant 1 : i32
      "tpu.region"() ({
        %run_scoped3A_136 = tpu.sem_alloc : memref<!tpu.dma_semaphore, #tpu.memory_space<semaphore_mem>>
        %dma_start3A = arith.constant 0 : i32
        %dma_start3A_137 = tpu.memref_slice %arg6[%dma_start3A] : memref<10112xi32, #tpu.memory_space<vmem>> -> memref<6528xi32, #tpu.memory_space<vmem>>
        %dma_start3A_138 = arith.constant 0 : i32
        %dma_start3A_139 = tpu.memref_slice %arg2[%run_scoped3A, %dma_start3A_138] : memref<2x320000xi32, #tpu.memory_space<hbm>> -> memref<1x320000xi32, #tpu.memory_space<hbm>>
        %dma_start3A_140 = tpu.memref_squeeze %dma_start3A_139 : memref<1x320000xi32, #tpu.memory_space<hbm>> -> memref<320000xi32, #tpu.memory_space<hbm>>
        %dma_start3A_141 = tpu.memref_slice %dma_start3A_140[%mul3A_91] : memref<320000xi32, #tpu.memory_space<hbm>> -> memref<6528xi32, #tpu.memory_space<hbm>>
        %dma_start3A_142 = arith.constant 0 : i32
        %dma_start3A_143 = tpu.memref_slice %arg6[%dma_start3A_142] : memref<10112xi32, #tpu.memory_space<vmem>> -> memref<6528xi32, #tpu.memory_space<vmem>>
        %dma_start3A_144 = arith.constant 0 : i32
        %dma_start3A_145 = tpu.memref_slice %arg2[%run_scoped3A, %dma_start3A_144] : memref<2x320000xi32, #tpu.memory_space<hbm>> -> memref<1x320000xi32, #tpu.memory_space<hbm>>
        %dma_start3A_146 = tpu.memref_squeeze %dma_start3A_145 : memref<1x320000xi32, #tpu.memory_space<hbm>> -> memref<320000xi32, #tpu.memory_space<hbm>>
        %dma_start3A_147 = tpu.memref_slice %dma_start3A_146[%mul3A_91] : memref<320000xi32, #tpu.memory_space<hbm>> -> memref<6528xi32, #tpu.memory_space<hbm>>
        tpu.enqueue_dma source(%dma_start3A_147 : memref<6528xi32, #tpu.memory_space<hbm>>) target(%dma_start3A_143 : memref<6528xi32, #tpu.memory_space<vmem>>) target_semaphore(%run_scoped3A_136 : memref<!tpu.dma_semaphore, #tpu.memory_space<semaphore_mem>>)
        %dma_wait3A = arith.constant 0 : i32
        %dma_wait3A_148 = tpu.memref_slice %arg6[%dma_wait3A] : memref<10112xi32, #tpu.memory_space<vmem>> -> memref<6528xi32, #tpu.memory_space<vmem>>
        %dma_wait3A_149 = arith.constant 0 : i32
        %dma_wait3A_150 = tpu.memref_slice %arg2[%run_scoped3A, %dma_wait3A_149] : memref<2x320000xi32, #tpu.memory_space<hbm>> -> memref<1x320000xi32, #tpu.memory_space<hbm>>
        %dma_wait3A_151 = tpu.memref_squeeze %dma_wait3A_150 : memref<1x320000xi32, #tpu.memory_space<hbm>> -> memref<320000xi32, #tpu.memory_space<hbm>>
        %dma_wait3A_152 = tpu.memref_slice %dma_wait3A_151[%mul3A_91] : memref<320000xi32, #tpu.memory_space<hbm>> -> memref<6528xi32, #tpu.memory_space<hbm>>
        %dma_wait3A_153 = arith.constant 0 : i32
        %dma_wait3A_154 = tpu.memref_slice %arg6[%dma_wait3A_153] : memref<10112xi32, #tpu.memory_space<vmem>> -> memref<6528xi32, #tpu.memory_space<vmem>>
        %dma_wait3A_155 = arith.constant 0 : i32
        %dma_wait3A_156 = tpu.memref_slice %arg2[%run_scoped3A, %dma_wait3A_155] : memref<2x320000xi32, #tpu.memory_space<hbm>> -> memref<1x320000xi32, #tpu.memory_space<hbm>>
        %dma_wait3A_157 = tpu.memref_squeeze %dma_wait3A_156 : memref<1x320000xi32, #tpu.memory_space<hbm>> -> memref<320000xi32, #tpu.memory_space<hbm>>
        %dma_wait3A_158 = tpu.memref_slice %dma_wait3A_157[%mul3A_91] : memref<320000xi32, #tpu.memory_space<hbm>> -> memref<6528xi32, #tpu.memory_space<hbm>>
        tpu.wait_dma2 semaphore(%run_scoped3A_136 : memref<!tpu.dma_semaphore, #tpu.memory_space<semaphore_mem>>) src(%dma_wait3A_158 : memref<6528xi32, #tpu.memory_space<hbm>>) dst(%dma_wait3A_154 : memref<6528xi32, #tpu.memory_space<vmem>>)
        tpu.yield
      }) : () -> ()
    } else {
    }
    %while3A = arith.constant 0 : i32
    %while3A_99 = arith.constant 0 : i32
    %while3A_100 = arith.subi %select_n3A, %while3A_99 : i32
    %while3A_101 = arith.addi %while3A_99, %while3A_100 : i32
    %while3A_102 = arith.constant 1 : i32
    %while3A_103 = arith.divsi %while3A_100, %while3A_102 : i32
    %while3A_104 = arith.muli %while3A_103, %while3A_102 : i32
    %while3A_105 = arith.addi %while3A_99, %while3A_104 : i32
    %while3A_106 = arith.constant 1 : i32
    scf.for %while3A_136 = %while3A_99 to %while3A_105 step %while3A_106  : i32 {
      %mul3A_137 = arith.constant 128 : i32
      %mul3A_138 = arith.muli %while3A_136, %mul3A_137 : i32
      "tpu.region"() ({
        %run_scoped3A = tpu.sem_alloc : memref<!tpu.dma_semaphore, #tpu.memory_space<semaphore_mem>>
        %dma_start3A = tpu.memref_slice %arg6[%mul3A_138] : memref<10112xi32, #tpu.memory_space<vmem>> -> memref<128xi32, #tpu.memory_space<vmem>>
        %dma_start3A_139 = arith.constant 0 : i32
        %dma_start3A_140 = tpu.memref_slice %arg10[%dma_start3A_139] : memref<10240xf32, #tpu.memory_space<vmem_shared>> -> memref<10240xf32, #tpu.memory_space<vmem_shared>>
        tpu.enqueue_indirect_dma source(%arg8 : memref<128xf32, #tpu.memory_space<vmem>>) target(%dma_start3A_140 : memref<10240xf32, #tpu.memory_space<vmem_shared>>) offsets(%dma_start3A : memref<128xi32, #tpu.memory_space<vmem>>) semaphore(%run_scoped3A : memref<!tpu.dma_semaphore, #tpu.memory_space<semaphore_mem>>) {add = true}
        %dma_wait3A = tpu.memref_slice %arg6[%mul3A_138] : memref<10112xi32, #tpu.memory_space<vmem>> -> memref<128xi32, #tpu.memory_space<vmem>>
        %dma_wait3A_141 = arith.constant 0 : i32
        %dma_wait3A_142 = tpu.memref_slice %arg10[%dma_wait3A_141] : memref<10240xf32, #tpu.memory_space<vmem_shared>> -> memref<10240xf32, #tpu.memory_space<vmem_shared>>
        tpu.wait_indirect_dma semaphore(%run_scoped3A : memref<!tpu.dma_semaphore, #tpu.memory_space<semaphore_mem>>) src(%arg8 : memref<128xf32, #tpu.memory_space<vmem>>) dst(%dma_wait3A_142 : memref<10240xf32, #tpu.memory_space<vmem_shared>>)
        tpu.yield
      }) : () -> ()
    }
    %while3A_107 = arith.constant 1 : i32
    scf.for %while3A_136 = %while3A_105 to %while3A_101 step %while3A_107  : i32 {
      %mul3A_137 = arith.constant 128 : i32
      %mul3A_138 = arith.muli %while3A_136, %mul3A_137 : i32
      "tpu.region"() ({
        %run_scoped3A = tpu.sem_alloc : memref<!tpu.dma_semaphore, #tpu.memory_space<semaphore_mem>>
        %dma_start3A = tpu.memref_slice %arg6[%mul3A_138] : memref<10112xi32, #tpu.memory_space<vmem>> -> memref<128xi32, #tpu.memory_space<vmem>>
        %dma_start3A_139 = arith.constant 0 : i32
        %dma_start3A_140 = tpu.memref_slice %arg10[%dma_start3A_139] : memref<10240xf32, #tpu.memory_space<vmem_shared>> -> memref<10240xf32, #tpu.memory_space<vmem_shared>>
        tpu.enqueue_indirect_dma source(%arg8 : memref<128xf32, #tpu.memory_space<vmem>>) target(%dma_start3A_140 : memref<10240xf32, #tpu.memory_space<vmem_shared>>) offsets(%dma_start3A : memref<128xi32, #tpu.memory_space<vmem>>) semaphore(%run_scoped3A : memref<!tpu.dma_semaphore, #tpu.memory_space<semaphore_mem>>) {add = true}
        %dma_wait3A = tpu.memref_slice %arg6[%mul3A_138] : memref<10112xi32, #tpu.memory_space<vmem>> -> memref<128xi32, #tpu.memory_space<vmem>>
        %dma_wait3A_141 = arith.constant 0 : i32
        %dma_wait3A_142 = tpu.memref_slice %arg10[%dma_wait3A_141] : memref<10240xf32, #tpu.memory_space<vmem_shared>> -> memref<10240xf32, #tpu.memory_space<vmem_shared>>
        tpu.wait_indirect_dma semaphore(%run_scoped3A : memref<!tpu.dma_semaphore, #tpu.memory_space<semaphore_mem>>) src(%arg8 : memref<128xf32, #tpu.memory_space<vmem>>) dst(%dma_wait3A_142 : memref<10240xf32, #tpu.memory_space<vmem_shared>>)
        tpu.yield
      }) : () -> ()
    }
    %eq3A_108 = arith.constant 1 : i32
    %eq3A_109 = arith.cmpi eq, %arg0, %eq3A_108 : i32
    %lt3A = arith.constant 15 : i32
    %lt3A_110 = arith.cmpi slt, %arg1, %lt3A : i32
    %and3A_111 = arith.andi %eq3A_109, %lt3A_110 : i1
    %convert_element_type3A_112 = arith.extui %and3A_111 : i1 to i32
    %cond3A_113 = arith.constant 0 : i32
    %cond3A_114 = arith.cmpi ne, %convert_element_type3A_112, %cond3A_113 : i32
    scf.if %cond3A_114 {
      %mul3A_136 = arith.constant 640 : i32
      %mul3A_137 = arith.muli %arg1, %mul3A_136 : i32
      "tpu.region"() ({
        %run_scoped3A = tpu.sem_alloc : memref<!tpu.dma_semaphore, #tpu.memory_space<semaphore_mem>>
        %dma_start3A = tpu.memref_slice %arg3[%mul3A_137] : memref<10000xi32, #tpu.memory_space<hbm>> -> memref<640xi32, #tpu.memory_space<hbm>>
        %dma_start3A_138 = tpu.memref_slice %arg3[%mul3A_137] : memref<10000xi32, #tpu.memory_space<hbm>> -> memref<640xi32, #tpu.memory_space<hbm>>
        tpu.enqueue_dma source(%dma_start3A_138 : memref<640xi32, #tpu.memory_space<hbm>>) target(%arg7 : memref<640xi32, #tpu.memory_space<vmem>>) target_semaphore(%run_scoped3A : memref<!tpu.dma_semaphore, #tpu.memory_space<semaphore_mem>>)
        %dma_wait3A = tpu.memref_slice %arg3[%mul3A_137] : memref<10000xi32, #tpu.memory_space<hbm>> -> memref<640xi32, #tpu.memory_space<hbm>>
        %dma_wait3A_139 = tpu.memref_slice %arg3[%mul3A_137] : memref<10000xi32, #tpu.memory_space<hbm>> -> memref<640xi32, #tpu.memory_space<hbm>>
        tpu.wait_dma2 semaphore(%run_scoped3A : memref<!tpu.dma_semaphore, #tpu.memory_space<semaphore_mem>>) src(%dma_wait3A_139 : memref<640xi32, #tpu.memory_space<hbm>>) dst(%arg7 : memref<640xi32, #tpu.memory_space<vmem>>)
        tpu.yield
      }) : () -> ()
      "tpu.region"() ({
        %run_scoped3A = tpu.sem_alloc : memref<!tpu.dma_semaphore, #tpu.memory_space<semaphore_mem>>
        %dma_start3A = arith.constant 0 : i32
        %dma_start3A_138 = tpu.memref_slice %arg7[%dma_start3A] : memref<640xi32, #tpu.memory_space<vmem>> -> memref<128xi32, #tpu.memory_space<vmem>>
        %dma_start3A_139 = arith.constant 0 : i32
        %dma_start3A_140 = tpu.memref_slice %arg11[%dma_start3A_139] : memref<128xf32, #tpu.memory_space<vmem_shared>> -> memref<128xf32, #tpu.memory_space<vmem_shared>>
        tpu.enqueue_indirect_dma source(%arg8 : memref<128xf32, #tpu.memory_space<vmem>>) target(%dma_start3A_140 : memref<128xf32, #tpu.memory_space<vmem_shared>>) offsets(%dma_start3A_138 : memref<128xi32, #tpu.memory_space<vmem>>) semaphore(%run_scoped3A : memref<!tpu.dma_semaphore, #tpu.memory_space<semaphore_mem>>) {add = true}
        %dma_wait3A = arith.constant 0 : i32
        %dma_wait3A_141 = tpu.memref_slice %arg7[%dma_wait3A] : memref<640xi32, #tpu.memory_space<vmem>> -> memref<128xi32, #tpu.memory_space<vmem>>
        %dma_wait3A_142 = arith.constant 0 : i32
        %dma_wait3A_143 = tpu.memref_slice %arg11[%dma_wait3A_142] : memref<128xf32, #tpu.memory_space<vmem_shared>> -> memref<128xf32, #tpu.memory_space<vmem_shared>>
        tpu.wait_indirect_dma semaphore(%run_scoped3A : memref<!tpu.dma_semaphore, #tpu.memory_space<semaphore_mem>>) src(%arg8 : memref<128xf32, #tpu.memory_space<vmem>>) dst(%dma_wait3A_143 : memref<128xf32, #tpu.memory_space<vmem_shared>>)
        tpu.yield
      }) : () -> ()
      "tpu.region"() ({
        %run_scoped3A = tpu.sem_alloc : memref<!tpu.dma_semaphore, #tpu.memory_space<semaphore_mem>>
        %dma_start3A = arith.constant 128 : i32
        %dma_start3A_138 = tpu.memref_slice %arg7[%dma_start3A] : memref<640xi32, #tpu.memory_space<vmem>> -> memref<128xi32, #tpu.memory_space<vmem>>
        %dma_start3A_139 = arith.constant 0 : i32
        %dma_start3A_140 = tpu.memref_slice %arg11[%dma_start3A_139] : memref<128xf32, #tpu.memory_space<vmem_shared>> -> memref<128xf32, #tpu.memory_space<vmem_shared>>
        tpu.enqueue_indirect_dma source(%arg8 : memref<128xf32, #tpu.memory_space<vmem>>) target(%dma_start3A_140 : memref<128xf32, #tpu.memory_space<vmem_shared>>) offsets(%dma_start3A_138 : memref<128xi32, #tpu.memory_space<vmem>>) semaphore(%run_scoped3A : memref<!tpu.dma_semaphore, #tpu.memory_space<semaphore_mem>>) {add = true}
        %dma_wait3A = arith.constant 128 : i32
        %dma_wait3A_141 = tpu.memref_slice %arg7[%dma_wait3A] : memref<640xi32, #tpu.memory_space<vmem>> -> memref<128xi32, #tpu.memory_space<vmem>>
        %dma_wait3A_142 = arith.constant 0 : i32
        %dma_wait3A_143 = tpu.memref_slice %arg11[%dma_wait3A_142] : memref<128xf32, #tpu.memory_space<vmem_shared>> -> memref<128xf32, #tpu.memory_space<vmem_shared>>
        tpu.wait_indirect_dma semaphore(%run_scoped3A : memref<!tpu.dma_semaphore, #tpu.memory_space<semaphore_mem>>) src(%arg8 : memref<128xf32, #tpu.memory_space<vmem>>) dst(%dma_wait3A_143 : memref<128xf32, #tpu.memory_space<vmem_shared>>)
        tpu.yield
      }) : () -> ()
      "tpu.region"() ({
        %run_scoped3A = tpu.sem_alloc : memref<!tpu.dma_semaphore, #tpu.memory_space<semaphore_mem>>
        %dma_start3A = arith.constant 256 : i32
        %dma_start3A_138 = tpu.memref_slice %arg7[%dma_start3A] : memref<640xi32, #tpu.memory_space<vmem>> -> memref<128xi32, #tpu.memory_space<vmem>>
        %dma_start3A_139 = arith.constant 0 : i32
        %dma_start3A_140 = tpu.memref_slice %arg11[%dma_start3A_139] : memref<128xf32, #tpu.memory_space<vmem_shared>> -> memref<128xf32, #tpu.memory_space<vmem_shared>>
        tpu.enqueue_indirect_dma source(%arg8 : memref<128xf32, #tpu.memory_space<vmem>>) target(%dma_start3A_140 : memref<128xf32, #tpu.memory_space<vmem_shared>>) offsets(%dma_start3A_138 : memref<128xi32, #tpu.memory_space<vmem>>) semaphore(%run_scoped3A : memref<!tpu.dma_semaphore, #tpu.memory_space<semaphore_mem>>) {add = true}
        %dma_wait3A = arith.constant 256 : i32
        %dma_wait3A_141 = tpu.memref_slice %arg7[%dma_wait3A] : memref<640xi32, #tpu.memory_space<vmem>> -> memref<128xi32, #tpu.memory_space<vmem>>
        %dma_wait3A_142 = arith.constant 0 : i32
        %dma_wait3A_143 = tpu.memref_slice %arg11[%dma_wait3A_142] : memref<128xf32, #tpu.memory_space<vmem_shared>> -> memref<128xf32, #tpu.memory_space<vmem_shared>>
        tpu.wait_indirect_dma semaphore(%run_scoped3A : memref<!tpu.dma_semaphore, #tpu.memory_space<semaphore_mem>>) src(%arg8 : memref<128xf32, #tpu.memory_space<vmem>>) dst(%dma_wait3A_143 : memref<128xf32, #tpu.memory_space<vmem_shared>>)
        tpu.yield
      }) : () -> ()
      "tpu.region"() ({
        %run_scoped3A = tpu.sem_alloc : memref<!tpu.dma_semaphore, #tpu.memory_space<semaphore_mem>>
        %dma_start3A = arith.constant 384 : i32
        %dma_start3A_138 = tpu.memref_slice %arg7[%dma_start3A] : memref<640xi32, #tpu.memory_space<vmem>> -> memref<128xi32, #tpu.memory_space<vmem>>
        %dma_start3A_139 = arith.constant 0 : i32
        %dma_start3A_140 = tpu.memref_slice %arg11[%dma_start3A_139] : memref<128xf32, #tpu.memory_space<vmem_shared>> -> memref<128xf32, #tpu.memory_space<vmem_shared>>
        tpu.enqueue_indirect_dma source(%arg8 : memref<128xf32, #tpu.memory_space<vmem>>) target(%dma_start3A_140 : memref<128xf32, #tpu.memory_space<vmem_shared>>) offsets(%dma_start3A_138 : memref<128xi32, #tpu.memory_space<vmem>>) semaphore(%run_scoped3A : memref<!tpu.dma_semaphore, #tpu.memory_space<semaphore_mem>>) {add = true}
        %dma_wait3A = arith.constant 384 : i32
        %dma_wait3A_141 = tpu.memref_slice %arg7[%dma_wait3A] : memref<640xi32, #tpu.memory_space<vmem>> -> memref<128xi32, #tpu.memory_space<vmem>>
        %dma_wait3A_142 = arith.constant 0 : i32
        %dma_wait3A_143 = tpu.memref_slice %arg11[%dma_wait3A_142] : memref<128xf32, #tpu.memory_space<vmem_shared>> -> memref<128xf32, #tpu.memory_space<vmem_shared>>
        tpu.wait_indirect_dma semaphore(%run_scoped3A : memref<!tpu.dma_semaphore, #tpu.memory_space<semaphore_mem>>) src(%arg8 : memref<128xf32, #tpu.memory_space<vmem>>) dst(%dma_wait3A_143 : memref<128xf32, #tpu.memory_space<vmem_shared>>)
        tpu.yield
      }) : () -> ()
      "tpu.region"() ({
        %run_scoped3A = tpu.sem_alloc : memref<!tpu.dma_semaphore, #tpu.memory_space<semaphore_mem>>
        %dma_start3A = arith.constant 512 : i32
        %dma_start3A_138 = tpu.memref_slice %arg7[%dma_start3A] : memref<640xi32, #tpu.memory_space<vmem>> -> memref<128xi32, #tpu.memory_space<vmem>>
        %dma_start3A_139 = arith.constant 0 : i32
        %dma_start3A_140 = tpu.memref_slice %arg11[%dma_start3A_139] : memref<128xf32, #tpu.memory_space<vmem_shared>> -> memref<128xf32, #tpu.memory_space<vmem_shared>>
        tpu.enqueue_indirect_dma source(%arg8 : memref<128xf32, #tpu.memory_space<vmem>>) target(%dma_start3A_140 : memref<128xf32, #tpu.memory_space<vmem_shared>>) offsets(%dma_start3A_138 : memref<128xi32, #tpu.memory_space<vmem>>) semaphore(%run_scoped3A : memref<!tpu.dma_semaphore, #tpu.memory_space<semaphore_mem>>) {add = true}
        %dma_wait3A = arith.constant 512 : i32
        %dma_wait3A_141 = tpu.memref_slice %arg7[%dma_wait3A] : memref<640xi32, #tpu.memory_space<vmem>> -> memref<128xi32, #tpu.memory_space<vmem>>
        %dma_wait3A_142 = arith.constant 0 : i32
        %dma_wait3A_143 = tpu.memref_slice %arg11[%dma_wait3A_142] : memref<128xf32, #tpu.memory_space<vmem_shared>> -> memref<128xf32, #tpu.memory_space<vmem_shared>>
        tpu.wait_indirect_dma semaphore(%run_scoped3A : memref<!tpu.dma_semaphore, #tpu.memory_space<semaphore_mem>>) src(%arg8 : memref<128xf32, #tpu.memory_space<vmem>>) dst(%dma_wait3A_143 : memref<128xf32, #tpu.memory_space<vmem_shared>>)
        tpu.yield
      }) : () -> ()
    } else {
    }
    %eq3A_115 = arith.constant 1 : i32
    %eq3A_116 = arith.cmpi eq, %arg0, %eq3A_115 : i32
    %eq3A_117 = arith.constant 15 : i32
    %eq3A_118 = arith.cmpi eq, %arg1, %eq3A_117 : i32
    %and3A_119 = arith.andi %eq3A_116, %eq3A_118 : i1
    %convert_element_type3A_120 = arith.extui %and3A_119 : i1 to i32
    %cond3A_121 = arith.constant 0 : i32
    %cond3A_122 = arith.cmpi ne, %convert_element_type3A_120, %cond3A_121 : i32
    scf.if %cond3A_122 {
      "tpu.region"() ({
        %run_scoped3A = tpu.sem_alloc : memref<!tpu.dma_semaphore, #tpu.memory_space<semaphore_mem>>
        %dma_start3A = arith.constant 0 : i32
        %dma_start3A_136 = tpu.memref_slice %arg7[%dma_start3A] : memref<640xi32, #tpu.memory_space<vmem>> -> memref<400xi32, #tpu.memory_space<vmem>>
        %dma_start3A_137 = arith.constant 9600 : i32
        %dma_start3A_138 = tpu.memref_slice %arg3[%dma_start3A_137] : memref<10000xi32, #tpu.memory_space<hbm>> -> memref<400xi32, #tpu.memory_space<hbm>>
        %dma_start3A_139 = arith.constant 0 : i32
        %dma_start3A_140 = tpu.memref_slice %arg7[%dma_start3A_139] : memref<640xi32, #tpu.memory_space<vmem>> -> memref<400xi32, #tpu.memory_space<vmem>>
        %dma_start3A_141 = arith.constant 9600 : i32
        %dma_start3A_142 = tpu.memref_slice %arg3[%dma_start3A_141] : memref<10000xi32, #tpu.memory_space<hbm>> -> memref<400xi32, #tpu.memory_space<hbm>>
        tpu.enqueue_dma source(%dma_start3A_142 : memref<400xi32, #tpu.memory_space<hbm>>) target(%dma_start3A_140 : memref<400xi32, #tpu.memory_space<vmem>>) target_semaphore(%run_scoped3A : memref<!tpu.dma_semaphore, #tpu.memory_space<semaphore_mem>>)
        %dma_wait3A = arith.constant 0 : i32
        %dma_wait3A_143 = tpu.memref_slice %arg7[%dma_wait3A] : memref<640xi32, #tpu.memory_space<vmem>> -> memref<400xi32, #tpu.memory_space<vmem>>
        %dma_wait3A_144 = arith.constant 9600 : i32
        %dma_wait3A_145 = tpu.memref_slice %arg3[%dma_wait3A_144] : memref<10000xi32, #tpu.memory_space<hbm>> -> memref<400xi32, #tpu.memory_space<hbm>>
        %dma_wait3A_146 = arith.constant 0 : i32
        %dma_wait3A_147 = tpu.memref_slice %arg7[%dma_wait3A_146] : memref<640xi32, #tpu.memory_space<vmem>> -> memref<400xi32, #tpu.memory_space<vmem>>
        %dma_wait3A_148 = arith.constant 9600 : i32
        %dma_wait3A_149 = tpu.memref_slice %arg3[%dma_wait3A_148] : memref<10000xi32, #tpu.memory_space<hbm>> -> memref<400xi32, #tpu.memory_space<hbm>>
        tpu.wait_dma2 semaphore(%run_scoped3A : memref<!tpu.dma_semaphore, #tpu.memory_space<semaphore_mem>>) src(%dma_wait3A_149 : memref<400xi32, #tpu.memory_space<hbm>>) dst(%dma_wait3A_147 : memref<400xi32, #tpu.memory_space<vmem>>)
        tpu.yield
      }) : () -> ()
      "tpu.region"() ({
        %run_scoped3A = tpu.sem_alloc : memref<!tpu.dma_semaphore, #tpu.memory_space<semaphore_mem>>
        %dma_start3A = arith.constant 0 : i32
        %dma_start3A_136 = tpu.memref_slice %arg7[%dma_start3A] : memref<640xi32, #tpu.memory_space<vmem>> -> memref<128xi32, #tpu.memory_space<vmem>>
        %dma_start3A_137 = arith.constant 0 : i32
        %dma_start3A_138 = tpu.memref_slice %arg11[%dma_start3A_137] : memref<128xf32, #tpu.memory_space<vmem_shared>> -> memref<128xf32, #tpu.memory_space<vmem_shared>>
        tpu.enqueue_indirect_dma source(%arg8 : memref<128xf32, #tpu.memory_space<vmem>>) target(%dma_start3A_138 : memref<128xf32, #tpu.memory_space<vmem_shared>>) offsets(%dma_start3A_136 : memref<128xi32, #tpu.memory_space<vmem>>) semaphore(%run_scoped3A : memref<!tpu.dma_semaphore, #tpu.memory_space<semaphore_mem>>) {add = true}
        %dma_wait3A = arith.constant 0 : i32
        %dma_wait3A_139 = tpu.memref_slice %arg7[%dma_wait3A] : memref<640xi32, #tpu.memory_space<vmem>> -> memref<128xi32, #tpu.memory_space<vmem>>
        %dma_wait3A_140 = arith.constant 0 : i32
        %dma_wait3A_141 = tpu.memref_slice %arg11[%dma_wait3A_140] : memref<128xf32, #tpu.memory_space<vmem_shared>> -> memref<128xf32, #tpu.memory_space<vmem_shared>>
        tpu.wait_indirect_dma semaphore(%run_scoped3A : memref<!tpu.dma_semaphore, #tpu.memory_space<semaphore_mem>>) src(%arg8 : memref<128xf32, #tpu.memory_space<vmem>>) dst(%dma_wait3A_141 : memref<128xf32, #tpu.memory_space<vmem_shared>>)
        tpu.yield
      }) : () -> ()
      "tpu.region"() ({
        %run_scoped3A = tpu.sem_alloc : memref<!tpu.dma_semaphore, #tpu.memory_space<semaphore_mem>>
        %dma_start3A = arith.constant 128 : i32
        %dma_start3A_136 = tpu.memref_slice %arg7[%dma_start3A] : memref<640xi32, #tpu.memory_space<vmem>> -> memref<128xi32, #tpu.memory_space<vmem>>
        %dma_start3A_137 = arith.constant 0 : i32
        %dma_start3A_138 = tpu.memref_slice %arg11[%dma_start3A_137] : memref<128xf32, #tpu.memory_space<vmem_shared>> -> memref<128xf32, #tpu.memory_space<vmem_shared>>
        tpu.enqueue_indirect_dma source(%arg8 : memref<128xf32, #tpu.memory_space<vmem>>) target(%dma_start3A_138 : memref<128xf32, #tpu.memory_space<vmem_shared>>) offsets(%dma_start3A_136 : memref<128xi32, #tpu.memory_space<vmem>>) semaphore(%run_scoped3A : memref<!tpu.dma_semaphore, #tpu.memory_space<semaphore_mem>>) {add = true}
        %dma_wait3A = arith.constant 128 : i32
        %dma_wait3A_139 = tpu.memref_slice %arg7[%dma_wait3A] : memref<640xi32, #tpu.memory_space<vmem>> -> memref<128xi32, #tpu.memory_space<vmem>>
        %dma_wait3A_140 = arith.constant 0 : i32
        %dma_wait3A_141 = tpu.memref_slice %arg11[%dma_wait3A_140] : memref<128xf32, #tpu.memory_space<vmem_shared>> -> memref<128xf32, #tpu.memory_space<vmem_shared>>
        tpu.wait_indirect_dma semaphore(%run_scoped3A : memref<!tpu.dma_semaphore, #tpu.memory_space<semaphore_mem>>) src(%arg8 : memref<128xf32, #tpu.memory_space<vmem>>) dst(%dma_wait3A_141 : memref<128xf32, #tpu.memory_space<vmem_shared>>)
        tpu.yield
      }) : () -> ()
      "tpu.region"() ({
        %run_scoped3A = tpu.sem_alloc : memref<!tpu.dma_semaphore, #tpu.memory_space<semaphore_mem>>
        %dma_start3A = arith.constant 256 : i32
        %dma_start3A_136 = tpu.memref_slice %arg7[%dma_start3A] : memref<640xi32, #tpu.memory_space<vmem>> -> memref<128xi32, #tpu.memory_space<vmem>>
        %dma_start3A_137 = arith.constant 0 : i32
        %dma_start3A_138 = tpu.memref_slice %arg11[%dma_start3A_137] : memref<128xf32, #tpu.memory_space<vmem_shared>> -> memref<128xf32, #tpu.memory_space<vmem_shared>>
        tpu.enqueue_indirect_dma source(%arg8 : memref<128xf32, #tpu.memory_space<vmem>>) target(%dma_start3A_138 : memref<128xf32, #tpu.memory_space<vmem_shared>>) offsets(%dma_start3A_136 : memref<128xi32, #tpu.memory_space<vmem>>) semaphore(%run_scoped3A : memref<!tpu.dma_semaphore, #tpu.memory_space<semaphore_mem>>) {add = true}
        %dma_wait3A = arith.constant 256 : i32
        %dma_wait3A_139 = tpu.memref_slice %arg7[%dma_wait3A] : memref<640xi32, #tpu.memory_space<vmem>> -> memref<128xi32, #tpu.memory_space<vmem>>
        %dma_wait3A_140 = arith.constant 0 : i32
        %dma_wait3A_141 = tpu.memref_slice %arg11[%dma_wait3A_140] : memref<128xf32, #tpu.memory_space<vmem_shared>> -> memref<128xf32, #tpu.memory_space<vmem_shared>>
        tpu.wait_indirect_dma semaphore(%run_scoped3A : memref<!tpu.dma_semaphore, #tpu.memory_space<semaphore_mem>>) src(%arg8 : memref<128xf32, #tpu.memory_space<vmem>>) dst(%dma_wait3A_141 : memref<128xf32, #tpu.memory_space<vmem_shared>>)
        tpu.yield
      }) : () -> ()
      "tpu.region"() ({
        %run_scoped3A = tpu.sem_alloc : memref<!tpu.dma_semaphore, #tpu.memory_space<semaphore_mem>>
        %dma_start3A = arith.constant 0 : i32
        %dma_start3A_136 = tpu.memref_slice %arg8[%dma_start3A] : memref<128xf32, #tpu.memory_space<vmem>> -> memref<16xf32, #tpu.memory_space<vmem>>
        %dma_start3A_137 = arith.constant 384 : i32
        %dma_start3A_138 = tpu.memref_slice %arg7[%dma_start3A_137] : memref<640xi32, #tpu.memory_space<vmem>> -> memref<16xi32, #tpu.memory_space<vmem>>
        %dma_start3A_139 = arith.constant 0 : i32
        %dma_start3A_140 = tpu.memref_slice %arg11[%dma_start3A_139] : memref<128xf32, #tpu.memory_space<vmem_shared>> -> memref<128xf32, #tpu.memory_space<vmem_shared>>
        tpu.enqueue_indirect_dma source(%dma_start3A_136 : memref<16xf32, #tpu.memory_space<vmem>>) target(%dma_start3A_140 : memref<128xf32, #tpu.memory_space<vmem_shared>>) offsets(%dma_start3A_138 : memref<16xi32, #tpu.memory_space<vmem>>) semaphore(%run_scoped3A : memref<!tpu.dma_semaphore, #tpu.memory_space<semaphore_mem>>) {add = true}
        %dma_wait3A = arith.constant 0 : i32
        %dma_wait3A_141 = tpu.memref_slice %arg8[%dma_wait3A] : memref<128xf32, #tpu.memory_space<vmem>> -> memref<16xf32, #tpu.memory_space<vmem>>
        %dma_wait3A_142 = arith.constant 384 : i32
        %dma_wait3A_143 = tpu.memref_slice %arg7[%dma_wait3A_142] : memref<640xi32, #tpu.memory_space<vmem>> -> memref<16xi32, #tpu.memory_space<vmem>>
        %dma_wait3A_144 = arith.constant 0 : i32
        %dma_wait3A_145 = tpu.memref_slice %arg11[%dma_wait3A_144] : memref<128xf32, #tpu.memory_space<vmem_shared>> -> memref<128xf32, #tpu.memory_space<vmem_shared>>
        tpu.wait_indirect_dma semaphore(%run_scoped3A : memref<!tpu.dma_semaphore, #tpu.memory_space<semaphore_mem>>) src(%dma_wait3A_141 : memref<16xf32, #tpu.memory_space<vmem>>) dst(%dma_wait3A_145 : memref<128xf32, #tpu.memory_space<vmem_shared>>)
        tpu.yield
      }) : () -> ()
    } else {
    }
    %barrier3A_123 = arith.constant 0 : index
    tpu.barrier barrier_id(%barrier3A_123)
    %mul3A_124 = arith.constant 640 : i32
    %mul3A_125 = arith.muli %arg1, %mul3A_124 : i32
    %mul3A_126 = arith.constant 640 : i32
    %mul3A_127 = arith.muli %arg1, %mul3A_126 : i32
    "tpu.region"() ({
      %run_scoped3A = tpu.sem_alloc : memref<!tpu.dma_semaphore, #tpu.memory_space<semaphore_mem>>
      %dma_start3A = arith.constant 0 : i32
      %dma_start3A_136 = tpu.memref_slice %arg4[%arg0, %dma_start3A] : memref<2x10240xf32, #tpu.memory_space<hbm>> -> memref<1x10240xf32, #tpu.memory_space<hbm>>
      %dma_start3A_137 = tpu.memref_squeeze %dma_start3A_136 : memref<1x10240xf32, #tpu.memory_space<hbm>> -> memref<10240xf32, #tpu.memory_space<hbm>>
      %dma_start3A_138 = tpu.memref_slice %dma_start3A_137[%mul3A_127] : memref<10240xf32, #tpu.memory_space<hbm>> -> memref<640xf32, #tpu.memory_space<hbm>>
      %dma_start3A_139 = tpu.memref_slice %arg10[%mul3A_125] : memref<10240xf32, #tpu.memory_space<vmem_shared>> -> memref<640xf32, #tpu.memory_space<vmem_shared>>
      tpu.enqueue_dma source(%dma_start3A_139 : memref<640xf32, #tpu.memory_space<vmem_shared>>) target(%dma_start3A_138 : memref<640xf32, #tpu.memory_space<hbm>>) target_semaphore(%run_scoped3A : memref<!tpu.dma_semaphore, #tpu.memory_space<semaphore_mem>>)
      %dma_wait3A = arith.constant 0 : i32
      %dma_wait3A_140 = tpu.memref_slice %arg4[%arg0, %dma_wait3A] : memref<2x10240xf32, #tpu.memory_space<hbm>> -> memref<1x10240xf32, #tpu.memory_space<hbm>>
      %dma_wait3A_141 = tpu.memref_squeeze %dma_wait3A_140 : memref<1x10240xf32, #tpu.memory_space<hbm>> -> memref<10240xf32, #tpu.memory_space<hbm>>
      %dma_wait3A_142 = tpu.memref_slice %dma_wait3A_141[%mul3A_127] : memref<10240xf32, #tpu.memory_space<hbm>> -> memref<640xf32, #tpu.memory_space<hbm>>
      %dma_wait3A_143 = tpu.memref_slice %arg10[%mul3A_125] : memref<10240xf32, #tpu.memory_space<vmem_shared>> -> memref<640xf32, #tpu.memory_space<vmem_shared>>
      tpu.wait_dma2 semaphore(%run_scoped3A : memref<!tpu.dma_semaphore, #tpu.memory_space<semaphore_mem>>) src(%dma_wait3A_143 : memref<640xf32, #tpu.memory_space<vmem_shared>>) dst(%dma_wait3A_142 : memref<640xf32, #tpu.memory_space<hbm>>)
      tpu.yield
    }) : () -> ()
    %eq3A_128 = arith.constant 1 : i32
    %eq3A_129 = arith.cmpi eq, %arg0, %eq3A_128 : i32
    %eq3A_130 = arith.constant 0 : i32
    %eq3A_131 = arith.cmpi eq, %arg1, %eq3A_130 : i32
    %and3A_132 = arith.andi %eq3A_129, %eq3A_131 : i1
    %convert_element_type3A_133 = arith.extui %and3A_132 : i1 to i32
    %cond3A_134 = arith.constant 0 : i32
    %cond3A_135 = arith.cmpi ne, %convert_element_type3A_133, %cond3A_134 : i32
    scf.if %cond3A_135 {
      "tpu.region"() ({
        %run_scoped3A = tpu.sem_alloc : memref<!tpu.dma_semaphore, #tpu.memory_space<semaphore_mem>>
        tpu.enqueue_dma source(%arg11 : memref<128xf32, #tpu.memory_space<vmem_shared>>) target(%arg5 : memref<128xf32, #tpu.memory_space<hbm>>) target_semaphore(%run_scoped3A : memref<!tpu.dma_semaphore, #tpu.memory_space<semaphore_mem>>)
        tpu.wait_dma2 semaphore(%run_scoped3A : memref<!tpu.dma_semaphore, #tpu.memory_space<semaphore_mem>>) src(%arg11 : memref<128xf32, #tpu.memory_space<vmem_shared>>) dst(%arg5 : memref<128xf32, #tpu.memory_space<hbm>>)
        tpu.yield
      }) : () -> ()
    } else {
    }
    return
  }
}

#map = affine_map<(d0, d1) -> (0)>
#map1 = affine_map<(d0, d1) -> (0, 0)>
module attributes {stable_mosaic.version = 14 : i64} {
  func.func @_sc_e(%arg0: i32, %arg1: i32, %arg2: memref<10240xf32, #tpu.memory_space<hbm>>, %arg3: memref<2x320000xi32, #tpu.memory_space<hbm>>, %arg4: memref<10240xf32, #tpu.memory_space<hbm>>, %arg5: memref<10240xf32, #tpu.memory_space<hbm>>, %arg6: memref<8x16xi32, #tpu.memory_space<hbm>>, %arg7: memref<2x128xf32, #tpu.memory_space<hbm>>, %arg8: memref<10240xf32, #tpu.memory_space<vmem>>, %arg9: memref<10112xi32, #tpu.memory_space<vmem>>, %arg10: memref<10112xi32, #tpu.memory_space<vmem>>, %arg11: memref<128xf32, #tpu.memory_space<vmem>>, %arg12: memref<128xf32, #tpu.memory_space<vmem>>, %arg13: memref<10240xf32, #tpu.memory_space<vmem>>, %arg14: memref<10240xf32, #tpu.memory_space<vmem>>, %arg15: memref<10240xf32, #tpu.memory_space<vmem>>, %arg16: memref<8x16xi32, #tpu.memory_space<vmem>>, %arg17: memref<128xf32, #tpu.memory_space<vmem>>, %arg18: memref<10240xf32, #tpu.memory_space<vmem_shared>>) attributes {dimension_semantics = [#tpu.dimension_semantics<core_parallel>, #tpu.dimension_semantics<subcore_parallel>], iteration_bounds = array<i64: 2, 16>, scalar_prefetch = 0 : i64, scratch_operands = 11 : i64, tpu.core_type = #tpu.core_type<sc_vector_subcore>, window_params = [{transform_indices = #map}, {transform_indices = #map1}, {transform_indices = #map}, {transform_indices = #map}, {transform_indices = #map1}, {transform_indices = #map1}]} {
    %mul3A = arith.constant 16 : i32
    %mul3A_0 = arith.muli %arg0, %mul3A : i32
    %add3A = arith.addi %mul3A_0, %arg1 : i32
    %eq3A = arith.constant 31 : i32
    %eq3A_1 = arith.cmpi eq, %add3A, %eq3A : i32
    %jit3A = arith.constant 51 : i32
    %jit3A_2 = arith.constant 79 : i32
    %select_n3A = arith.select %eq3A_1, %jit3A, %jit3A_2 : i32
    %broadcast_in_dim3A = arith.constant 0.000000e+00 : f32
    %broadcast_in_dim3A_3 = vector.broadcast %broadcast_in_dim3A : f32 to vector<16xf32>
    %swap3A = arith.constant 0 : index
    %swap3A_4 = tpu.vector_load %arg12[%swap3A] {strides = array<i32>} : memref<128xf32, #tpu.memory_space<vmem>>, vector<16xf32>,
    tpu.vector_store %arg12[%swap3A], %broadcast_in_dim3A_3 {strides = array<i32>} : memref<128xf32, #tpu.memory_space<vmem>>, vector<16xf32>,
    %broadcast_in_dim3A_5 = arith.constant 0.000000e+00 : f32
    %broadcast_in_dim3A_6 = vector.broadcast %broadcast_in_dim3A_5 : f32 to vector<16xf32>
    %swap3A_7 = arith.constant 16 : index
    %swap3A_8 = tpu.vector_load %arg12[%swap3A_7] {strides = array<i32>} : memref<128xf32, #tpu.memory_space<vmem>>, vector<16xf32>,
    tpu.vector_store %arg12[%swap3A_7], %broadcast_in_dim3A_6 {strides = array<i32>} : memref<128xf32, #tpu.memory_space<vmem>>, vector<16xf32>,
    %broadcast_in_dim3A_9 = arith.constant 0.000000e+00 : f32
    %broadcast_in_dim3A_10 = vector.broadcast %broadcast_in_dim3A_9 : f32 to vector<16xf32>
    %swap3A_11 = arith.constant 32 : index
    %swap3A_12 = tpu.vector_load %arg12[%swap3A_11] {strides = array<i32>} : memref<128xf32, #tpu.memory_space<vmem>>, vector<16xf32>,
    tpu.vector_store %arg12[%swap3A_11], %broadcast_in_dim3A_10 {strides = array<i32>} : memref<128xf32, #tpu.memory_space<vmem>>, vector<16xf32>,
    %broadcast_in_dim3A_13 = arith.constant 0.000000e+00 : f32
    %broadcast_in_dim3A_14 = vector.broadcast %broadcast_in_dim3A_13 : f32 to vector<16xf32>
    %swap3A_15 = arith.constant 48 : index
    %swap3A_16 = tpu.vector_load %arg12[%swap3A_15] {strides = array<i32>} : memref<128xf32, #tpu.memory_space<vmem>>, vector<16xf32>,
    tpu.vector_store %arg12[%swap3A_15], %broadcast_in_dim3A_14 {strides = array<i32>} : memref<128xf32, #tpu.memory_space<vmem>>, vector<16xf32>,
    %broadcast_in_dim3A_17 = arith.constant 0.000000e+00 : f32
    %broadcast_in_dim3A_18 = vector.broadcast %broadcast_in_dim3A_17 : f32 to vector<16xf32>
    %swap3A_19 = arith.constant 64 : index
    %swap3A_20 = tpu.vector_load %arg12[%swap3A_19] {strides = array<i32>} : memref<128xf32, #tpu.memory_space<vmem>>, vector<16xf32>,
    tpu.vector_store %arg12[%swap3A_19], %broadcast_in_dim3A_18 {strides = array<i32>} : memref<128xf32, #tpu.memory_space<vmem>>, vector<16xf32>,
    %broadcast_in_dim3A_21 = arith.constant 0.000000e+00 : f32
    %broadcast_in_dim3A_22 = vector.broadcast %broadcast_in_dim3A_21 : f32 to vector<16xf32>
    %swap3A_23 = arith.constant 80 : index
    %swap3A_24 = tpu.vector_load %arg12[%swap3A_23] {strides = array<i32>} : memref<128xf32, #tpu.memory_space<vmem>>, vector<16xf32>,
    tpu.vector_store %arg12[%swap3A_23], %broadcast_in_dim3A_22 {strides = array<i32>} : memref<128xf32, #tpu.memory_space<vmem>>, vector<16xf32>,
    %broadcast_in_dim3A_25 = arith.constant 0.000000e+00 : f32
    %broadcast_in_dim3A_26 = vector.broadcast %broadcast_in_dim3A_25 : f32 to vector<16xf32>
    %swap3A_27 = arith.constant 96 : index
    %swap3A_28 = tpu.vector_load %arg12[%swap3A_27] {strides = array<i32>} : memref<128xf32, #tpu.memory_space<vmem>>, vector<16xf32>,
    tpu.vector_store %arg12[%swap3A_27], %broadcast_in_dim3A_26 {strides = array<i32>} : memref<128xf32, #tpu.memory_space<vmem>>, vector<16xf32>,
    %broadcast_in_dim3A_29 = arith.constant 0.000000e+00 : f32
    %broadcast_in_dim3A_30 = vector.broadcast %broadcast_in_dim3A_29 : f32 to vector<16xf32>
    %swap3A_31 = arith.constant 112 : index
    %swap3A_32 = tpu.vector_load %arg12[%swap3A_31] {strides = array<i32>} : memref<128xf32, #tpu.memory_space<vmem>>, vector<16xf32>,
    tpu.vector_store %arg12[%swap3A_31], %broadcast_in_dim3A_30 {strides = array<i32>} : memref<128xf32, #tpu.memory_space<vmem>>, vector<16xf32>,
    %mul3A_33 = arith.constant 640 : i32
    %mul3A_34 = arith.muli %arg1, %mul3A_33 : i32
    %add3A_35 = arith.constant 0 : i32
    %add3A_36 = arith.addi %mul3A_34, %add3A_35 : i32
    "tpu.region"() ({
      %run_scoped3A = tpu.sem_alloc : memref<!tpu.dma_semaphore, #tpu.memory_space<semaphore_mem>>
      %dma_start3A = tpu.memref_slice %arg18[%add3A_36] : memref<10240xf32, #tpu.memory_space<vmem_shared>> -> memref<128xf32, #tpu.memory_space<vmem_shared>>
      %dma_start3A_87 = tpu.memref_slice %arg18[%add3A_36] : memref<10240xf32, #tpu.memory_space<vmem_shared>> -> memref<128xf32, #tpu.memory_space<vmem_shared>>
      tpu.enqueue_dma source(%arg12 : memref<128xf32, #tpu.memory_space<vmem>>) target(%dma_start3A_87 : memref<128xf32, #tpu.memory_space<vmem_shared>>) target_semaphore(%run_scoped3A : memref<!tpu.dma_semaphore, #tpu.memory_space<semaphore_mem>>)
      %dma_wait3A = tpu.memref_slice %arg18[%add3A_36] : memref<10240xf32, #tpu.memory_space<vmem_shared>> -> memref<128xf32, #tpu.memory_space<vmem_shared>>
      %dma_wait3A_88 = tpu.memref_slice %arg18[%add3A_36] : memref<10240xf32, #tpu.memory_space<vmem_shared>> -> memref<128xf32, #tpu.memory_space<vmem_shared>>
      tpu.wait_dma2 semaphore(%run_scoped3A : memref<!tpu.dma_semaphore, #tpu.memory_space<semaphore_mem>>) src(%arg12 : memref<128xf32, #tpu.memory_space<vmem>>) dst(%dma_wait3A_88 : memref<128xf32, #tpu.memory_space<vmem_shared>>)
      tpu.yield
    }) : () -> ()
    %mul3A_37 = arith.constant 640 : i32
    %mul3A_38 = arith.muli %arg1, %mul3A_37 : i32
    %add3A_39 = arith.constant 128 : i32
    %add3A_40 = arith.addi %mul3A_38, %add3A_39 : i32
    "tpu.region"() ({
      %run_scoped3A = tpu.sem_alloc : memref<!tpu.dma_semaphore, #tpu.memory_space<semaphore_mem>>
      %dma_start3A = tpu.memref_slice %arg18[%add3A_40] : memref<10240xf32, #tpu.memory_space<vmem_shared>> -> memref<128xf32, #tpu.memory_space<vmem_shared>>
      %dma_start3A_87 = tpu.memref_slice %arg18[%add3A_40] : memref<10240xf32, #tpu.memory_space<vmem_shared>> -> memref<128xf32, #tpu.memory_space<vmem_shared>>
      tpu.enqueue_dma source(%arg12 : memref<128xf32, #tpu.memory_space<vmem>>) target(%dma_start3A_87 : memref<128xf32, #tpu.memory_space<vmem_shared>>) target_semaphore(%run_scoped3A : memref<!tpu.dma_semaphore, #tpu.memory_space<semaphore_mem>>)
      %dma_wait3A = tpu.memref_slice %arg18[%add3A_40] : memref<10240xf32, #tpu.memory_space<vmem_shared>> -> memref<128xf32, #tpu.memory_space<vmem_shared>>
      %dma_wait3A_88 = tpu.memref_slice %arg18[%add3A_40] : memref<10240xf32, #tpu.memory_space<vmem_shared>> -> memref<128xf32, #tpu.memory_space<vmem_shared>>
      tpu.wait_dma2 semaphore(%run_scoped3A : memref<!tpu.dma_semaphore, #tpu.memory_space<semaphore_mem>>) src(%arg12 : memref<128xf32, #tpu.memory_space<vmem>>) dst(%dma_wait3A_88 : memref<128xf32, #tpu.memory_space<vmem_shared>>)
      tpu.yield
    }) : () -> ()
    %mul3A_41 = arith.constant 640 : i32
    %mul3A_42 = arith.muli %arg1, %mul3A_41 : i32
    %add3A_43 = arith.constant 256 : i32
    %add3A_44 = arith.addi %mul3A_42, %add3A_43 : i32
    "tpu.region"() ({
      %run_scoped3A = tpu.sem_alloc : memref<!tpu.dma_semaphore, #tpu.memory_space<semaphore_mem>>
      %dma_start3A = tpu.memref_slice %arg18[%add3A_44] : memref<10240xf32, #tpu.memory_space<vmem_shared>> -> memref<128xf32, #tpu.memory_space<vmem_shared>>
      %dma_start3A_87 = tpu.memref_slice %arg18[%add3A_44] : memref<10240xf32, #tpu.memory_space<vmem_shared>> -> memref<128xf32, #tpu.memory_space<vmem_shared>>
      tpu.enqueue_dma source(%arg12 : memref<128xf32, #tpu.memory_space<vmem>>) target(%dma_start3A_87 : memref<128xf32, #tpu.memory_space<vmem_shared>>) target_semaphore(%run_scoped3A : memref<!tpu.dma_semaphore, #tpu.memory_space<semaphore_mem>>)
      %dma_wait3A = tpu.memref_slice %arg18[%add3A_44] : memref<10240xf32, #tpu.memory_space<vmem_shared>> -> memref<128xf32, #tpu.memory_space<vmem_shared>>
      %dma_wait3A_88 = tpu.memref_slice %arg18[%add3A_44] : memref<10240xf32, #tpu.memory_space<vmem_shared>> -> memref<128xf32, #tpu.memory_space<vmem_shared>>
      tpu.wait_dma2 semaphore(%run_scoped3A : memref<!tpu.dma_semaphore, #tpu.memory_space<semaphore_mem>>) src(%arg12 : memref<128xf32, #tpu.memory_space<vmem>>) dst(%dma_wait3A_88 : memref<128xf32, #tpu.memory_space<vmem_shared>>)
      tpu.yield
    }) : () -> ()
    %mul3A_45 = arith.constant 640 : i32
    %mul3A_46 = arith.muli %arg1, %mul3A_45 : i32
    %add3A_47 = arith.constant 384 : i32
    %add3A_48 = arith.addi %mul3A_46, %add3A_47 : i32
    "tpu.region"() ({
      %run_scoped3A = tpu.sem_alloc : memref<!tpu.dma_semaphore, #tpu.memory_space<semaphore_mem>>
      %dma_start3A = tpu.memref_slice %arg18[%add3A_48] : memref<10240xf32, #tpu.memory_space<vmem_shared>> -> memref<128xf32, #tpu.memory_space<vmem_shared>>
      %dma_start3A_87 = tpu.memref_slice %arg18[%add3A_48] : memref<10240xf32, #tpu.memory_space<vmem_shared>> -> memref<128xf32, #tpu.memory_space<vmem_shared>>
      tpu.enqueue_dma source(%arg12 : memref<128xf32, #tpu.memory_space<vmem>>) target(%dma_start3A_87 : memref<128xf32, #tpu.memory_space<vmem_shared>>) target_semaphore(%run_scoped3A : memref<!tpu.dma_semaphore, #tpu.memory_space<semaphore_mem>>)
      %dma_wait3A = tpu.memref_slice %arg18[%add3A_48] : memref<10240xf32, #tpu.memory_space<vmem_shared>> -> memref<128xf32, #tpu.memory_space<vmem_shared>>
      %dma_wait3A_88 = tpu.memref_slice %arg18[%add3A_48] : memref<10240xf32, #tpu.memory_space<vmem_shared>> -> memref<128xf32, #tpu.memory_space<vmem_shared>>
      tpu.wait_dma2 semaphore(%run_scoped3A : memref<!tpu.dma_semaphore, #tpu.memory_space<semaphore_mem>>) src(%arg12 : memref<128xf32, #tpu.memory_space<vmem>>) dst(%dma_wait3A_88 : memref<128xf32, #tpu.memory_space<vmem_shared>>)
      tpu.yield
    }) : () -> ()
    %mul3A_49 = arith.constant 640 : i32
    %mul3A_50 = arith.muli %arg1, %mul3A_49 : i32
    %add3A_51 = arith.constant 512 : i32
    %add3A_52 = arith.addi %mul3A_50, %add3A_51 : i32
    "tpu.region"() ({
      %run_scoped3A = tpu.sem_alloc : memref<!tpu.dma_semaphore, #tpu.memory_space<semaphore_mem>>
      %dma_start3A = tpu.memref_slice %arg18[%add3A_52] : memref<10240xf32, #tpu.memory_space<vmem_shared>> -> memref<128xf32, #tpu.memory_space<vmem_shared>>
      %dma_start3A_87 = tpu.memref_slice %arg18[%add3A_52] : memref<10240xf32, #tpu.memory_space<vmem_shared>> -> memref<128xf32, #tpu.memory_space<vmem_shared>>
      tpu.enqueue_dma source(%arg12 : memref<128xf32, #tpu.memory_space<vmem>>) target(%dma_start3A_87 : memref<128xf32, #tpu.memory_space<vmem_shared>>) target_semaphore(%run_scoped3A : memref<!tpu.dma_semaphore, #tpu.memory_space<semaphore_mem>>)
      %dma_wait3A = tpu.memref_slice %arg18[%add3A_52] : memref<10240xf32, #tpu.memory_space<vmem_shared>> -> memref<128xf32, #tpu.memory_space<vmem_shared>>
      %dma_wait3A_88 = tpu.memref_slice %arg18[%add3A_52] : memref<10240xf32, #tpu.memory_space<vmem_shared>> -> memref<128xf32, #tpu.memory_space<vmem_shared>>
      tpu.wait_dma2 semaphore(%run_scoped3A : memref<!tpu.dma_semaphore, #tpu.memory_space<semaphore_mem>>) src(%arg12 : memref<128xf32, #tpu.memory_space<vmem>>) dst(%dma_wait3A_88 : memref<128xf32, #tpu.memory_space<vmem_shared>>)
      tpu.yield
    }) : () -> ()
    %barrier3A = arith.constant 0 : index
    tpu.barrier barrier_id(%barrier3A)
    "tpu.region"() ({
      %run_scoped3A = tpu.sem_alloc : memref<!tpu.dma_semaphore, #tpu.memory_space<semaphore_mem>>
      tpu.enqueue_dma source(%arg2 : memref<10240xf32, #tpu.memory_space<hbm>>) target(%arg8 : memref<10240xf32, #tpu.memory_space<vmem>>) target_semaphore(%run_scoped3A : memref<!tpu.dma_semaphore, #tpu.memory_space<semaphore_mem>>)
      tpu.wait_dma2 semaphore(%run_scoped3A : memref<!tpu.dma_semaphore, #tpu.memory_space<semaphore_mem>>) src(%arg2 : memref<10240xf32, #tpu.memory_space<hbm>>) dst(%arg8 : memref<10240xf32, #tpu.memory_space<vmem>>)
      tpu.yield
    }) : () -> ()
    %mul3A_53 = arith.constant 10112 : i32
    %mul3A_54 = arith.muli %add3A, %mul3A_53 : i32
    %not3A = arith.constant true
    %not3A_55 = arith.xori %eq3A_1, %not3A : i1
    %convert_element_type3A = arith.extui %not3A_55 : i1 to i32
    %cond3A = arith.constant 0 : i32
    %cond3A_56 = arith.cmpi ne, %convert_element_type3A, %cond3A : i32
    scf.if %cond3A_56 {
      %run_scoped3A = arith.constant 0 : i32
      "tpu.region"() ({
        %run_scoped3A_87 = tpu.sem_alloc : memref<!tpu.dma_semaphore, #tpu.memory_space<semaphore_mem>>
        %dma_start3A = arith.constant 0 : i32
        %dma_start3A_88 = tpu.memref_slice %arg9[%dma_start3A] : memref<10112xi32, #tpu.memory_space<vmem>> -> memref<10112xi32, #tpu.memory_space<vmem>>
        %dma_start3A_89 = arith.constant 0 : i32
        %dma_start3A_90 = tpu.memref_slice %arg3[%run_scoped3A, %dma_start3A_89] : memref<2x320000xi32, #tpu.memory_space<hbm>> -> memref<1x320000xi32, #tpu.memory_space<hbm>>
        %dma_start3A_91 = tpu.memref_squeeze %dma_start3A_90 : memref<1x320000xi32, #tpu.memory_space<hbm>> -> memref<320000xi32, #tpu.memory_space<hbm>>
        %dma_start3A_92 = tpu.memref_slice %dma_start3A_91[%mul3A_54] : memref<320000xi32, #tpu.memory_space<hbm>> -> memref<10112xi32, #tpu.memory_space<hbm>>
        %dma_start3A_93 = arith.constant 0 : i32
        %dma_start3A_94 = tpu.memref_slice %arg9[%dma_start3A_93] : memref<10112xi32, #tpu.memory_space<vmem>> -> memref<10112xi32, #tpu.memory_space<vmem>>
        %dma_start3A_95 = arith.constant 0 : i32
        %dma_start3A_96 = tpu.memref_slice %arg3[%run_scoped3A, %dma_start3A_95] : memref<2x320000xi32, #tpu.memory_space<hbm>> -> memref<1x320000xi32, #tpu.memory_space<hbm>>
        %dma_start3A_97 = tpu.memref_squeeze %dma_start3A_96 : memref<1x320000xi32, #tpu.memory_space<hbm>> -> memref<320000xi32, #tpu.memory_space<hbm>>
        %dma_start3A_98 = tpu.memref_slice %dma_start3A_97[%mul3A_54] : memref<320000xi32, #tpu.memory_space<hbm>> -> memref<10112xi32, #tpu.memory_space<hbm>>
        tpu.enqueue_dma source(%dma_start3A_98 : memref<10112xi32, #tpu.memory_space<hbm>>) target(%dma_start3A_94 : memref<10112xi32, #tpu.memory_space<vmem>>) target_semaphore(%run_scoped3A_87 : memref<!tpu.dma_semaphore, #tpu.memory_space<semaphore_mem>>)
        %dma_wait3A = arith.constant 0 : i32
        %dma_wait3A_99 = tpu.memref_slice %arg9[%dma_wait3A] : memref<10112xi32, #tpu.memory_space<vmem>> -> memref<10112xi32, #tpu.memory_space<vmem>>
        %dma_wait3A_100 = arith.constant 0 : i32
        %dma_wait3A_101 = tpu.memref_slice %arg3[%run_scoped3A, %dma_wait3A_100] : memref<2x320000xi32, #tpu.memory_space<hbm>> -> memref<1x320000xi32, #tpu.memory_space<hbm>>
        %dma_wait3A_102 = tpu.memref_squeeze %dma_wait3A_101 : memref<1x320000xi32, #tpu.memory_space<hbm>> -> memref<320000xi32, #tpu.memory_space<hbm>>
        %dma_wait3A_103 = tpu.memref_slice %dma_wait3A_102[%mul3A_54] : memref<320000xi32, #tpu.memory_space<hbm>> -> memref<10112xi32, #tpu.memory_space<hbm>>
        %dma_wait3A_104 = arith.constant 0 : i32
        %dma_wait3A_105 = tpu.memref_slice %arg9[%dma_wait3A_104] : memref<10112xi32, #tpu.memory_space<vmem>> -> memref<10112xi32, #tpu.memory_space<vmem>>
        %dma_wait3A_106 = arith.constant 0 : i32
        %dma_wait3A_107 = tpu.memref_slice %arg3[%run_scoped3A, %dma_wait3A_106] : memref<2x320000xi32, #tpu.memory_space<hbm>> -> memref<1x320000xi32, #tpu.memory_space<hbm>>
        %dma_wait3A_108 = tpu.memref_squeeze %dma_wait3A_107 : memref<1x320000xi32, #tpu.memory_space<hbm>> -> memref<320000xi32, #tpu.memory_space<hbm>>
        %dma_wait3A_109 = tpu.memref_slice %dma_wait3A_108[%mul3A_54] : memref<320000xi32, #tpu.memory_space<hbm>> -> memref<10112xi32, #tpu.memory_space<hbm>>
        tpu.wait_dma2 semaphore(%run_scoped3A_87 : memref<!tpu.dma_semaphore, #tpu.memory_space<semaphore_mem>>) src(%dma_wait3A_109 : memref<10112xi32, #tpu.memory_space<hbm>>) dst(%dma_wait3A_105 : memref<10112xi32, #tpu.memory_space<vmem>>)
        tpu.yield
      }) : () -> ()
    } else {
    }
    %convert_element_type3A_57 = arith.extui %eq3A_1 : i1 to i32
    %cond3A_58 = arith.constant 0 : i32
    %cond3A_59 = arith.cmpi ne, %convert_element_type3A_57, %cond3A_58 : i32
    scf.if %cond3A_59 {
      %run_scoped3A = arith.constant 0 : i32
      "tpu.region"() ({
        %run_scoped3A_87 = tpu.sem_alloc : memref<!tpu.dma_semaphore, #tpu.memory_space<semaphore_mem>>
        %dma_start3A = arith.constant 0 : i32
        %dma_start3A_88 = tpu.memref_slice %arg9[%dma_start3A] : memref<10112xi32, #tpu.memory_space<vmem>> -> memref<6528xi32, #tpu.memory_space<vmem>>
        %dma_start3A_89 = arith.constant 0 : i32
        %dma_start3A_90 = tpu.memref_slice %arg3[%run_scoped3A, %dma_start3A_89] : memref<2x320000xi32, #tpu.memory_space<hbm>> -> memref<1x320000xi32, #tpu.memory_space<hbm>>
        %dma_start3A_91 = tpu.memref_squeeze %dma_start3A_90 : memref<1x320000xi32, #tpu.memory_space<hbm>> -> memref<320000xi32, #tpu.memory_space<hbm>>
        %dma_start3A_92 = tpu.memref_slice %dma_start3A_91[%mul3A_54] : memref<320000xi32, #tpu.memory_space<hbm>> -> memref<6528xi32, #tpu.memory_space<hbm>>
        %dma_start3A_93 = arith.constant 0 : i32
        %dma_start3A_94 = tpu.memref_slice %arg9[%dma_start3A_93] : memref<10112xi32, #tpu.memory_space<vmem>> -> memref<6528xi32, #tpu.memory_space<vmem>>
        %dma_start3A_95 = arith.constant 0 : i32
        %dma_start3A_96 = tpu.memref_slice %arg3[%run_scoped3A, %dma_start3A_95] : memref<2x320000xi32, #tpu.memory_space<hbm>> -> memref<1x320000xi32, #tpu.memory_space<hbm>>
        %dma_start3A_97 = tpu.memref_squeeze %dma_start3A_96 : memref<1x320000xi32, #tpu.memory_space<hbm>> -> memref<320000xi32, #tpu.memory_space<hbm>>
        %dma_start3A_98 = tpu.memref_slice %dma_start3A_97[%mul3A_54] : memref<320000xi32, #tpu.memory_space<hbm>> -> memref<6528xi32, #tpu.memory_space<hbm>>
        tpu.enqueue_dma source(%dma_start3A_98 : memref<6528xi32, #tpu.memory_space<hbm>>) target(%dma_start3A_94 : memref<6528xi32, #tpu.memory_space<vmem>>) target_semaphore(%run_scoped3A_87 : memref<!tpu.dma_semaphore, #tpu.memory_space<semaphore_mem>>)
        %dma_wait3A = arith.constant 0 : i32
        %dma_wait3A_99 = tpu.memref_slice %arg9[%dma_wait3A] : memref<10112xi32, #tpu.memory_space<vmem>> -> memref<6528xi32, #tpu.memory_space<vmem>>
        %dma_wait3A_100 = arith.constant 0 : i32
        %dma_wait3A_101 = tpu.memref_slice %arg3[%run_scoped3A, %dma_wait3A_100] : memref<2x320000xi32, #tpu.memory_space<hbm>> -> memref<1x320000xi32, #tpu.memory_space<hbm>>
        %dma_wait3A_102 = tpu.memref_squeeze %dma_wait3A_101 : memref<1x320000xi32, #tpu.memory_space<hbm>> -> memref<320000xi32, #tpu.memory_space<hbm>>
        %dma_wait3A_103 = tpu.memref_slice %dma_wait3A_102[%mul3A_54] : memref<320000xi32, #tpu.memory_space<hbm>> -> memref<6528xi32, #tpu.memory_space<hbm>>
        %dma_wait3A_104 = arith.constant 0 : i32
        %dma_wait3A_105 = tpu.memref_slice %arg9[%dma_wait3A_104] : memref<10112xi32, #tpu.memory_space<vmem>> -> memref<6528xi32, #tpu.memory_space<vmem>>
        %dma_wait3A_106 = arith.constant 0 : i32
        %dma_wait3A_107 = tpu.memref_slice %arg3[%run_scoped3A, %dma_wait3A_106] : memref<2x320000xi32, #tpu.memory_space<hbm>> -> memref<1x320000xi32, #tpu.memory_space<hbm>>
        %dma_wait3A_108 = tpu.memref_squeeze %dma_wait3A_107 : memref<1x320000xi32, #tpu.memory_space<hbm>> -> memref<320000xi32, #tpu.memory_space<hbm>>
        %dma_wait3A_109 = tpu.memref_slice %dma_wait3A_108[%mul3A_54] : memref<320000xi32, #tpu.memory_space<hbm>> -> memref<6528xi32, #tpu.memory_space<hbm>>
        tpu.wait_dma2 semaphore(%run_scoped3A_87 : memref<!tpu.dma_semaphore, #tpu.memory_space<semaphore_mem>>) src(%dma_wait3A_109 : memref<6528xi32, #tpu.memory_space<hbm>>) dst(%dma_wait3A_105 : memref<6528xi32, #tpu.memory_space<vmem>>)
        tpu.yield
      }) : () -> ()
    } else {
    }
    %mul3A_60 = arith.constant 10112 : i32
    %mul3A_61 = arith.muli %add3A, %mul3A_60 : i32
    %not3A_62 = arith.constant true
    %not3A_63 = arith.xori %eq3A_1, %not3A_62 : i1
    %convert_element_type3A_64 = arith.extui %not3A_63 : i1 to i32
    %cond3A_65 = arith.constant 0 : i32
    %cond3A_66 = arith.cmpi ne, %convert_element_type3A_64, %cond3A_65 : i32
    scf.if %cond3A_66 {
      %run_scoped3A = arith.constant 1 : i32
      "tpu.region"() ({
        %run_scoped3A_87 = tpu.sem_alloc : memref<!tpu.dma_semaphore, #tpu.memory_space<semaphore_mem>>
        %dma_start3A = arith.constant 0 : i32
        %dma_start3A_88 = tpu.memref_slice %arg10[%dma_start3A] : memref<10112xi32, #tpu.memory_space<vmem>> -> memref<10112xi32, #tpu.memory_space<vmem>>
        %dma_start3A_89 = arith.constant 0 : i32
        %dma_start3A_90 = tpu.memref_slice %arg3[%run_scoped3A, %dma_start3A_89] : memref<2x320000xi32, #tpu.memory_space<hbm>> -> memref<1x320000xi32, #tpu.memory_space<hbm>>
        %dma_start3A_91 = tpu.memref_squeeze %dma_start3A_90 : memref<1x320000xi32, #tpu.memory_space<hbm>> -> memref<320000xi32, #tpu.memory_space<hbm>>
        %dma_start3A_92 = tpu.memref_slice %dma_start3A_91[%mul3A_61] : memref<320000xi32, #tpu.memory_space<hbm>> -> memref<10112xi32, #tpu.memory_space<hbm>>
        %dma_start3A_93 = arith.constant 0 : i32
        %dma_start3A_94 = tpu.memref_slice %arg10[%dma_start3A_93] : memref<10112xi32, #tpu.memory_space<vmem>> -> memref<10112xi32, #tpu.memory_space<vmem>>
        %dma_start3A_95 = arith.constant 0 : i32
        %dma_start3A_96 = tpu.memref_slice %arg3[%run_scoped3A, %dma_start3A_95] : memref<2x320000xi32, #tpu.memory_space<hbm>> -> memref<1x320000xi32, #tpu.memory_space<hbm>>
        %dma_start3A_97 = tpu.memref_squeeze %dma_start3A_96 : memref<1x320000xi32, #tpu.memory_space<hbm>> -> memref<320000xi32, #tpu.memory_space<hbm>>
        %dma_start3A_98 = tpu.memref_slice %dma_start3A_97[%mul3A_61] : memref<320000xi32, #tpu.memory_space<hbm>> -> memref<10112xi32, #tpu.memory_space<hbm>>
        tpu.enqueue_dma source(%dma_start3A_98 : memref<10112xi32, #tpu.memory_space<hbm>>) target(%dma_start3A_94 : memref<10112xi32, #tpu.memory_space<vmem>>) target_semaphore(%run_scoped3A_87 : memref<!tpu.dma_semaphore, #tpu.memory_space<semaphore_mem>>)
        %dma_wait3A = arith.constant 0 : i32
        %dma_wait3A_99 = tpu.memref_slice %arg10[%dma_wait3A] : memref<10112xi32, #tpu.memory_space<vmem>> -> memref<10112xi32, #tpu.memory_space<vmem>>
        %dma_wait3A_100 = arith.constant 0 : i32
        %dma_wait3A_101 = tpu.memref_slice %arg3[%run_scoped3A, %dma_wait3A_100] : memref<2x320000xi32, #tpu.memory_space<hbm>> -> memref<1x320000xi32, #tpu.memory_space<hbm>>
        %dma_wait3A_102 = tpu.memref_squeeze %dma_wait3A_101 : memref<1x320000xi32, #tpu.memory_space<hbm>> -> memref<320000xi32, #tpu.memory_space<hbm>>
        %dma_wait3A_103 = tpu.memref_slice %dma_wait3A_102[%mul3A_61] : memref<320000xi32, #tpu.memory_space<hbm>> -> memref<10112xi32, #tpu.memory_space<hbm>>
        %dma_wait3A_104 = arith.constant 0 : i32
        %dma_wait3A_105 = tpu.memref_slice %arg10[%dma_wait3A_104] : memref<10112xi32, #tpu.memory_space<vmem>> -> memref<10112xi32, #tpu.memory_space<vmem>>
        %dma_wait3A_106 = arith.constant 0 : i32
        %dma_wait3A_107 = tpu.memref_slice %arg3[%run_scoped3A, %dma_wait3A_106] : memref<2x320000xi32, #tpu.memory_space<hbm>> -> memref<1x320000xi32, #tpu.memory_space<hbm>>
        %dma_wait3A_108 = tpu.memref_squeeze %dma_wait3A_107 : memref<1x320000xi32, #tpu.memory_space<hbm>> -> memref<320000xi32, #tpu.memory_space<hbm>>
        %dma_wait3A_109 = tpu.memref_slice %dma_wait3A_108[%mul3A_61] : memref<320000xi32, #tpu.memory_space<hbm>> -> memref<10112xi32, #tpu.memory_space<hbm>>
        tpu.wait_dma2 semaphore(%run_scoped3A_87 : memref<!tpu.dma_semaphore, #tpu.memory_space<semaphore_mem>>) src(%dma_wait3A_109 : memref<10112xi32, #tpu.memory_space<hbm>>) dst(%dma_wait3A_105 : memref<10112xi32, #tpu.memory_space<vmem>>)
        tpu.yield
      }) : () -> ()
    } else {
    }
    %convert_element_type3A_67 = arith.extui %eq3A_1 : i1 to i32
    %cond3A_68 = arith.constant 0 : i32
    %cond3A_69 = arith.cmpi ne, %convert_element_type3A_67, %cond3A_68 : i32
    scf.if %cond3A_69 {
      %run_scoped3A = arith.constant 1 : i32
      "tpu.region"() ({
        %run_scoped3A_87 = tpu.sem_alloc : memref<!tpu.dma_semaphore, #tpu.memory_space<semaphore_mem>>
        %dma_start3A = arith.constant 0 : i32
        %dma_start3A_88 = tpu.memref_slice %arg10[%dma_start3A] : memref<10112xi32, #tpu.memory_space<vmem>> -> memref<6528xi32, #tpu.memory_space<vmem>>
        %dma_start3A_89 = arith.constant 0 : i32
        %dma_start3A_90 = tpu.memref_slice %arg3[%run_scoped3A, %dma_start3A_89] : memref<2x320000xi32, #tpu.memory_space<hbm>> -> memref<1x320000xi32, #tpu.memory_space<hbm>>
        %dma_start3A_91 = tpu.memref_squeeze %dma_start3A_90 : memref<1x320000xi32, #tpu.memory_space<hbm>> -> memref<320000xi32, #tpu.memory_space<hbm>>
        %dma_start3A_92 = tpu.memref_slice %dma_start3A_91[%mul3A_61] : memref<320000xi32, #tpu.memory_space<hbm>> -> memref<6528xi32, #tpu.memory_space<hbm>>
        %dma_start3A_93 = arith.constant 0 : i32
        %dma_start3A_94 = tpu.memref_slice %arg10[%dma_start3A_93] : memref<10112xi32, #tpu.memory_space<vmem>> -> memref<6528xi32, #tpu.memory_space<vmem>>
        %dma_start3A_95 = arith.constant 0 : i32
        %dma_start3A_96 = tpu.memref_slice %arg3[%run_scoped3A, %dma_start3A_95] : memref<2x320000xi32, #tpu.memory_space<hbm>> -> memref<1x320000xi32, #tpu.memory_space<hbm>>
        %dma_start3A_97 = tpu.memref_squeeze %dma_start3A_96 : memref<1x320000xi32, #tpu.memory_space<hbm>> -> memref<320000xi32, #tpu.memory_space<hbm>>
        %dma_start3A_98 = tpu.memref_slice %dma_start3A_97[%mul3A_61] : memref<320000xi32, #tpu.memory_space<hbm>> -> memref<6528xi32, #tpu.memory_space<hbm>>
        tpu.enqueue_dma source(%dma_start3A_98 : memref<6528xi32, #tpu.memory_space<hbm>>) target(%dma_start3A_94 : memref<6528xi32, #tpu.memory_space<vmem>>) target_semaphore(%run_scoped3A_87 : memref<!tpu.dma_semaphore, #tpu.memory_space<semaphore_mem>>)
        %dma_wait3A = arith.constant 0 : i32
        %dma_wait3A_99 = tpu.memref_slice %arg10[%dma_wait3A] : memref<10112xi32, #tpu.memory_space<vmem>> -> memref<6528xi32, #tpu.memory_space<vmem>>
        %dma_wait3A_100 = arith.constant 0 : i32
        %dma_wait3A_101 = tpu.memref_slice %arg3[%run_scoped3A, %dma_wait3A_100] : memref<2x320000xi32, #tpu.memory_space<hbm>> -> memref<1x320000xi32, #tpu.memory_space<hbm>>
        %dma_wait3A_102 = tpu.memref_squeeze %dma_wait3A_101 : memref<1x320000xi32, #tpu.memory_space<hbm>> -> memref<320000xi32, #tpu.memory_space<hbm>>
        %dma_wait3A_103 = tpu.memref_slice %dma_wait3A_102[%mul3A_61] : memref<320000xi32, #tpu.memory_space<hbm>> -> memref<6528xi32, #tpu.memory_space<hbm>>
        %dma_wait3A_104 = arith.constant 0 : i32
        %dma_wait3A_105 = tpu.memref_slice %arg10[%dma_wait3A_104] : memref<10112xi32, #tpu.memory_space<vmem>> -> memref<6528xi32, #tpu.memory_space<vmem>>
        %dma_wait3A_106 = arith.constant 0 : i32
        %dma_wait3A_107 = tpu.memref_slice %arg3[%run_scoped3A, %dma_wait3A_106] : memref<2x320000xi32, #tpu.memory_space<hbm>> -> memref<1x320000xi32, #tpu.memory_space<hbm>>
        %dma_wait3A_108 = tpu.memref_squeeze %dma_wait3A_107 : memref<1x320000xi32, #tpu.memory_space<hbm>> -> memref<320000xi32, #tpu.memory_space<hbm>>
        %dma_wait3A_109 = tpu.memref_slice %dma_wait3A_108[%mul3A_61] : memref<320000xi32, #tpu.memory_space<hbm>> -> memref<6528xi32, #tpu.memory_space<hbm>>
        tpu.wait_dma2 semaphore(%run_scoped3A_87 : memref<!tpu.dma_semaphore, #tpu.memory_space<semaphore_mem>>) src(%dma_wait3A_109 : memref<6528xi32, #tpu.memory_space<hbm>>) dst(%dma_wait3A_105 : memref<6528xi32, #tpu.memory_space<vmem>>)
        tpu.yield
      }) : () -> ()
    } else {
    }
    %broadcast_in_dim3A_70 = arith.constant 0 : i32
    %broadcast_in_dim3A_71 = vector.broadcast %broadcast_in_dim3A_70 : i32 to vector<16xi32>
    %while3A = arith.constant 0 : i32
    %while3A_72 = arith.constant 0 : i32
    %while3A_73 = arith.subi %select_n3A, %while3A_72 : i32
    %while3A_74 = arith.addi %while3A_72, %while3A_73 : i32
    %while3A_75 = arith.constant 1 : i32
    %while3A_76 = arith.divsi %while3A_73, %while3A_75 : i32
    %while3A_77 = arith.muli %while3A_76, %while3A_75 : i32
    %while3A_78 = arith.addi %while3A_72, %while3A_77 : i32
    %while3A_79 = arith.constant 1 : i32
    scf.for %while3A_87 = %while3A_72 to %while3A_78 step %while3A_79  : i32 {
      %mul3A_88 = arith.constant 128 : i32
      %mul3A_89 = arith.muli %while3A_87, %mul3A_88 : i32
      %add3A_90 = arith.constant 0 : i32
      %add3A_91 = arith.addi %mul3A_89, %add3A_90 : i32
      %get3A = arith.index_cast %add3A_91 : i32 to index
      %get3A_92 = tpu.vector_load %arg9[%get3A] {strides = array<i32>} : memref<10112xi32, #tpu.memory_space<vmem>>, vector<16xi32>,
      %gather3A = tpu.vector_load_idx %arg8[%get3A_92] : memref<10240xf32, #tpu.memory_space<vmem>>[vector<16xi32>], vector<16xf32>,
      %swap3A_93 = arith.constant 0 : index
      %swap3A_94 = tpu.vector_load %arg11[%swap3A_93] {strides = array<i32>} : memref<128xf32, #tpu.memory_space<vmem>>, vector<16xf32>,
      tpu.vector_store %arg11[%swap3A_93], %gather3A {strides = array<i32>} : memref<128xf32, #tpu.memory_space<vmem>>, vector<16xf32>,
      %mul3A_95 = arith.constant 128 : i32
      %mul3A_96 = arith.muli %while3A_87, %mul3A_95 : i32
      %add3A_97 = arith.constant 16 : i32
      %add3A_98 = arith.addi %mul3A_96, %add3A_97 : i32
      %get3A_99 = arith.index_cast %add3A_98 : i32 to index
      %get3A_100 = tpu.vector_load %arg9[%get3A_99] {strides = array<i32>} : memref<10112xi32, #tpu.memory_space<vmem>>, vector<16xi32>,
      %gather3A_101 = tpu.vector_load_idx %arg8[%get3A_100] : memref<10240xf32, #tpu.memory_space<vmem>>[vector<16xi32>], vector<16xf32>,
      %swap3A_102 = arith.constant 16 : index
      %swap3A_103 = tpu.vector_load %arg11[%swap3A_102] {strides = array<i32>} : memref<128xf32, #tpu.memory_space<vmem>>, vector<16xf32>,
      tpu.vector_store %arg11[%swap3A_102], %gather3A_101 {strides = array<i32>} : memref<128xf32, #tpu.memory_space<vmem>>, vector<16xf32>,
      %mul3A_104 = arith.constant 128 : i32
      %mul3A_105 = arith.muli %while3A_87, %mul3A_104 : i32
      %add3A_106 = arith.constant 32 : i32
      %add3A_107 = arith.addi %mul3A_105, %add3A_106 : i32
      %get3A_108 = arith.index_cast %add3A_107 : i32 to index
      %get3A_109 = tpu.vector_load %arg9[%get3A_108] {strides = array<i32>} : memref<10112xi32, #tpu.memory_space<vmem>>, vector<16xi32>,
      %gather3A_110 = tpu.vector_load_idx %arg8[%get3A_109] : memref<10240xf32, #tpu.memory_space<vmem>>[vector<16xi32>], vector<16xf32>,
      %swap3A_111 = arith.constant 32 : index
      %swap3A_112 = tpu.vector_load %arg11[%swap3A_111] {strides = array<i32>} : memref<128xf32, #tpu.memory_space<vmem>>, vector<16xf32>,
      tpu.vector_store %arg11[%swap3A_111], %gather3A_110 {strides = array<i32>} : memref<128xf32, #tpu.memory_space<vmem>>, vector<16xf32>,
      %mul3A_113 = arith.constant 128 : i32
      %mul3A_114 = arith.muli %while3A_87, %mul3A_113 : i32
      %add3A_115 = arith.constant 48 : i32
      %add3A_116 = arith.addi %mul3A_114, %add3A_115 : i32
      %get3A_117 = arith.index_cast %add3A_116 : i32 to index
      %get3A_118 = tpu.vector_load %arg9[%get3A_117] {strides = array<i32>} : memref<10112xi32, #tpu.memory_space<vmem>>, vector<16xi32>,
      %gather3A_119 = tpu.vector_load_idx %arg8[%get3A_118] : memref<10240xf32, #tpu.memory_space<vmem>>[vector<16xi32>], vector<16xf32>,
      %swap3A_120 = arith.constant 48 : index
      %swap3A_121 = tpu.vector_load %arg11[%swap3A_120] {strides = array<i32>} : memref<128xf32, #tpu.memory_space<vmem>>, vector<16xf32>,
      tpu.vector_store %arg11[%swap3A_120], %gather3A_119 {strides = array<i32>} : memref<128xf32, #tpu.memory_space<vmem>>, vector<16xf32>,
      %mul3A_122 = arith.constant 128 : i32
      %mul3A_123 = arith.muli %while3A_87, %mul3A_122 : i32
      %add3A_124 = arith.constant 64 : i32
      %add3A_125 = arith.addi %mul3A_123, %add3A_124 : i32
      %get3A_126 = arith.index_cast %add3A_125 : i32 to index
      %get3A_127 = tpu.vector_load %arg9[%get3A_126] {strides = array<i32>} : memref<10112xi32, #tpu.memory_space<vmem>>, vector<16xi32>,
      %gather3A_128 = tpu.vector_load_idx %arg8[%get3A_127] : memref<10240xf32, #tpu.memory_space<vmem>>[vector<16xi32>], vector<16xf32>,
      %swap3A_129 = arith.constant 64 : index
      %swap3A_130 = tpu.vector_load %arg11[%swap3A_129] {strides = array<i32>} : memref<128xf32, #tpu.memory_space<vmem>>, vector<16xf32>,
      tpu.vector_store %arg11[%swap3A_129], %gather3A_128 {strides = array<i32>} : memref<128xf32, #tpu.memory_space<vmem>>, vector<16xf32>,
      %mul3A_131 = arith.constant 128 : i32
      %mul3A_132 = arith.muli %while3A_87, %mul3A_131 : i32
      %add3A_133 = arith.constant 80 : i32
      %add3A_134 = arith.addi %mul3A_132, %add3A_133 : i32
      %get3A_135 = arith.index_cast %add3A_134 : i32 to index
      %get3A_136 = tpu.vector_load %arg9[%get3A_135] {strides = array<i32>} : memref<10112xi32, #tpu.memory_space<vmem>>, vector<16xi32>,
      %gather3A_137 = tpu.vector_load_idx %arg8[%get3A_136] : memref<10240xf32, #tpu.memory_space<vmem>>[vector<16xi32>], vector<16xf32>,
      %swap3A_138 = arith.constant 80 : index
      %swap3A_139 = tpu.vector_load %arg11[%swap3A_138] {strides = array<i32>} : memref<128xf32, #tpu.memory_space<vmem>>, vector<16xf32>,
      tpu.vector_store %arg11[%swap3A_138], %gather3A_137 {strides = array<i32>} : memref<128xf32, #tpu.memory_space<vmem>>, vector<16xf32>,
      %mul3A_140 = arith.constant 128 : i32
      %mul3A_141 = arith.muli %while3A_87, %mul3A_140 : i32
      %add3A_142 = arith.constant 96 : i32
      %add3A_143 = arith.addi %mul3A_141, %add3A_142 : i32
      %get3A_144 = arith.index_cast %add3A_143 : i32 to index
      %get3A_145 = tpu.vector_load %arg9[%get3A_144] {strides = array<i32>} : memref<10112xi32, #tpu.memory_space<vmem>>, vector<16xi32>,
      %gather3A_146 = tpu.vector_load_idx %arg8[%get3A_145] : memref<10240xf32, #tpu.memory_space<vmem>>[vector<16xi32>], vector<16xf32>,
      %swap3A_147 = arith.constant 96 : index
      %swap3A_148 = tpu.vector_load %arg11[%swap3A_147] {strides = array<i32>} : memref<128xf32, #tpu.memory_space<vmem>>, vector<16xf32>,
      tpu.vector_store %arg11[%swap3A_147], %gather3A_146 {strides = array<i32>} : memref<128xf32, #tpu.memory_space<vmem>>, vector<16xf32>,
      %mul3A_149 = arith.constant 128 : i32
      %mul3A_150 = arith.muli %while3A_87, %mul3A_149 : i32
      %add3A_151 = arith.constant 112 : i32
      %add3A_152 = arith.addi %mul3A_150, %add3A_151 : i32
      %get3A_153 = arith.index_cast %add3A_152 : i32 to index
      %get3A_154 = tpu.vector_load %arg9[%get3A_153] {strides = array<i32>} : memref<10112xi32, #tpu.memory_space<vmem>>, vector<16xi32>,
      %gather3A_155 = tpu.vector_load_idx %arg8[%get3A_154] : memref<10240xf32, #tpu.memory_space<vmem>>[vector<16xi32>], vector<16xf32>,
      %swap3A_156 = arith.constant 112 : index
      %swap3A_157 = tpu.vector_load %arg11[%swap3A_156] {strides = array<i32>} : memref<128xf32, #tpu.memory_space<vmem>>, vector<16xf32>,
      tpu.vector_store %arg11[%swap3A_156], %gather3A_155 {strides = array<i32>} : memref<128xf32, #tpu.memory_space<vmem>>, vector<16xf32>,
      %mul3A_158 = arith.constant 128 : i32
      %mul3A_159 = arith.muli %while3A_87, %mul3A_158 : i32
      "tpu.region"() ({
        %run_scoped3A = tpu.sem_alloc : memref<!tpu.dma_semaphore, #tpu.memory_space<semaphore_mem>>
        %dma_start3A = tpu.memref_slice %arg10[%mul3A_159] : memref<10112xi32, #tpu.memory_space<vmem>> -> memref<128xi32, #tpu.memory_space<vmem>>
        %dma_start3A_160 = arith.constant 0 : i32
        %dma_start3A_161 = tpu.memref_slice %arg18[%dma_start3A_160] : memref<10240xf32, #tpu.memory_space<vmem_shared>> -> memref<10240xf32, #tpu.memory_space<vmem_shared>>
        tpu.enqueue_indirect_dma source(%arg11 : memref<128xf32, #tpu.memory_space<vmem>>) target(%dma_start3A_161 : memref<10240xf32, #tpu.memory_space<vmem_shared>>) offsets(%dma_start3A : memref<128xi32, #tpu.memory_space<vmem>>) semaphore(%run_scoped3A : memref<!tpu.dma_semaphore, #tpu.memory_space<semaphore_mem>>) {add = true}
        %dma_wait3A = tpu.memref_slice %arg10[%mul3A_159] : memref<10112xi32, #tpu.memory_space<vmem>> -> memref<128xi32, #tpu.memory_space<vmem>>
        %dma_wait3A_162 = arith.constant 0 : i32
        %dma_wait3A_163 = tpu.memref_slice %arg18[%dma_wait3A_162] : memref<10240xf32, #tpu.memory_space<vmem_shared>> -> memref<10240xf32, #tpu.memory_space<vmem_shared>>
        tpu.wait_indirect_dma semaphore(%run_scoped3A : memref<!tpu.dma_semaphore, #tpu.memory_space<semaphore_mem>>) src(%arg11 : memref<128xf32, #tpu.memory_space<vmem>>) dst(%dma_wait3A_163 : memref<10240xf32, #tpu.memory_space<vmem_shared>>)
        tpu.yield
      }) : () -> ()
    }
    %while3A_80 = arith.constant 1 : i32
    scf.for %while3A_87 = %while3A_78 to %while3A_74 step %while3A_80  : i32 {
      %mul3A_88 = arith.constant 128 : i32
      %mul3A_89 = arith.muli %while3A_87, %mul3A_88 : i32
      %add3A_90 = arith.constant 0 : i32
      %add3A_91 = arith.addi %mul3A_89, %add3A_90 : i32
      %get3A = arith.index_cast %add3A_91 : i32 to index
      %get3A_92 = tpu.vector_load %arg9[%get3A] {strides = array<i32>} : memref<10112xi32, #tpu.memory_space<vmem>>, vector<16xi32>,
      %gather3A = tpu.vector_load_idx %arg8[%get3A_92] : memref<10240xf32, #tpu.memory_space<vmem>>[vector<16xi32>], vector<16xf32>,
      %swap3A_93 = arith.constant 0 : index
      %swap3A_94 = tpu.vector_load %arg11[%swap3A_93] {strides = array<i32>} : memref<128xf32, #tpu.memory_space<vmem>>, vector<16xf32>,
      tpu.vector_store %arg11[%swap3A_93], %gather3A {strides = array<i32>} : memref<128xf32, #tpu.memory_space<vmem>>, vector<16xf32>,
      %mul3A_95 = arith.constant 128 : i32
      %mul3A_96 = arith.muli %while3A_87, %mul3A_95 : i32
      %add3A_97 = arith.constant 16 : i32
      %add3A_98 = arith.addi %mul3A_96, %add3A_97 : i32
      %get3A_99 = arith.index_cast %add3A_98 : i32 to index
      %get3A_100 = tpu.vector_load %arg9[%get3A_99] {strides = array<i32>} : memref<10112xi32, #tpu.memory_space<vmem>>, vector<16xi32>,
      %gather3A_101 = tpu.vector_load_idx %arg8[%get3A_100] : memref<10240xf32, #tpu.memory_space<vmem>>[vector<16xi32>], vector<16xf32>,
      %swap3A_102 = arith.constant 16 : index
      %swap3A_103 = tpu.vector_load %arg11[%swap3A_102] {strides = array<i32>} : memref<128xf32, #tpu.memory_space<vmem>>, vector<16xf32>,
      tpu.vector_store %arg11[%swap3A_102], %gather3A_101 {strides = array<i32>} : memref<128xf32, #tpu.memory_space<vmem>>, vector<16xf32>,
      %mul3A_104 = arith.constant 128 : i32
      %mul3A_105 = arith.muli %while3A_87, %mul3A_104 : i32
      %add3A_106 = arith.constant 32 : i32
      %add3A_107 = arith.addi %mul3A_105, %add3A_106 : i32
      %get3A_108 = arith.index_cast %add3A_107 : i32 to index
      %get3A_109 = tpu.vector_load %arg9[%get3A_108] {strides = array<i32>} : memref<10112xi32, #tpu.memory_space<vmem>>, vector<16xi32>,
      %gather3A_110 = tpu.vector_load_idx %arg8[%get3A_109] : memref<10240xf32, #tpu.memory_space<vmem>>[vector<16xi32>], vector<16xf32>,
      %swap3A_111 = arith.constant 32 : index
      %swap3A_112 = tpu.vector_load %arg11[%swap3A_111] {strides = array<i32>} : memref<128xf32, #tpu.memory_space<vmem>>, vector<16xf32>,
      tpu.vector_store %arg11[%swap3A_111], %gather3A_110 {strides = array<i32>} : memref<128xf32, #tpu.memory_space<vmem>>, vector<16xf32>,
      %mul3A_113 = arith.constant 128 : i32
      %mul3A_114 = arith.muli %while3A_87, %mul3A_113 : i32
      %add3A_115 = arith.constant 48 : i32
      %add3A_116 = arith.addi %mul3A_114, %add3A_115 : i32
      %get3A_117 = arith.index_cast %add3A_116 : i32 to index
      %get3A_118 = tpu.vector_load %arg9[%get3A_117] {strides = array<i32>} : memref<10112xi32, #tpu.memory_space<vmem>>, vector<16xi32>,
      %gather3A_119 = tpu.vector_load_idx %arg8[%get3A_118] : memref<10240xf32, #tpu.memory_space<vmem>>[vector<16xi32>], vector<16xf32>,
      %swap3A_120 = arith.constant 48 : index
      %swap3A_121 = tpu.vector_load %arg11[%swap3A_120] {strides = array<i32>} : memref<128xf32, #tpu.memory_space<vmem>>, vector<16xf32>,
      tpu.vector_store %arg11[%swap3A_120], %gather3A_119 {strides = array<i32>} : memref<128xf32, #tpu.memory_space<vmem>>, vector<16xf32>,
      %mul3A_122 = arith.constant 128 : i32
      %mul3A_123 = arith.muli %while3A_87, %mul3A_122 : i32
      %add3A_124 = arith.constant 64 : i32
      %add3A_125 = arith.addi %mul3A_123, %add3A_124 : i32
      %get3A_126 = arith.index_cast %add3A_125 : i32 to index
      %get3A_127 = tpu.vector_load %arg9[%get3A_126] {strides = array<i32>} : memref<10112xi32, #tpu.memory_space<vmem>>, vector<16xi32>,
      %gather3A_128 = tpu.vector_load_idx %arg8[%get3A_127] : memref<10240xf32, #tpu.memory_space<vmem>>[vector<16xi32>], vector<16xf32>,
      %swap3A_129 = arith.constant 64 : index
      %swap3A_130 = tpu.vector_load %arg11[%swap3A_129] {strides = array<i32>} : memref<128xf32, #tpu.memory_space<vmem>>, vector<16xf32>,
      tpu.vector_store %arg11[%swap3A_129], %gather3A_128 {strides = array<i32>} : memref<128xf32, #tpu.memory_space<vmem>>, vector<16xf32>,
      %mul3A_131 = arith.constant 128 : i32
      %mul3A_132 = arith.muli %while3A_87, %mul3A_131 : i32
      %add3A_133 = arith.constant 80 : i32
      %add3A_134 = arith.addi %mul3A_132, %add3A_133 : i32
      %get3A_135 = arith.index_cast %add3A_134 : i32 to index
      %get3A_136 = tpu.vector_load %arg9[%get3A_135] {strides = array<i32>} : memref<10112xi32, #tpu.memory_space<vmem>>, vector<16xi32>,
      %gather3A_137 = tpu.vector_load_idx %arg8[%get3A_136] : memref<10240xf32, #tpu.memory_space<vmem>>[vector<16xi32>], vector<16xf32>,
      %swap3A_138 = arith.constant 80 : index
      %swap3A_139 = tpu.vector_load %arg11[%swap3A_138] {strides = array<i32>} : memref<128xf32, #tpu.memory_space<vmem>>, vector<16xf32>,
      tpu.vector_store %arg11[%swap3A_138], %gather3A_137 {strides = array<i32>} : memref<128xf32, #tpu.memory_space<vmem>>, vector<16xf32>,
      %mul3A_140 = arith.constant 128 : i32
      %mul3A_141 = arith.muli %while3A_87, %mul3A_140 : i32
      %add3A_142 = arith.constant 96 : i32
      %add3A_143 = arith.addi %mul3A_141, %add3A_142 : i32
      %get3A_144 = arith.index_cast %add3A_143 : i32 to index
      %get3A_145 = tpu.vector_load %arg9[%get3A_144] {strides = array<i32>} : memref<10112xi32, #tpu.memory_space<vmem>>, vector<16xi32>,
      %gather3A_146 = tpu.vector_load_idx %arg8[%get3A_145] : memref<10240xf32, #tpu.memory_space<vmem>>[vector<16xi32>], vector<16xf32>,
      %swap3A_147 = arith.constant 96 : index
      %swap3A_148 = tpu.vector_load %arg11[%swap3A_147] {strides = array<i32>} : memref<128xf32, #tpu.memory_space<vmem>>, vector<16xf32>,
      tpu.vector_store %arg11[%swap3A_147], %gather3A_146 {strides = array<i32>} : memref<128xf32, #tpu.memory_space<vmem>>, vector<16xf32>,
      %mul3A_149 = arith.constant 128 : i32
      %mul3A_150 = arith.muli %while3A_87, %mul3A_149 : i32
      %add3A_151 = arith.constant 112 : i32
      %add3A_152 = arith.addi %mul3A_150, %add3A_151 : i32
      %get3A_153 = arith.index_cast %add3A_152 : i32 to index
      %get3A_154 = tpu.vector_load %arg9[%get3A_153] {strides = array<i32>} : memref<10112xi32, #tpu.memory_space<vmem>>, vector<16xi32>,
      %gather3A_155 = tpu.vector_load_idx %arg8[%get3A_154] : memref<10240xf32, #tpu.memory_space<vmem>>[vector<16xi32>], vector<16xf32>,
      %swap3A_156 = arith.constant 112 : index
      %swap3A_157 = tpu.vector_load %arg11[%swap3A_156] {strides = array<i32>} : memref<128xf32, #tpu.memory_space<vmem>>, vector<16xf32>,
      tpu.vector_store %arg11[%swap3A_156], %gather3A_155 {strides = array<i32>} : memref<128xf32, #tpu.memory_space<vmem>>, vector<16xf32>,
      %mul3A_158 = arith.constant 128 : i32
      %mul3A_159 = arith.muli %while3A_87, %mul3A_158 : i32
      "tpu.region"() ({
        %run_scoped3A = tpu.sem_alloc : memref<!tpu.dma_semaphore, #tpu.memory_space<semaphore_mem>>
        %dma_start3A = tpu.memref_slice %arg10[%mul3A_159] : memref<10112xi32, #tpu.memory_space<vmem>> -> memref<128xi32, #tpu.memory_space<vmem>>
        %dma_start3A_160 = arith.constant 0 : i32
        %dma_start3A_161 = tpu.memref_slice %arg18[%dma_start3A_160] : memref<10240xf32, #tpu.memory_space<vmem_shared>> -> memref<10240xf32, #tpu.memory_space<vmem_shared>>
        tpu.enqueue_indirect_dma source(%arg11 : memref<128xf32, #tpu.memory_space<vmem>>) target(%dma_start3A_161 : memref<10240xf32, #tpu.memory_space<vmem_shared>>) offsets(%dma_start3A : memref<128xi32, #tpu.memory_space<vmem>>) semaphore(%run_scoped3A : memref<!tpu.dma_semaphore, #tpu.memory_space<semaphore_mem>>) {add = true}
        %dma_wait3A = tpu.memref_slice %arg10[%mul3A_159] : memref<10112xi32, #tpu.memory_space<vmem>> -> memref<128xi32, #tpu.memory_space<vmem>>
        %dma_wait3A_162 = arith.constant 0 : i32
        %dma_wait3A_163 = tpu.memref_slice %arg18[%dma_wait3A_162] : memref<10240xf32, #tpu.memory_space<vmem_shared>> -> memref<10240xf32, #tpu.memory_space<vmem_shared>>
        tpu.wait_indirect_dma semaphore(%run_scoped3A : memref<!tpu.dma_semaphore, #tpu.memory_space<semaphore_mem>>) src(%arg11 : memref<128xf32, #tpu.memory_space<vmem>>) dst(%dma_wait3A_163 : memref<10240xf32, #tpu.memory_space<vmem_shared>>)
        tpu.yield
      }) : () -> ()
    }
    %barrier3A_81 = arith.constant 0 : index
    tpu.barrier barrier_id(%barrier3A_81)
    %eq3A_82 = arith.constant 0 : i32
    %eq3A_83 = arith.cmpi eq, %arg1, %eq3A_82 : i32
    %convert_element_type3A_84 = arith.extui %eq3A_83 : i1 to i32
    %cond3A_85 = arith.constant 0 : i32
    %cond3A_86 = arith.cmpi ne, %convert_element_type3A_84, %cond3A_85 : i32
    scf.if %cond3A_86 {
      "tpu.region"() ({
        %run_scoped3A = tpu.sem_alloc : memref<!tpu.dma_semaphore, #tpu.memory_space<semaphore_mem>>
        tpu.enqueue_dma source(%arg18 : memref<10240xf32, #tpu.memory_space<vmem_shared>>) target(%arg13 : memref<10240xf32, #tpu.memory_space<vmem>>) target_semaphore(%run_scoped3A : memref<!tpu.dma_semaphore, #tpu.memory_space<semaphore_mem>>)
        tpu.wait_dma2 semaphore(%run_scoped3A : memref<!tpu.dma_semaphore, #tpu.memory_space<semaphore_mem>>) src(%arg18 : memref<10240xf32, #tpu.memory_space<vmem_shared>>) dst(%arg13 : memref<10240xf32, #tpu.memory_space<vmem>>)
        tpu.yield
      }) : () -> ()
      "tpu.region"() ({
        %run_scoped3A = tpu.sem_alloc : memref<!tpu.dma_semaphore, #tpu.memory_space<semaphore_mem>>
        tpu.enqueue_dma source(%arg4 : memref<10240xf32, #tpu.memory_space<hbm>>) target(%arg14 : memref<10240xf32, #tpu.memory_space<vmem>>) target_semaphore(%run_scoped3A : memref<!tpu.dma_semaphore, #tpu.memory_space<semaphore_mem>>)
        tpu.wait_dma2 semaphore(%run_scoped3A : memref<!tpu.dma_semaphore, #tpu.memory_space<semaphore_mem>>) src(%arg4 : memref<10240xf32, #tpu.memory_space<hbm>>) dst(%arg14 : memref<10240xf32, #tpu.memory_space<vmem>>)
        tpu.yield
      }) : () -> ()
      "tpu.region"() ({
        %run_scoped3A = tpu.sem_alloc : memref<!tpu.dma_semaphore, #tpu.memory_space<semaphore_mem>>
        tpu.enqueue_dma source(%arg6 : memref<8x16xi32, #tpu.memory_space<hbm>>) target(%arg16 : memref<8x16xi32, #tpu.memory_space<vmem>>) target_semaphore(%run_scoped3A : memref<!tpu.dma_semaphore, #tpu.memory_space<semaphore_mem>>)
        tpu.wait_dma2 semaphore(%run_scoped3A : memref<!tpu.dma_semaphore, #tpu.memory_space<semaphore_mem>>) src(%arg6 : memref<8x16xi32, #tpu.memory_space<hbm>>) dst(%arg16 : memref<8x16xi32, #tpu.memory_space<vmem>>)
        tpu.yield
      }) : () -> ()
      %eq3A_87 = arith.constant 0 : i32
      %eq3A_88 = arith.cmpi eq, %arg0, %eq3A_87 : i32
      %convert_element_type3A_89 = arith.extui %eq3A_88 : i1 to i32
      %cond3A_90 = arith.constant 0 : i32
      %cond3A_91 = arith.cmpi ne, %convert_element_type3A_89, %cond3A_90 : i32
      scf.if %cond3A_91 {
        "tpu.region"() ({
          %run_scoped3A = tpu.sem_alloc : memref<!tpu.dma_semaphore, #tpu.memory_space<semaphore_mem>>
          tpu.enqueue_dma source(%arg5 : memref<10240xf32, #tpu.memory_space<hbm>>) target(%arg15 : memref<10240xf32, #tpu.memory_space<vmem>>) target_semaphore(%run_scoped3A : memref<!tpu.dma_semaphore, #tpu.memory_space<semaphore_mem>>)
          tpu.wait_dma2 semaphore(%run_scoped3A : memref<!tpu.dma_semaphore, #tpu.memory_space<semaphore_mem>>) src(%arg5 : memref<10240xf32, #tpu.memory_space<hbm>>) dst(%arg15 : memref<10240xf32, #tpu.memory_space<vmem>>)
          tpu.yield
        }) : () -> ()
      } else {
      }
      %get3A = arith.constant 0 : i32
      %get3A_92 = arith.index_cast %get3A : i32 to index
      %get3A_93 = arith.constant 0 : index
      %get3A_94 = tpu.vector_load %arg16[%get3A_92, %get3A_93] {strides = array<i32>} : memref<8x16xi32, #tpu.memory_space<vmem>>, vector<16xi32>,
      %gather3A = tpu.vector_load_idx %arg13[%get3A_94] : memref<10240xf32, #tpu.memory_space<vmem>>[vector<16xi32>], vector<16xf32>,
      %gather3A_95 = tpu.vector_load_idx %arg14[%get3A_94] : memref<10240xf32, #tpu.memory_space<vmem>>[vector<16xi32>], vector<16xf32>,
      %mul3A_96 = arith.mulf %gather3A_95, %gather3A : vector<16xf32>
      %swap3A_97 = arith.constant 0 : index
      %swap3A_98 = tpu.vector_load %arg17[%swap3A_97] {strides = array<i32>} : memref<128xf32, #tpu.memory_space<vmem>>, vector<16xf32>,
      tpu.vector_store %arg17[%swap3A_97], %mul3A_96 {strides = array<i32>} : memref<128xf32, #tpu.memory_space<vmem>>, vector<16xf32>,
      %get3A_99 = arith.constant 1 : i32
      %get3A_100 = arith.index_cast %get3A_99 : i32 to index
      %get3A_101 = arith.constant 0 : index
      %get3A_102 = tpu.vector_load %arg16[%get3A_100, %get3A_101] {strides = array<i32>} : memref<8x16xi32, #tpu.memory_space<vmem>>, vector<16xi32>,
      %gather3A_103 = tpu.vector_load_idx %arg13[%get3A_102] : memref<10240xf32, #tpu.memory_space<vmem>>[vector<16xi32>], vector<16xf32>,
      %gather3A_104 = tpu.vector_load_idx %arg14[%get3A_102] : memref<10240xf32, #tpu.memory_space<vmem>>[vector<16xi32>], vector<16xf32>,
      %mul3A_105 = arith.mulf %gather3A_104, %gather3A_103 : vector<16xf32>
      %swap3A_106 = arith.constant 16 : index
      %swap3A_107 = tpu.vector_load %arg17[%swap3A_106] {strides = array<i32>} : memref<128xf32, #tpu.memory_space<vmem>>, vector<16xf32>,
      tpu.vector_store %arg17[%swap3A_106], %mul3A_105 {strides = array<i32>} : memref<128xf32, #tpu.memory_space<vmem>>, vector<16xf32>,
      %get3A_108 = arith.constant 2 : i32
      %get3A_109 = arith.index_cast %get3A_108 : i32 to index
      %get3A_110 = arith.constant 0 : index
      %get3A_111 = tpu.vector_load %arg16[%get3A_109, %get3A_110] {strides = array<i32>} : memref<8x16xi32, #tpu.memory_space<vmem>>, vector<16xi32>,
      %gather3A_112 = tpu.vector_load_idx %arg13[%get3A_111] : memref<10240xf32, #tpu.memory_space<vmem>>[vector<16xi32>], vector<16xf32>,
      %gather3A_113 = tpu.vector_load_idx %arg14[%get3A_111] : memref<10240xf32, #tpu.memory_space<vmem>>[vector<16xi32>], vector<16xf32>,
      %mul3A_114 = arith.mulf %gather3A_113, %gather3A_112 : vector<16xf32>
      %swap3A_115 = arith.constant 32 : index
      %swap3A_116 = tpu.vector_load %arg17[%swap3A_115] {strides = array<i32>} : memref<128xf32, #tpu.memory_space<vmem>>, vector<16xf32>,
      tpu.vector_store %arg17[%swap3A_115], %mul3A_114 {strides = array<i32>} : memref<128xf32, #tpu.memory_space<vmem>>, vector<16xf32>,
      %get3A_117 = arith.constant 3 : i32
      %get3A_118 = arith.index_cast %get3A_117 : i32 to index
      %get3A_119 = arith.constant 0 : index
      %get3A_120 = tpu.vector_load %arg16[%get3A_118, %get3A_119] {strides = array<i32>} : memref<8x16xi32, #tpu.memory_space<vmem>>, vector<16xi32>,
      %gather3A_121 = tpu.vector_load_idx %arg13[%get3A_120] : memref<10240xf32, #tpu.memory_space<vmem>>[vector<16xi32>], vector<16xf32>,
      %gather3A_122 = tpu.vector_load_idx %arg14[%get3A_120] : memref<10240xf32, #tpu.memory_space<vmem>>[vector<16xi32>], vector<16xf32>,
      %mul3A_123 = arith.mulf %gather3A_122, %gather3A_121 : vector<16xf32>
      %swap3A_124 = arith.constant 48 : index
      %swap3A_125 = tpu.vector_load %arg17[%swap3A_124] {strides = array<i32>} : memref<128xf32, #tpu.memory_space<vmem>>, vector<16xf32>,
      tpu.vector_store %arg17[%swap3A_124], %mul3A_123 {strides = array<i32>} : memref<128xf32, #tpu.memory_space<vmem>>, vector<16xf32>,
      %get3A_126 = arith.constant 4 : i32
      %get3A_127 = arith.index_cast %get3A_126 : i32 to index
      %get3A_128 = arith.constant 0 : index
      %get3A_129 = tpu.vector_load %arg16[%get3A_127, %get3A_128] {strides = array<i32>} : memref<8x16xi32, #tpu.memory_space<vmem>>, vector<16xi32>,
      %gather3A_130 = tpu.vector_load_idx %arg13[%get3A_129] : memref<10240xf32, #tpu.memory_space<vmem>>[vector<16xi32>], vector<16xf32>,
      %gather3A_131 = tpu.vector_load_idx %arg14[%get3A_129] : memref<10240xf32, #tpu.memory_space<vmem>>[vector<16xi32>], vector<16xf32>,
      %mul3A_132 = arith.mulf %gather3A_131, %gather3A_130 : vector<16xf32>
      %swap3A_133 = arith.constant 64 : index
      %swap3A_134 = tpu.vector_load %arg17[%swap3A_133] {strides = array<i32>} : memref<128xf32, #tpu.memory_space<vmem>>, vector<16xf32>,
      tpu.vector_store %arg17[%swap3A_133], %mul3A_132 {strides = array<i32>} : memref<128xf32, #tpu.memory_space<vmem>>, vector<16xf32>,
      %get3A_135 = arith.constant 5 : i32
      %get3A_136 = arith.index_cast %get3A_135 : i32 to index
      %get3A_137 = arith.constant 0 : index
      %get3A_138 = tpu.vector_load %arg16[%get3A_136, %get3A_137] {strides = array<i32>} : memref<8x16xi32, #tpu.memory_space<vmem>>, vector<16xi32>,
      %gather3A_139 = tpu.vector_load_idx %arg13[%get3A_138] : memref<10240xf32, #tpu.memory_space<vmem>>[vector<16xi32>], vector<16xf32>,
      %gather3A_140 = tpu.vector_load_idx %arg14[%get3A_138] : memref<10240xf32, #tpu.memory_space<vmem>>[vector<16xi32>], vector<16xf32>,
      %mul3A_141 = arith.mulf %gather3A_140, %gather3A_139 : vector<16xf32>
      %swap3A_142 = arith.constant 80 : index
      %swap3A_143 = tpu.vector_load %arg17[%swap3A_142] {strides = array<i32>} : memref<128xf32, #tpu.memory_space<vmem>>, vector<16xf32>,
      tpu.vector_store %arg17[%swap3A_142], %mul3A_141 {strides = array<i32>} : memref<128xf32, #tpu.memory_space<vmem>>, vector<16xf32>,
      %get3A_144 = arith.constant 6 : i32
      %get3A_145 = arith.index_cast %get3A_144 : i32 to index
      %get3A_146 = arith.constant 0 : index
      %get3A_147 = tpu.vector_load %arg16[%get3A_145, %get3A_146] {strides = array<i32>} : memref<8x16xi32, #tpu.memory_space<vmem>>, vector<16xi32>,
      %gather3A_148 = tpu.vector_load_idx %arg13[%get3A_147] : memref<10240xf32, #tpu.memory_space<vmem>>[vector<16xi32>], vector<16xf32>,
      %gather3A_149 = tpu.vector_load_idx %arg14[%get3A_147] : memref<10240xf32, #tpu.memory_space<vmem>>[vector<16xi32>], vector<16xf32>,
      %mul3A_150 = arith.mulf %gather3A_149, %gather3A_148 : vector<16xf32>
      %swap3A_151 = arith.constant 96 : index
      %swap3A_152 = tpu.vector_load %arg17[%swap3A_151] {strides = array<i32>} : memref<128xf32, #tpu.memory_space<vmem>>, vector<16xf32>,
      tpu.vector_store %arg17[%swap3A_151], %mul3A_150 {strides = array<i32>} : memref<128xf32, #tpu.memory_space<vmem>>, vector<16xf32>,
      %get3A_153 = arith.constant 7 : i32
      %get3A_154 = arith.index_cast %get3A_153 : i32 to index
      %get3A_155 = arith.constant 0 : index
      %get3A_156 = tpu.vector_load %arg16[%get3A_154, %get3A_155] {strides = array<i32>} : memref<8x16xi32, #tpu.memory_space<vmem>>, vector<16xi32>,
      %gather3A_157 = tpu.vector_load_idx %arg13[%get3A_156] : memref<10240xf32, #tpu.memory_space<vmem>>[vector<16xi32>], vector<16xf32>,
      %gather3A_158 = tpu.vector_load_idx %arg14[%get3A_156] : memref<10240xf32, #tpu.memory_space<vmem>>[vector<16xi32>], vector<16xf32>,
      %mul3A_159 = arith.mulf %gather3A_158, %gather3A_157 : vector<16xf32>
      %swap3A_160 = arith.constant 112 : index
      %swap3A_161 = tpu.vector_load %arg17[%swap3A_160] {strides = array<i32>} : memref<128xf32, #tpu.memory_space<vmem>>, vector<16xf32>,
      tpu.vector_store %arg17[%swap3A_160], %mul3A_159 {strides = array<i32>} : memref<128xf32, #tpu.memory_space<vmem>>, vector<16xf32>,
      %eq3A_162 = arith.constant 0 : i32
      %eq3A_163 = arith.cmpi eq, %arg0, %eq3A_162 : i32
      %convert_element_type3A_164 = arith.extui %eq3A_163 : i1 to i32
      %cond3A_165 = arith.constant 0 : i32
      %cond3A_166 = arith.cmpi ne, %convert_element_type3A_164, %cond3A_165 : i32
      scf.if %cond3A_166 {
        %get3A_167 = arith.constant 0 : i32
        %get3A_168 = arith.index_cast %get3A_167 : i32 to index
        %get3A_169 = arith.constant 0 : index
        %get3A_170 = tpu.vector_load %arg16[%get3A_168, %get3A_169] {strides = array<i32>} : memref<8x16xi32, #tpu.memory_space<vmem>>, vector<16xi32>,
        %gather3A_171 = tpu.vector_load_idx %arg15[%get3A_170] : memref<10240xf32, #tpu.memory_space<vmem>>[vector<16xi32>], vector<16xf32>,
        %get3A_172 = arith.constant 0 : index
        %get3A_173 = tpu.vector_load %arg17[%get3A_172] {strides = array<i32>} : memref<128xf32, #tpu.memory_space<vmem>>, vector<16xf32>,
        %add3A_174 = arith.addf %get3A_173, %gather3A_171 : vector<16xf32>
        %swap3A_175 = arith.constant 0 : index
        %swap3A_176 = tpu.vector_load %arg17[%swap3A_175] {strides = array<i32>} : memref<128xf32, #tpu.memory_space<vmem>>, vector<16xf32>,
        tpu.vector_store %arg17[%swap3A_175], %add3A_174 {strides = array<i32>} : memref<128xf32, #tpu.memory_space<vmem>>, vector<16xf32>,
        %get3A_177 = arith.constant 1 : i32
        %get3A_178 = arith.index_cast %get3A_177 : i32 to index
        %get3A_179 = arith.constant 0 : index
        %get3A_180 = tpu.vector_load %arg16[%get3A_178, %get3A_179] {strides = array<i32>} : memref<8x16xi32, #tpu.memory_space<vmem>>, vector<16xi32>,
        %gather3A_181 = tpu.vector_load_idx %arg15[%get3A_180] : memref<10240xf32, #tpu.memory_space<vmem>>[vector<16xi32>], vector<16xf32>,
        %get3A_182 = arith.constant 16 : index
        %get3A_183 = tpu.vector_load %arg17[%get3A_182] {strides = array<i32>} : memref<128xf32, #tpu.memory_space<vmem>>, vector<16xf32>,
        %add3A_184 = arith.addf %get3A_183, %gather3A_181 : vector<16xf32>
        %swap3A_185 = arith.constant 16 : index
        %swap3A_186 = tpu.vector_load %arg17[%swap3A_185] {strides = array<i32>} : memref<128xf32, #tpu.memory_space<vmem>>, vector<16xf32>,
        tpu.vector_store %arg17[%swap3A_185], %add3A_184 {strides = array<i32>} : memref<128xf32, #tpu.memory_space<vmem>>, vector<16xf32>,
        %get3A_187 = arith.constant 2 : i32
        %get3A_188 = arith.index_cast %get3A_187 : i32 to index
        %get3A_189 = arith.constant 0 : index
        %get3A_190 = tpu.vector_load %arg16[%get3A_188, %get3A_189] {strides = array<i32>} : memref<8x16xi32, #tpu.memory_space<vmem>>, vector<16xi32>,
        %gather3A_191 = tpu.vector_load_idx %arg15[%get3A_190] : memref<10240xf32, #tpu.memory_space<vmem>>[vector<16xi32>], vector<16xf32>,
        %get3A_192 = arith.constant 32 : index
        %get3A_193 = tpu.vector_load %arg17[%get3A_192] {strides = array<i32>} : memref<128xf32, #tpu.memory_space<vmem>>, vector<16xf32>,
        %add3A_194 = arith.addf %get3A_193, %gather3A_191 : vector<16xf32>
        %swap3A_195 = arith.constant 32 : index
        %swap3A_196 = tpu.vector_load %arg17[%swap3A_195] {strides = array<i32>} : memref<128xf32, #tpu.memory_space<vmem>>, vector<16xf32>,
        tpu.vector_store %arg17[%swap3A_195], %add3A_194 {strides = array<i32>} : memref<128xf32, #tpu.memory_space<vmem>>, vector<16xf32>,
        %get3A_197 = arith.constant 3 : i32
        %get3A_198 = arith.index_cast %get3A_197 : i32 to index
        %get3A_199 = arith.constant 0 : index
        %get3A_200 = tpu.vector_load %arg16[%get3A_198, %get3A_199] {strides = array<i32>} : memref<8x16xi32, #tpu.memory_space<vmem>>, vector<16xi32>,
        %gather3A_201 = tpu.vector_load_idx %arg15[%get3A_200] : memref<10240xf32, #tpu.memory_space<vmem>>[vector<16xi32>], vector<16xf32>,
        %get3A_202 = arith.constant 48 : index
        %get3A_203 = tpu.vector_load %arg17[%get3A_202] {strides = array<i32>} : memref<128xf32, #tpu.memory_space<vmem>>, vector<16xf32>,
        %add3A_204 = arith.addf %get3A_203, %gather3A_201 : vector<16xf32>
        %swap3A_205 = arith.constant 48 : index
        %swap3A_206 = tpu.vector_load %arg17[%swap3A_205] {strides = array<i32>} : memref<128xf32, #tpu.memory_space<vmem>>, vector<16xf32>,
        tpu.vector_store %arg17[%swap3A_205], %add3A_204 {strides = array<i32>} : memref<128xf32, #tpu.memory_space<vmem>>, vector<16xf32>,
        %get3A_207 = arith.constant 4 : i32
        %get3A_208 = arith.index_cast %get3A_207 : i32 to index
        %get3A_209 = arith.constant 0 : index
        %get3A_210 = tpu.vector_load %arg16[%get3A_208, %get3A_209] {strides = array<i32>} : memref<8x16xi32, #tpu.memory_space<vmem>>, vector<16xi32>,
        %gather3A_211 = tpu.vector_load_idx %arg15[%get3A_210] : memref<10240xf32, #tpu.memory_space<vmem>>[vector<16xi32>], vector<16xf32>,
        %get3A_212 = arith.constant 64 : index
        %get3A_213 = tpu.vector_load %arg17[%get3A_212] {strides = array<i32>} : memref<128xf32, #tpu.memory_space<vmem>>, vector<16xf32>,
        %add3A_214 = arith.addf %get3A_213, %gather3A_211 : vector<16xf32>
        %swap3A_215 = arith.constant 64 : index
        %swap3A_216 = tpu.vector_load %arg17[%swap3A_215] {strides = array<i32>} : memref<128xf32, #tpu.memory_space<vmem>>, vector<16xf32>,
        tpu.vector_store %arg17[%swap3A_215], %add3A_214 {strides = array<i32>} : memref<128xf32, #tpu.memory_space<vmem>>, vector<16xf32>,
        %get3A_217 = arith.constant 5 : i32
        %get3A_218 = arith.index_cast %get3A_217 : i32 to index
        %get3A_219 = arith.constant 0 : index
        %get3A_220 = tpu.vector_load %arg16[%get3A_218, %get3A_219] {strides = array<i32>} : memref<8x16xi32, #tpu.memory_space<vmem>>, vector<16xi32>,
        %gather3A_221 = tpu.vector_load_idx %arg15[%get3A_220] : memref<10240xf32, #tpu.memory_space<vmem>>[vector<16xi32>], vector<16xf32>,
        %get3A_222 = arith.constant 80 : index
        %get3A_223 = tpu.vector_load %arg17[%get3A_222] {strides = array<i32>} : memref<128xf32, #tpu.memory_space<vmem>>, vector<16xf32>,
        %add3A_224 = arith.addf %get3A_223, %gather3A_221 : vector<16xf32>
        %swap3A_225 = arith.constant 80 : index
        %swap3A_226 = tpu.vector_load %arg17[%swap3A_225] {strides = array<i32>} : memref<128xf32, #tpu.memory_space<vmem>>, vector<16xf32>,
        tpu.vector_store %arg17[%swap3A_225], %add3A_224 {strides = array<i32>} : memref<128xf32, #tpu.memory_space<vmem>>, vector<16xf32>,
        %get3A_227 = arith.constant 6 : i32
        %get3A_228 = arith.index_cast %get3A_227 : i32 to index
        %get3A_229 = arith.constant 0 : index
        %get3A_230 = tpu.vector_load %arg16[%get3A_228, %get3A_229] {strides = array<i32>} : memref<8x16xi32, #tpu.memory_space<vmem>>, vector<16xi32>,
        %gather3A_231 = tpu.vector_load_idx %arg15[%get3A_230] : memref<10240xf32, #tpu.memory_space<vmem>>[vector<16xi32>], vector<16xf32>,
        %get3A_232 = arith.constant 96 : index
        %get3A_233 = tpu.vector_load %arg17[%get3A_232] {strides = array<i32>} : memref<128xf32, #tpu.memory_space<vmem>>, vector<16xf32>,
        %add3A_234 = arith.addf %get3A_233, %gather3A_231 : vector<16xf32>
        %swap3A_235 = arith.constant 96 : index
        %swap3A_236 = tpu.vector_load %arg17[%swap3A_235] {strides = array<i32>} : memref<128xf32, #tpu.memory_space<vmem>>, vector<16xf32>,
        tpu.vector_store %arg17[%swap3A_235], %add3A_234 {strides = array<i32>} : memref<128xf32, #tpu.memory_space<vmem>>, vector<16xf32>,
        %get3A_237 = arith.constant 7 : i32
        %get3A_238 = arith.index_cast %get3A_237 : i32 to index
        %get3A_239 = arith.constant 0 : index
        %get3A_240 = tpu.vector_load %arg16[%get3A_238, %get3A_239] {strides = array<i32>} : memref<8x16xi32, #tpu.memory_space<vmem>>, vector<16xi32>,
        %gather3A_241 = tpu.vector_load_idx %arg15[%get3A_240] : memref<10240xf32, #tpu.memory_space<vmem>>[vector<16xi32>], vector<16xf32>,
        %get3A_242 = arith.constant 112 : index
        %get3A_243 = tpu.vector_load %arg17[%get3A_242] {strides = array<i32>} : memref<128xf32, #tpu.memory_space<vmem>>, vector<16xf32>,
        %add3A_244 = arith.addf %get3A_243, %gather3A_241 : vector<16xf32>
        %swap3A_245 = arith.constant 112 : index
        %swap3A_246 = tpu.vector_load %arg17[%swap3A_245] {strides = array<i32>} : memref<128xf32, #tpu.memory_space<vmem>>, vector<16xf32>,
        tpu.vector_store %arg17[%swap3A_245], %add3A_244 {strides = array<i32>} : memref<128xf32, #tpu.memory_space<vmem>>, vector<16xf32>,
      } else {
      }
      "tpu.region"() ({
        %run_scoped3A = tpu.sem_alloc : memref<!tpu.dma_semaphore, #tpu.memory_space<semaphore_mem>>
        %dma_start3A = arith.constant 0 : i32
        %dma_start3A_167 = tpu.memref_slice %arg7[%arg0, %dma_start3A] : memref<2x128xf32, #tpu.memory_space<hbm>> -> memref<1x128xf32, #tpu.memory_space<hbm>>
        %dma_start3A_168 = tpu.memref_squeeze %dma_start3A_167 : memref<1x128xf32, #tpu.memory_space<hbm>> -> memref<128xf32, #tpu.memory_space<hbm>>
        %dma_start3A_169 = arith.constant 0 : i32
        %dma_start3A_170 = tpu.memref_slice %arg7[%arg0, %dma_start3A_169] : memref<2x128xf32, #tpu.memory_space<hbm>> -> memref<1x128xf32, #tpu.memory_space<hbm>>
        %dma_start3A_171 = tpu.memref_squeeze %dma_start3A_170 : memref<1x128xf32, #tpu.memory_space<hbm>> -> memref<128xf32, #tpu.memory_space<hbm>>
        tpu.enqueue_dma source(%arg17 : memref<128xf32, #tpu.memory_space<vmem>>) target(%dma_start3A_171 : memref<128xf32, #tpu.memory_space<hbm>>) target_semaphore(%run_scoped3A : memref<!tpu.dma_semaphore, #tpu.memory_space<semaphore_mem>>)
        %dma_wait3A = arith.constant 0 : i32
        %dma_wait3A_172 = tpu.memref_slice %arg7[%arg0, %dma_wait3A] : memref<2x128xf32, #tpu.memory_space<hbm>> -> memref<1x128xf32, #tpu.memory_space<hbm>>
        %dma_wait3A_173 = tpu.memref_squeeze %dma_wait3A_172 : memref<1x128xf32, #tpu.memory_space<hbm>> -> memref<128xf32, #tpu.memory_space<hbm>>
        %dma_wait3A_174 = arith.constant 0 : i32
        %dma_wait3A_175 = tpu.memref_slice %arg7[%arg0, %dma_wait3A_174] : memref<2x128xf32, #tpu.memory_space<hbm>> -> memref<1x128xf32, #tpu.memory_space<hbm>>
        %dma_wait3A_176 = tpu.memref_squeeze %dma_wait3A_175 : memref<1x128xf32, #tpu.memory_space<hbm>> -> memref<128xf32, #tpu.memory_space<hbm>>
        tpu.wait_dma2 semaphore(%run_scoped3A : memref<!tpu.dma_semaphore, #tpu.memory_space<semaphore_mem>>) src(%arg17 : memref<128xf32, #tpu.memory_space<vmem>>) dst(%dma_wait3A_176 : memref<128xf32, #tpu.memory_space<hbm>>)
        tpu.yield
      }) : () -> ()
    } else {
    }
    return
  }
}

#map = affine_map<(d0, d1) -> (0, 0)>
#map1 = affine_map<(d0, d1) -> (0, 0, 0)>
module attributes {stable_mosaic.version = 14 : i64} {
  func.func @_sc_c(%arg0: i32, %arg1: i32, %arg2: memref<10240x64xf32, #tpu.memory_space<hbm>>, %arg3: memref<2x320000xi32, #tpu.memory_space<hbm>>, %arg4: memref<2x10240x64xf32, #tpu.memory_space<hbm>>, %arg5: memref<10112xi32, #tpu.memory_space<vmem>>, %arg6: memref<10112xi32, #tpu.memory_space<vmem>>, %arg7: memref<2x128x64xf32, #tpu.memory_space<vmem>>, %arg8: memref<128x64xf32, #tpu.memory_space<vmem>>, %arg9: memref<10240x64xf32, #tpu.memory_space<vmem_shared>>, %arg10: memref<10240x64xf32, #tpu.memory_space<vmem_shared>>, %arg11: memref<!tpu.dma_semaphore, #tpu.memory_space<semaphore_mem>>, %arg12: memref<!tpu.dma_semaphore, #tpu.memory_space<semaphore_mem>>) attributes {dimension_semantics = [#tpu.dimension_semantics<core_parallel>, #tpu.dimension_semantics<subcore_parallel>], iteration_bounds = array<i64: 2, 16>, scalar_prefetch = 0 : i64, scratch_operands = 8 : i64, tpu.core_type = #tpu.core_type<sc_vector_subcore>, window_params = [{transform_indices = #map}, {transform_indices = #map}, {transform_indices = #map1}]} {
    %mul3A = arith.constant 16 : i32
    %mul3A_0 = arith.muli %arg0, %mul3A : i32
    %add3A = arith.addi %mul3A_0, %arg1 : i32
    %eq3A = arith.constant 31 : i32
    %eq3A_1 = arith.cmpi eq, %add3A, %eq3A : i32
    %jit3A = arith.constant 51 : i32
    %jit3A_2 = arith.constant 79 : i32
    %select_n3A = arith.select %eq3A_1, %jit3A, %jit3A_2 : i32
    %scan3A = arith.constant 0 : i32
    %scan3A_3 = arith.constant 0 : i32
    %scan3A_4 = arith.constant 128 : i32
    %scan3A_5 = arith.addi %scan3A_3, %scan3A_4 : i32
    %scan3A_6 = arith.constant 1 : i32
    scf.for %scan3A_149 = %scan3A_3 to %scan3A_5 step %scan3A_6  : i32 {
      %broadcast_in_dim3A = arith.constant 0.000000e+00 : f32
      %broadcast_in_dim3A_150 = vector.broadcast %broadcast_in_dim3A : f32 to vector<16xf32>
      %swap3A = arith.index_cast %scan3A_149 : i32 to index
      %swap3A_151 = arith.constant 0 : index
      %swap3A_152 = tpu.vector_load %arg8[%swap3A, %swap3A_151] {strides = array<i32>} : memref<128x64xf32, #tpu.memory_space<vmem>>, vector<16xf32>,
      tpu.vector_store %arg8[%swap3A, %swap3A_151], %broadcast_in_dim3A_150 {strides = array<i32>} : memref<128x64xf32, #tpu.memory_space<vmem>>, vector<16xf32>,
      %broadcast_in_dim3A_153 = arith.constant 0.000000e+00 : f32
      %broadcast_in_dim3A_154 = vector.broadcast %broadcast_in_dim3A_153 : f32 to vector<16xf32>
      %swap3A_155 = arith.index_cast %scan3A_149 : i32 to index
      %swap3A_156 = arith.constant 16 : index
      %swap3A_157 = tpu.vector_load %arg8[%swap3A_155, %swap3A_156] {strides = array<i32>} : memref<128x64xf32, #tpu.memory_space<vmem>>, vector<16xf32>,
      tpu.vector_store %arg8[%swap3A_155, %swap3A_156], %broadcast_in_dim3A_154 {strides = array<i32>} : memref<128x64xf32, #tpu.memory_space<vmem>>, vector<16xf32>,
      %broadcast_in_dim3A_158 = arith.constant 0.000000e+00 : f32
      %broadcast_in_dim3A_159 = vector.broadcast %broadcast_in_dim3A_158 : f32 to vector<16xf32>
      %swap3A_160 = arith.index_cast %scan3A_149 : i32 to index
      %swap3A_161 = arith.constant 32 : index
      %swap3A_162 = tpu.vector_load %arg8[%swap3A_160, %swap3A_161] {strides = array<i32>} : memref<128x64xf32, #tpu.memory_space<vmem>>, vector<16xf32>,
      tpu.vector_store %arg8[%swap3A_160, %swap3A_161], %broadcast_in_dim3A_159 {strides = array<i32>} : memref<128x64xf32, #tpu.memory_space<vmem>>, vector<16xf32>,
      %broadcast_in_dim3A_163 = arith.constant 0.000000e+00 : f32
      %broadcast_in_dim3A_164 = vector.broadcast %broadcast_in_dim3A_163 : f32 to vector<16xf32>
      %swap3A_165 = arith.index_cast %scan3A_149 : i32 to index
      %swap3A_166 = arith.constant 48 : index
      %swap3A_167 = tpu.vector_load %arg8[%swap3A_165, %swap3A_166] {strides = array<i32>} : memref<128x64xf32, #tpu.memory_space<vmem>>, vector<16xf32>,
      tpu.vector_store %arg8[%swap3A_165, %swap3A_166], %broadcast_in_dim3A_164 {strides = array<i32>} : memref<128x64xf32, #tpu.memory_space<vmem>>, vector<16xf32>,
    }
    %scan3A_7 = arith.constant 128 : i32
    %mul3A_8 = arith.constant 640 : i32
    %mul3A_9 = arith.muli %arg1, %mul3A_8 : i32
    %add3A_10 = arith.constant 0 : i32
    %add3A_11 = arith.addi %mul3A_9, %add3A_10 : i32
    "tpu.region"() ({
      %run_scoped3A = tpu.sem_alloc : memref<!tpu.dma_semaphore, #tpu.memory_space<semaphore_mem>>
      %dma_start3A_149 = arith.constant 0 : i32
      %dma_start3A_150 = tpu.memref_slice %arg10[%add3A_11, %dma_start3A_149] : memref<10240x64xf32, #tpu.memory_space<vmem_shared>> -> memref<128x64xf32, #tpu.memory_space<vmem_shared>>
      %dma_start3A_151 = arith.constant 0 : i32
      %dma_start3A_152 = tpu.memref_slice %arg10[%add3A_11, %dma_start3A_151] : memref<10240x64xf32, #tpu.memory_space<vmem_shared>> -> memref<128x64xf32, #tpu.memory_space<vmem_shared>>
      tpu.enqueue_dma source(%arg8 : memref<128x64xf32, #tpu.memory_space<vmem>>) target(%dma_start3A_152 : memref<128x64xf32, #tpu.memory_space<vmem_shared>>) target_semaphore(%run_scoped3A : memref<!tpu.dma_semaphore, #tpu.memory_space<semaphore_mem>>)
      %dma_wait3A = arith.constant 0 : i32
      %dma_wait3A_153 = tpu.memref_slice %arg10[%add3A_11, %dma_wait3A] : memref<10240x64xf32, #tpu.memory_space<vmem_shared>> -> memref<128x64xf32, #tpu.memory_space<vmem_shared>>
      %dma_wait3A_154 = arith.constant 0 : i32
      %dma_wait3A_155 = tpu.memref_slice %arg10[%add3A_11, %dma_wait3A_154] : memref<10240x64xf32, #tpu.memory_space<vmem_shared>> -> memref<128x64xf32, #tpu.memory_space<vmem_shared>>
      tpu.wait_dma2 semaphore(%run_scoped3A : memref<!tpu.dma_semaphore, #tpu.memory_space<semaphore_mem>>) src(%arg8 : memref<128x64xf32, #tpu.memory_space<vmem>>) dst(%dma_wait3A_155 : memref<128x64xf32, #tpu.memory_space<vmem_shared>>)
      tpu.yield
    }) : () -> ()
    %mul3A_12 = arith.constant 640 : i32
    %mul3A_13 = arith.muli %arg1, %mul3A_12 : i32
    %add3A_14 = arith.constant 128 : i32
    %add3A_15 = arith.addi %mul3A_13, %add3A_14 : i32
    "tpu.region"() ({
      %run_scoped3A = tpu.sem_alloc : memref<!tpu.dma_semaphore, #tpu.memory_space<semaphore_mem>>
      %dma_start3A_149 = arith.constant 0 : i32
      %dma_start3A_150 = tpu.memref_slice %arg10[%add3A_15, %dma_start3A_149] : memref<10240x64xf32, #tpu.memory_space<vmem_shared>> -> memref<128x64xf32, #tpu.memory_space<vmem_shared>>
      %dma_start3A_151 = arith.constant 0 : i32
      %dma_start3A_152 = tpu.memref_slice %arg10[%add3A_15, %dma_start3A_151] : memref<10240x64xf32, #tpu.memory_space<vmem_shared>> -> memref<128x64xf32, #tpu.memory_space<vmem_shared>>
      tpu.enqueue_dma source(%arg8 : memref<128x64xf32, #tpu.memory_space<vmem>>) target(%dma_start3A_152 : memref<128x64xf32, #tpu.memory_space<vmem_shared>>) target_semaphore(%run_scoped3A : memref<!tpu.dma_semaphore, #tpu.memory_space<semaphore_mem>>)
      %dma_wait3A = arith.constant 0 : i32
      %dma_wait3A_153 = tpu.memref_slice %arg10[%add3A_15, %dma_wait3A] : memref<10240x64xf32, #tpu.memory_space<vmem_shared>> -> memref<128x64xf32, #tpu.memory_space<vmem_shared>>
      %dma_wait3A_154 = arith.constant 0 : i32
      %dma_wait3A_155 = tpu.memref_slice %arg10[%add3A_15, %dma_wait3A_154] : memref<10240x64xf32, #tpu.memory_space<vmem_shared>> -> memref<128x64xf32, #tpu.memory_space<vmem_shared>>
      tpu.wait_dma2 semaphore(%run_scoped3A : memref<!tpu.dma_semaphore, #tpu.memory_space<semaphore_mem>>) src(%arg8 : memref<128x64xf32, #tpu.memory_space<vmem>>) dst(%dma_wait3A_155 : memref<128x64xf32, #tpu.memory_space<vmem_shared>>)
      tpu.yield
    }) : () -> ()
    %mul3A_16 = arith.constant 640 : i32
    %mul3A_17 = arith.muli %arg1, %mul3A_16 : i32
    %add3A_18 = arith.constant 256 : i32
    %add3A_19 = arith.addi %mul3A_17, %add3A_18 : i32
    "tpu.region"() ({
      %run_scoped3A = tpu.sem_alloc : memref<!tpu.dma_semaphore, #tpu.memory_space<semaphore_mem>>
      %dma_start3A_149 = arith.constant 0 : i32
      %dma_start3A_150 = tpu.memref_slice %arg10[%add3A_19, %dma_start3A_149] : memref<10240x64xf32, #tpu.memory_space<vmem_shared>> -> memref<128x64xf32, #tpu.memory_space<vmem_shared>>
      %dma_start3A_151 = arith.constant 0 : i32
      %dma_start3A_152 = tpu.memref_slice %arg10[%add3A_19, %dma_start3A_151] : memref<10240x64xf32, #tpu.memory_space<vmem_shared>> -> memref<128x64xf32, #tpu.memory_space<vmem_shared>>
      tpu.enqueue_dma source(%arg8 : memref<128x64xf32, #tpu.memory_space<vmem>>) target(%dma_start3A_152 : memref<128x64xf32, #tpu.memory_space<vmem_shared>>) target_semaphore(%run_scoped3A : memref<!tpu.dma_semaphore, #tpu.memory_space<semaphore_mem>>)
      %dma_wait3A = arith.constant 0 : i32
      %dma_wait3A_153 = tpu.memref_slice %arg10[%add3A_19, %dma_wait3A] : memref<10240x64xf32, #tpu.memory_space<vmem_shared>> -> memref<128x64xf32, #tpu.memory_space<vmem_shared>>
      %dma_wait3A_154 = arith.constant 0 : i32
      %dma_wait3A_155 = tpu.memref_slice %arg10[%add3A_19, %dma_wait3A_154] : memref<10240x64xf32, #tpu.memory_space<vmem_shared>> -> memref<128x64xf32, #tpu.memory_space<vmem_shared>>
      tpu.wait_dma2 semaphore(%run_scoped3A : memref<!tpu.dma_semaphore, #tpu.memory_space<semaphore_mem>>) src(%arg8 : memref<128x64xf32, #tpu.memory_space<vmem>>) dst(%dma_wait3A_155 : memref<128x64xf32, #tpu.memory_space<vmem_shared>>)
      tpu.yield
    }) : () -> ()
    %mul3A_20 = arith.constant 640 : i32
    %mul3A_21 = arith.muli %arg1, %mul3A_20 : i32
    %add3A_22 = arith.constant 384 : i32
    %add3A_23 = arith.addi %mul3A_21, %add3A_22 : i32
    "tpu.region"() ({
      %run_scoped3A = tpu.sem_alloc : memref<!tpu.dma_semaphore, #tpu.memory_space<semaphore_mem>>
      %dma_start3A_149 = arith.constant 0 : i32
      %dma_start3A_150 = tpu.memref_slice %arg10[%add3A_23, %dma_start3A_149] : memref<10240x64xf32, #tpu.memory_space<vmem_shared>> -> memref<128x64xf32, #tpu.memory_space<vmem_shared>>
      %dma_start3A_151 = arith.constant 0 : i32
      %dma_start3A_152 = tpu.memref_slice %arg10[%add3A_23, %dma_start3A_151] : memref<10240x64xf32, #tpu.memory_space<vmem_shared>> -> memref<128x64xf32, #tpu.memory_space<vmem_shared>>
      tpu.enqueue_dma source(%arg8 : memref<128x64xf32, #tpu.memory_space<vmem>>) target(%dma_start3A_152 : memref<128x64xf32, #tpu.memory_space<vmem_shared>>) target_semaphore(%run_scoped3A : memref<!tpu.dma_semaphore, #tpu.memory_space<semaphore_mem>>)
      %dma_wait3A = arith.constant 0 : i32
      %dma_wait3A_153 = tpu.memref_slice %arg10[%add3A_23, %dma_wait3A] : memref<10240x64xf32, #tpu.memory_space<vmem_shared>> -> memref<128x64xf32, #tpu.memory_space<vmem_shared>>
      %dma_wait3A_154 = arith.constant 0 : i32
      %dma_wait3A_155 = tpu.memref_slice %arg10[%add3A_23, %dma_wait3A_154] : memref<10240x64xf32, #tpu.memory_space<vmem_shared>> -> memref<128x64xf32, #tpu.memory_space<vmem_shared>>
      tpu.wait_dma2 semaphore(%run_scoped3A : memref<!tpu.dma_semaphore, #tpu.memory_space<semaphore_mem>>) src(%arg8 : memref<128x64xf32, #tpu.memory_space<vmem>>) dst(%dma_wait3A_155 : memref<128x64xf32, #tpu.memory_space<vmem_shared>>)
      tpu.yield
    }) : () -> ()
    %mul3A_24 = arith.constant 640 : i32
    %mul3A_25 = arith.muli %arg1, %mul3A_24 : i32
    %add3A_26 = arith.constant 512 : i32
    %add3A_27 = arith.addi %mul3A_25, %add3A_26 : i32
    "tpu.region"() ({
      %run_scoped3A = tpu.sem_alloc : memref<!tpu.dma_semaphore, #tpu.memory_space<semaphore_mem>>
      %dma_start3A_149 = arith.constant 0 : i32
      %dma_start3A_150 = tpu.memref_slice %arg10[%add3A_27, %dma_start3A_149] : memref<10240x64xf32, #tpu.memory_space<vmem_shared>> -> memref<128x64xf32, #tpu.memory_space<vmem_shared>>
      %dma_start3A_151 = arith.constant 0 : i32
      %dma_start3A_152 = tpu.memref_slice %arg10[%add3A_27, %dma_start3A_151] : memref<10240x64xf32, #tpu.memory_space<vmem_shared>> -> memref<128x64xf32, #tpu.memory_space<vmem_shared>>
      tpu.enqueue_dma source(%arg8 : memref<128x64xf32, #tpu.memory_space<vmem>>) target(%dma_start3A_152 : memref<128x64xf32, #tpu.memory_space<vmem_shared>>) target_semaphore(%run_scoped3A : memref<!tpu.dma_semaphore, #tpu.memory_space<semaphore_mem>>)
      %dma_wait3A = arith.constant 0 : i32
      %dma_wait3A_153 = tpu.memref_slice %arg10[%add3A_27, %dma_wait3A] : memref<10240x64xf32, #tpu.memory_space<vmem_shared>> -> memref<128x64xf32, #tpu.memory_space<vmem_shared>>
      %dma_wait3A_154 = arith.constant 0 : i32
      %dma_wait3A_155 = tpu.memref_slice %arg10[%add3A_27, %dma_wait3A_154] : memref<10240x64xf32, #tpu.memory_space<vmem_shared>> -> memref<128x64xf32, #tpu.memory_space<vmem_shared>>
      tpu.wait_dma2 semaphore(%run_scoped3A : memref<!tpu.dma_semaphore, #tpu.memory_space<semaphore_mem>>) src(%arg8 : memref<128x64xf32, #tpu.memory_space<vmem>>) dst(%dma_wait3A_155 : memref<128x64xf32, #tpu.memory_space<vmem_shared>>)
      tpu.yield
    }) : () -> ()
    %mul3A_28 = arith.constant 640 : i32
    %mul3A_29 = arith.muli %arg1, %mul3A_28 : i32
    %mul3A_30 = arith.constant 640 : i32
    %mul3A_31 = arith.muli %arg1, %mul3A_30 : i32
    "tpu.region"() ({
      %run_scoped3A = tpu.sem_alloc : memref<!tpu.dma_semaphore, #tpu.memory_space<semaphore_mem>>
      %dma_start3A_149 = arith.constant 0 : i32
      %dma_start3A_150 = tpu.memref_slice %arg9[%mul3A_31, %dma_start3A_149] : memref<10240x64xf32, #tpu.memory_space<vmem_shared>> -> memref<640x64xf32, #tpu.memory_space<vmem_shared>>
      %dma_start3A_151 = arith.constant 0 : i32
      %dma_start3A_152 = tpu.memref_slice %arg2[%mul3A_29, %dma_start3A_151] : memref<10240x64xf32, #tpu.memory_space<hbm>> -> memref<640x64xf32, #tpu.memory_space<hbm>>
      tpu.enqueue_dma source(%dma_start3A_152 : memref<640x64xf32, #tpu.memory_space<hbm>>) target(%dma_start3A_150 : memref<640x64xf32, #tpu.memory_space<vmem_shared>>) target_semaphore(%run_scoped3A : memref<!tpu.dma_semaphore, #tpu.memory_space<semaphore_mem>>)
      %dma_wait3A = arith.constant 0 : i32
      %dma_wait3A_153 = tpu.memref_slice %arg9[%mul3A_31, %dma_wait3A] : memref<10240x64xf32, #tpu.memory_space<vmem_shared>> -> memref<640x64xf32, #tpu.memory_space<vmem_shared>>
      %dma_wait3A_154 = arith.constant 0 : i32
      %dma_wait3A_155 = tpu.memref_slice %arg2[%mul3A_29, %dma_wait3A_154] : memref<10240x64xf32, #tpu.memory_space<hbm>> -> memref<640x64xf32, #tpu.memory_space<hbm>>
      tpu.wait_dma2 semaphore(%run_scoped3A : memref<!tpu.dma_semaphore, #tpu.memory_space<semaphore_mem>>) src(%dma_wait3A_155 : memref<640x64xf32, #tpu.memory_space<hbm>>) dst(%dma_wait3A_153 : memref<640x64xf32, #tpu.memory_space<vmem_shared>>)
      tpu.yield
    }) : () -> ()
    %barrier3A = arith.constant 0 : index
    tpu.barrier barrier_id(%barrier3A)
    %mul3A_32 = arith.constant 10112 : i32
    %mul3A_33 = arith.muli %add3A, %mul3A_32 : i32
    %not3A = arith.constant true
    %not3A_34 = arith.xori %eq3A_1, %not3A : i1
    %convert_element_type3A = arith.extui %not3A_34 : i1 to i32
    %cond3A = arith.constant 0 : i32
    %cond3A_35 = arith.cmpi ne, %convert_element_type3A, %cond3A : i32
    scf.if %cond3A_35 {
      %run_scoped3A = arith.constant 0 : i32
      "tpu.region"() ({
        %run_scoped3A_149 = tpu.sem_alloc : memref<!tpu.dma_semaphore, #tpu.memory_space<semaphore_mem>>
        %dma_start3A_150 = arith.constant 0 : i32
        %dma_start3A_151 = tpu.memref_slice %arg5[%dma_start3A_150] : memref<10112xi32, #tpu.memory_space<vmem>> -> memref<10112xi32, #tpu.memory_space<vmem>>
        %dma_start3A_152 = arith.constant 0 : i32
        %dma_start3A_153 = tpu.memref_slice %arg3[%run_scoped3A, %dma_start3A_152] : memref<2x320000xi32, #tpu.memory_space<hbm>> -> memref<1x320000xi32, #tpu.memory_space<hbm>>
        %dma_start3A_154 = tpu.memref_squeeze %dma_start3A_153 : memref<1x320000xi32, #tpu.memory_space<hbm>> -> memref<320000xi32, #tpu.memory_space<hbm>>
        %dma_start3A_155 = tpu.memref_slice %dma_start3A_154[%mul3A_33] : memref<320000xi32, #tpu.memory_space<hbm>> -> memref<10112xi32, #tpu.memory_space<hbm>>
        %dma_start3A_156 = arith.constant 0 : i32
        %dma_start3A_157 = tpu.memref_slice %arg5[%dma_start3A_156] : memref<10112xi32, #tpu.memory_space<vmem>> -> memref<10112xi32, #tpu.memory_space<vmem>>
        %dma_start3A_158 = arith.constant 0 : i32
        %dma_start3A_159 = tpu.memref_slice %arg3[%run_scoped3A, %dma_start3A_158] : memref<2x320000xi32, #tpu.memory_space<hbm>> -> memref<1x320000xi32, #tpu.memory_space<hbm>>
        %dma_start3A_160 = tpu.memref_squeeze %dma_start3A_159 : memref<1x320000xi32, #tpu.memory_space<hbm>> -> memref<320000xi32, #tpu.memory_space<hbm>>
        %dma_start3A_161 = tpu.memref_slice %dma_start3A_160[%mul3A_33] : memref<320000xi32, #tpu.memory_space<hbm>> -> memref<10112xi32, #tpu.memory_space<hbm>>
        tpu.enqueue_dma source(%dma_start3A_161 : memref<10112xi32, #tpu.memory_space<hbm>>) target(%dma_start3A_157 : memref<10112xi32, #tpu.memory_space<vmem>>) target_semaphore(%run_scoped3A_149 : memref<!tpu.dma_semaphore, #tpu.memory_space<semaphore_mem>>)
        %dma_wait3A = arith.constant 0 : i32
        %dma_wait3A_162 = tpu.memref_slice %arg5[%dma_wait3A] : memref<10112xi32, #tpu.memory_space<vmem>> -> memref<10112xi32, #tpu.memory_space<vmem>>
        %dma_wait3A_163 = arith.constant 0 : i32
        %dma_wait3A_164 = tpu.memref_slice %arg3[%run_scoped3A, %dma_wait3A_163] : memref<2x320000xi32, #tpu.memory_space<hbm>> -> memref<1x320000xi32, #tpu.memory_space<hbm>>
        %dma_wait3A_165 = tpu.memref_squeeze %dma_wait3A_164 : memref<1x320000xi32, #tpu.memory_space<hbm>> -> memref<320000xi32, #tpu.memory_space<hbm>>
        %dma_wait3A_166 = tpu.memref_slice %dma_wait3A_165[%mul3A_33] : memref<320000xi32, #tpu.memory_space<hbm>> -> memref<10112xi32, #tpu.memory_space<hbm>>
        %dma_wait3A_167 = arith.constant 0 : i32
        %dma_wait3A_168 = tpu.memref_slice %arg5[%dma_wait3A_167] : memref<10112xi32, #tpu.memory_space<vmem>> -> memref<10112xi32, #tpu.memory_space<vmem>>
        %dma_wait3A_169 = arith.constant 0 : i32
        %dma_wait3A_170 = tpu.memref_slice %arg3[%run_scoped3A, %dma_wait3A_169] : memref<2x320000xi32, #tpu.memory_space<hbm>> -> memref<1x320000xi32, #tpu.memory_space<hbm>>
        %dma_wait3A_171 = tpu.memref_squeeze %dma_wait3A_170 : memref<1x320000xi32, #tpu.memory_space<hbm>> -> memref<320000xi32, #tpu.memory_space<hbm>>
        %dma_wait3A_172 = tpu.memref_slice %dma_wait3A_171[%mul3A_33] : memref<320000xi32, #tpu.memory_space<hbm>> -> memref<10112xi32, #tpu.memory_space<hbm>>
        tpu.wait_dma2 semaphore(%run_scoped3A_149 : memref<!tpu.dma_semaphore, #tpu.memory_space<semaphore_mem>>) src(%dma_wait3A_172 : memref<10112xi32, #tpu.memory_space<hbm>>) dst(%dma_wait3A_168 : memref<10112xi32, #tpu.memory_space<vmem>>)
        tpu.yield
      }) : () -> ()
    } else {
    }
    %convert_element_type3A_36 = arith.extui %eq3A_1 : i1 to i32
    %cond3A_37 = arith.constant 0 : i32
    %cond3A_38 = arith.cmpi ne, %convert_element_type3A_36, %cond3A_37 : i32
    scf.if %cond3A_38 {
      %run_scoped3A = arith.constant 0 : i32
      "tpu.region"() ({
        %run_scoped3A_149 = tpu.sem_alloc : memref<!tpu.dma_semaphore, #tpu.memory_space<semaphore_mem>>
        %dma_start3A_150 = arith.constant 0 : i32
        %dma_start3A_151 = tpu.memref_slice %arg5[%dma_start3A_150] : memref<10112xi32, #tpu.memory_space<vmem>> -> memref<6528xi32, #tpu.memory_space<vmem>>
        %dma_start3A_152 = arith.constant 0 : i32
        %dma_start3A_153 = tpu.memref_slice %arg3[%run_scoped3A, %dma_start3A_152] : memref<2x320000xi32, #tpu.memory_space<hbm>> -> memref<1x320000xi32, #tpu.memory_space<hbm>>
        %dma_start3A_154 = tpu.memref_squeeze %dma_start3A_153 : memref<1x320000xi32, #tpu.memory_space<hbm>> -> memref<320000xi32, #tpu.memory_space<hbm>>
        %dma_start3A_155 = tpu.memref_slice %dma_start3A_154[%mul3A_33] : memref<320000xi32, #tpu.memory_space<hbm>> -> memref<6528xi32, #tpu.memory_space<hbm>>
        %dma_start3A_156 = arith.constant 0 : i32
        %dma_start3A_157 = tpu.memref_slice %arg5[%dma_start3A_156] : memref<10112xi32, #tpu.memory_space<vmem>> -> memref<6528xi32, #tpu.memory_space<vmem>>
        %dma_start3A_158 = arith.constant 0 : i32
        %dma_start3A_159 = tpu.memref_slice %arg3[%run_scoped3A, %dma_start3A_158] : memref<2x320000xi32, #tpu.memory_space<hbm>> -> memref<1x320000xi32, #tpu.memory_space<hbm>>
        %dma_start3A_160 = tpu.memref_squeeze %dma_start3A_159 : memref<1x320000xi32, #tpu.memory_space<hbm>> -> memref<320000xi32, #tpu.memory_space<hbm>>
        %dma_start3A_161 = tpu.memref_slice %dma_start3A_160[%mul3A_33] : memref<320000xi32, #tpu.memory_space<hbm>> -> memref<6528xi32, #tpu.memory_space<hbm>>
        tpu.enqueue_dma source(%dma_start3A_161 : memref<6528xi32, #tpu.memory_space<hbm>>) target(%dma_start3A_157 : memref<6528xi32, #tpu.memory_space<vmem>>) target_semaphore(%run_scoped3A_149 : memref<!tpu.dma_semaphore, #tpu.memory_space<semaphore_mem>>)
        %dma_wait3A = arith.constant 0 : i32
        %dma_wait3A_162 = tpu.memref_slice %arg5[%dma_wait3A] : memref<10112xi32, #tpu.memory_space<vmem>> -> memref<6528xi32, #tpu.memory_space<vmem>>
        %dma_wait3A_163 = arith.constant 0 : i32
        %dma_wait3A_164 = tpu.memref_slice %arg3[%run_scoped3A, %dma_wait3A_163] : memref<2x320000xi32, #tpu.memory_space<hbm>> -> memref<1x320000xi32, #tpu.memory_space<hbm>>
        %dma_wait3A_165 = tpu.memref_squeeze %dma_wait3A_164 : memref<1x320000xi32, #tpu.memory_space<hbm>> -> memref<320000xi32, #tpu.memory_space<hbm>>
        %dma_wait3A_166 = tpu.memref_slice %dma_wait3A_165[%mul3A_33] : memref<320000xi32, #tpu.memory_space<hbm>> -> memref<6528xi32, #tpu.memory_space<hbm>>
        %dma_wait3A_167 = arith.constant 0 : i32
        %dma_wait3A_168 = tpu.memref_slice %arg5[%dma_wait3A_167] : memref<10112xi32, #tpu.memory_space<vmem>> -> memref<6528xi32, #tpu.memory_space<vmem>>
        %dma_wait3A_169 = arith.constant 0 : i32
        %dma_wait3A_170 = tpu.memref_slice %arg3[%run_scoped3A, %dma_wait3A_169] : memref<2x320000xi32, #tpu.memory_space<hbm>> -> memref<1x320000xi32, #tpu.memory_space<hbm>>
        %dma_wait3A_171 = tpu.memref_squeeze %dma_wait3A_170 : memref<1x320000xi32, #tpu.memory_space<hbm>> -> memref<320000xi32, #tpu.memory_space<hbm>>
        %dma_wait3A_172 = tpu.memref_slice %dma_wait3A_171[%mul3A_33] : memref<320000xi32, #tpu.memory_space<hbm>> -> memref<6528xi32, #tpu.memory_space<hbm>>
        tpu.wait_dma2 semaphore(%run_scoped3A_149 : memref<!tpu.dma_semaphore, #tpu.memory_space<semaphore_mem>>) src(%dma_wait3A_172 : memref<6528xi32, #tpu.memory_space<hbm>>) dst(%dma_wait3A_168 : memref<6528xi32, #tpu.memory_space<vmem>>)
        tpu.yield
      }) : () -> ()
    } else {
    }
    %mul3A_39 = arith.constant 10112 : i32
    %mul3A_40 = arith.muli %add3A, %mul3A_39 : i32
    %not3A_41 = arith.constant true
    %not3A_42 = arith.xori %eq3A_1, %not3A_41 : i1
    %convert_element_type3A_43 = arith.extui %not3A_42 : i1 to i32
    %cond3A_44 = arith.constant 0 : i32
    %cond3A_45 = arith.cmpi ne, %convert_element_type3A_43, %cond3A_44 : i32
    scf.if %cond3A_45 {
      %run_scoped3A = arith.constant 1 : i32
      "tpu.region"() ({
        %run_scoped3A_149 = tpu.sem_alloc : memref<!tpu.dma_semaphore, #tpu.memory_space<semaphore_mem>>
        %dma_start3A_150 = arith.constant 0 : i32
        %dma_start3A_151 = tpu.memref_slice %arg6[%dma_start3A_150] : memref<10112xi32, #tpu.memory_space<vmem>> -> memref<10112xi32, #tpu.memory_space<vmem>>
        %dma_start3A_152 = arith.constant 0 : i32
        %dma_start3A_153 = tpu.memref_slice %arg3[%run_scoped3A, %dma_start3A_152] : memref<2x320000xi32, #tpu.memory_space<hbm>> -> memref<1x320000xi32, #tpu.memory_space<hbm>>
        %dma_start3A_154 = tpu.memref_squeeze %dma_start3A_153 : memref<1x320000xi32, #tpu.memory_space<hbm>> -> memref<320000xi32, #tpu.memory_space<hbm>>
        %dma_start3A_155 = tpu.memref_slice %dma_start3A_154[%mul3A_40] : memref<320000xi32, #tpu.memory_space<hbm>> -> memref<10112xi32, #tpu.memory_space<hbm>>
        %dma_start3A_156 = arith.constant 0 : i32
        %dma_start3A_157 = tpu.memref_slice %arg6[%dma_start3A_156] : memref<10112xi32, #tpu.memory_space<vmem>> -> memref<10112xi32, #tpu.memory_space<vmem>>
        %dma_start3A_158 = arith.constant 0 : i32
        %dma_start3A_159 = tpu.memref_slice %arg3[%run_scoped3A, %dma_start3A_158] : memref<2x320000xi32, #tpu.memory_space<hbm>> -> memref<1x320000xi32, #tpu.memory_space<hbm>>
        %dma_start3A_160 = tpu.memref_squeeze %dma_start3A_159 : memref<1x320000xi32, #tpu.memory_space<hbm>> -> memref<320000xi32, #tpu.memory_space<hbm>>
        %dma_start3A_161 = tpu.memref_slice %dma_start3A_160[%mul3A_40] : memref<320000xi32, #tpu.memory_space<hbm>> -> memref<10112xi32, #tpu.memory_space<hbm>>
        tpu.enqueue_dma source(%dma_start3A_161 : memref<10112xi32, #tpu.memory_space<hbm>>) target(%dma_start3A_157 : memref<10112xi32, #tpu.memory_space<vmem>>) target_semaphore(%run_scoped3A_149 : memref<!tpu.dma_semaphore, #tpu.memory_space<semaphore_mem>>)
        %dma_wait3A = arith.constant 0 : i32
        %dma_wait3A_162 = tpu.memref_slice %arg6[%dma_wait3A] : memref<10112xi32, #tpu.memory_space<vmem>> -> memref<10112xi32, #tpu.memory_space<vmem>>
        %dma_wait3A_163 = arith.constant 0 : i32
        %dma_wait3A_164 = tpu.memref_slice %arg3[%run_scoped3A, %dma_wait3A_163] : memref<2x320000xi32, #tpu.memory_space<hbm>> -> memref<1x320000xi32, #tpu.memory_space<hbm>>
        %dma_wait3A_165 = tpu.memref_squeeze %dma_wait3A_164 : memref<1x320000xi32, #tpu.memory_space<hbm>> -> memref<320000xi32, #tpu.memory_space<hbm>>
        %dma_wait3A_166 = tpu.memref_slice %dma_wait3A_165[%mul3A_40] : memref<320000xi32, #tpu.memory_space<hbm>> -> memref<10112xi32, #tpu.memory_space<hbm>>
        %dma_wait3A_167 = arith.constant 0 : i32
        %dma_wait3A_168 = tpu.memref_slice %arg6[%dma_wait3A_167] : memref<10112xi32, #tpu.memory_space<vmem>> -> memref<10112xi32, #tpu.memory_space<vmem>>
        %dma_wait3A_169 = arith.constant 0 : i32
        %dma_wait3A_170 = tpu.memref_slice %arg3[%run_scoped3A, %dma_wait3A_169] : memref<2x320000xi32, #tpu.memory_space<hbm>> -> memref<1x320000xi32, #tpu.memory_space<hbm>>
        %dma_wait3A_171 = tpu.memref_squeeze %dma_wait3A_170 : memref<1x320000xi32, #tpu.memory_space<hbm>> -> memref<320000xi32, #tpu.memory_space<hbm>>
        %dma_wait3A_172 = tpu.memref_slice %dma_wait3A_171[%mul3A_40] : memref<320000xi32, #tpu.memory_space<hbm>> -> memref<10112xi32, #tpu.memory_space<hbm>>
        tpu.wait_dma2 semaphore(%run_scoped3A_149 : memref<!tpu.dma_semaphore, #tpu.memory_space<semaphore_mem>>) src(%dma_wait3A_172 : memref<10112xi32, #tpu.memory_space<hbm>>) dst(%dma_wait3A_168 : memref<10112xi32, #tpu.memory_space<vmem>>)
        tpu.yield
      }) : () -> ()
    } else {
    }
    %convert_element_type3A_46 = arith.extui %eq3A_1 : i1 to i32
    %cond3A_47 = arith.constant 0 : i32
    %cond3A_48 = arith.cmpi ne, %convert_element_type3A_46, %cond3A_47 : i32
    scf.if %cond3A_48 {
      %run_scoped3A = arith.constant 1 : i32
      "tpu.region"() ({
        %run_scoped3A_149 = tpu.sem_alloc : memref<!tpu.dma_semaphore, #tpu.memory_space<semaphore_mem>>
        %dma_start3A_150 = arith.constant 0 : i32
        %dma_start3A_151 = tpu.memref_slice %arg6[%dma_start3A_150] : memref<10112xi32, #tpu.memory_space<vmem>> -> memref<6528xi32, #tpu.memory_space<vmem>>
        %dma_start3A_152 = arith.constant 0 : i32
        %dma_start3A_153 = tpu.memref_slice %arg3[%run_scoped3A, %dma_start3A_152] : memref<2x320000xi32, #tpu.memory_space<hbm>> -> memref<1x320000xi32, #tpu.memory_space<hbm>>
        %dma_start3A_154 = tpu.memref_squeeze %dma_start3A_153 : memref<1x320000xi32, #tpu.memory_space<hbm>> -> memref<320000xi32, #tpu.memory_space<hbm>>
        %dma_start3A_155 = tpu.memref_slice %dma_start3A_154[%mul3A_40] : memref<320000xi32, #tpu.memory_space<hbm>> -> memref<6528xi32, #tpu.memory_space<hbm>>
        %dma_start3A_156 = arith.constant 0 : i32
        %dma_start3A_157 = tpu.memref_slice %arg6[%dma_start3A_156] : memref<10112xi32, #tpu.memory_space<vmem>> -> memref<6528xi32, #tpu.memory_space<vmem>>
        %dma_start3A_158 = arith.constant 0 : i32
        %dma_start3A_159 = tpu.memref_slice %arg3[%run_scoped3A, %dma_start3A_158] : memref<2x320000xi32, #tpu.memory_space<hbm>> -> memref<1x320000xi32, #tpu.memory_space<hbm>>
        %dma_start3A_160 = tpu.memref_squeeze %dma_start3A_159 : memref<1x320000xi32, #tpu.memory_space<hbm>> -> memref<320000xi32, #tpu.memory_space<hbm>>
        %dma_start3A_161 = tpu.memref_slice %dma_start3A_160[%mul3A_40] : memref<320000xi32, #tpu.memory_space<hbm>> -> memref<6528xi32, #tpu.memory_space<hbm>>
        tpu.enqueue_dma source(%dma_start3A_161 : memref<6528xi32, #tpu.memory_space<hbm>>) target(%dma_start3A_157 : memref<6528xi32, #tpu.memory_space<vmem>>) target_semaphore(%run_scoped3A_149 : memref<!tpu.dma_semaphore, #tpu.memory_space<semaphore_mem>>)
        %dma_wait3A = arith.constant 0 : i32
        %dma_wait3A_162 = tpu.memref_slice %arg6[%dma_wait3A] : memref<10112xi32, #tpu.memory_space<vmem>> -> memref<6528xi32, #tpu.memory_space<vmem>>
        %dma_wait3A_163 = arith.constant 0 : i32
        %dma_wait3A_164 = tpu.memref_slice %arg3[%run_scoped3A, %dma_wait3A_163] : memref<2x320000xi32, #tpu.memory_space<hbm>> -> memref<1x320000xi32, #tpu.memory_space<hbm>>
        %dma_wait3A_165 = tpu.memref_squeeze %dma_wait3A_164 : memref<1x320000xi32, #tpu.memory_space<hbm>> -> memref<320000xi32, #tpu.memory_space<hbm>>
        %dma_wait3A_166 = tpu.memref_slice %dma_wait3A_165[%mul3A_40] : memref<320000xi32, #tpu.memory_space<hbm>> -> memref<6528xi32, #tpu.memory_space<hbm>>
        %dma_wait3A_167 = arith.constant 0 : i32
        %dma_wait3A_168 = tpu.memref_slice %arg6[%dma_wait3A_167] : memref<10112xi32, #tpu.memory_space<vmem>> -> memref<6528xi32, #tpu.memory_space<vmem>>
        %dma_wait3A_169 = arith.constant 0 : i32
        %dma_wait3A_170 = tpu.memref_slice %arg3[%run_scoped3A, %dma_wait3A_169] : memref<2x320000xi32, #tpu.memory_space<hbm>> -> memref<1x320000xi32, #tpu.memory_space<hbm>>
        %dma_wait3A_171 = tpu.memref_squeeze %dma_wait3A_170 : memref<1x320000xi32, #tpu.memory_space<hbm>> -> memref<320000xi32, #tpu.memory_space<hbm>>
        %dma_wait3A_172 = tpu.memref_slice %dma_wait3A_171[%mul3A_40] : memref<320000xi32, #tpu.memory_space<hbm>> -> memref<6528xi32, #tpu.memory_space<hbm>>
        tpu.wait_dma2 semaphore(%run_scoped3A_149 : memref<!tpu.dma_semaphore, #tpu.memory_space<semaphore_mem>>) src(%dma_wait3A_172 : memref<6528xi32, #tpu.memory_space<hbm>>) dst(%dma_wait3A_168 : memref<6528xi32, #tpu.memory_space<vmem>>)
        tpu.yield
      }) : () -> ()
    } else {
    }
    %dma_start3A = arith.constant 0 : i32
    %dma_start3A_49 = arith.constant 0 : i32
    %dma_start3A_50 = arith.constant 0 : i32
    %dma_start3A_51 = tpu.memref_slice %arg7[%dma_start3A, %dma_start3A_49, %dma_start3A_50] : memref<2x128x64xf32, #tpu.memory_space<vmem>> -> memref<1x128x64xf32, #tpu.memory_space<vmem>>
    %dma_start3A_52 = tpu.memref_squeeze %dma_start3A_51 : memref<1x128x64xf32, #tpu.memory_space<vmem>> -> memref<128x64xf32, #tpu.memory_space<vmem>>
    %dma_start3A_53 = arith.constant 0 : i32
    %dma_start3A_54 = tpu.memref_slice %arg5[%dma_start3A_53] : memref<10112xi32, #tpu.memory_space<vmem>> -> memref<128xi32, #tpu.memory_space<vmem>>
    %dma_start3A_55 = arith.constant 0 : i32
    %dma_start3A_56 = arith.constant 0 : i32
    %dma_start3A_57 = tpu.memref_slice %arg9[%dma_start3A_55, %dma_start3A_56] : memref<10240x64xf32, #tpu.memory_space<vmem_shared>> -> memref<10240x64xf32, #tpu.memory_space<vmem_shared>>
    tpu.enqueue_indirect_dma source(%dma_start3A_57 : memref<10240x64xf32, #tpu.memory_space<vmem_shared>>) target(%dma_start3A_52 : memref<128x64xf32, #tpu.memory_space<vmem>>) offsets(%dma_start3A_54 : memref<128xi32, #tpu.memory_space<vmem>>) semaphore(%arg11 : memref<!tpu.dma_semaphore, #tpu.memory_space<semaphore_mem>>)
    %dma_start3A_58 = arith.constant 1 : i32
    %dma_start3A_59 = arith.constant 0 : i32
    %dma_start3A_60 = arith.constant 0 : i32
    %dma_start3A_61 = tpu.memref_slice %arg7[%dma_start3A_58, %dma_start3A_59, %dma_start3A_60] : memref<2x128x64xf32, #tpu.memory_space<vmem>> -> memref<1x128x64xf32, #tpu.memory_space<vmem>>
    %dma_start3A_62 = tpu.memref_squeeze %dma_start3A_61 : memref<1x128x64xf32, #tpu.memory_space<vmem>> -> memref<128x64xf32, #tpu.memory_space<vmem>>
    %dma_start3A_63 = arith.constant 128 : i32
    %dma_start3A_64 = tpu.memref_slice %arg5[%dma_start3A_63] : memref<10112xi32, #tpu.memory_space<vmem>> -> memref<128xi32, #tpu.memory_space<vmem>>
    %dma_start3A_65 = arith.constant 0 : i32
    %dma_start3A_66 = arith.constant 0 : i32
    %dma_start3A_67 = tpu.memref_slice %arg9[%dma_start3A_65, %dma_start3A_66] : memref<10240x64xf32, #tpu.memory_space<vmem_shared>> -> memref<10240x64xf32, #tpu.memory_space<vmem_shared>>
    tpu.enqueue_indirect_dma source(%dma_start3A_67 : memref<10240x64xf32, #tpu.memory_space<vmem_shared>>) target(%dma_start3A_62 : memref<128x64xf32, #tpu.memory_space<vmem>>) offsets(%dma_start3A_64 : memref<128xi32, #tpu.memory_space<vmem>>) semaphore(%arg12 : memref<!tpu.dma_semaphore, #tpu.memory_space<semaphore_mem>>)
    %sub3A = arith.constant 1 : i32
    %sub3A_68 = arith.subi %select_n3A, %sub3A : i32
    %jit3A_69 = arith.constant 2 : i32
    %div3A = arith.divsi %sub3A_68, %jit3A_69 : i32
    %sign3A = arith.constant 0 : i32
    %sign3A_70 = arith.cmpi sgt, %sub3A_68, %sign3A : i32
    %sign3A_71 = arith.extui %sign3A_70 : i1 to i32
    %sign3A_72 = arith.constant 0 : i32
    %sign3A_73 = arith.cmpi slt, %sub3A_68, %sign3A_72 : i32
    %sign3A_74 = arith.extui %sign3A_73 : i1 to i32
    %sign3A_75 = arith.subi %sign3A_71, %sign3A_74 : i32
    %sign3A_76 = arith.constant 0 : i32
    %sign3A_77 = arith.cmpi sgt, %jit3A_69, %sign3A_76 : i32
    %sign3A_78 = arith.extui %sign3A_77 : i1 to i32
    %sign3A_79 = arith.constant 0 : i32
    %sign3A_80 = arith.cmpi slt, %jit3A_69, %sign3A_79 : i32
    %sign3A_81 = arith.extui %sign3A_80 : i1 to i32
    %sign3A_82 = arith.subi %sign3A_78, %sign3A_81 : i32
    %ne3A = arith.cmpi ne, %sign3A_75, %sign3A_82 : i32
    %rem3A = arith.remsi %sub3A_68, %jit3A_69 : i32
    %ne3A_83 = arith.constant 0 : i32
    %ne3A_84 = arith.cmpi ne, %rem3A, %ne3A_83 : i32
    %and3A = arith.andi %ne3A, %ne3A_84 : i1
    %sub3A_85 = arith.constant 1 : i32
    %sub3A_86 = arith.subi %div3A, %sub3A_85 : i32
    %select_n3A_87 = arith.select %and3A, %sub3A_86, %div3A : i32
    %while3A = arith.constant 0 : i32
    %while3A_88 = arith.constant 0 : i32
    %while3A_89 = arith.subi %select_n3A_87, %while3A_88 : i32
    %while3A_90 = arith.addi %while3A_88, %while3A_89 : i32
    %while3A_91 = arith.constant 1 : i32
    %while3A_92 = arith.divsi %while3A_89, %while3A_91 : i32
    %while3A_93 = arith.muli %while3A_92, %while3A_91 : i32
    %while3A_94 = arith.addi %while3A_88, %while3A_93 : i32
    %while3A_95 = arith.constant 1 : i32
    scf.for %while3A_149 = %while3A_88 to %while3A_94 step %while3A_95  : i32 {
      %mul3A_150 = arith.constant 2 : i32
      %mul3A_151 = arith.muli %while3A_149, %mul3A_150 : i32
      %add3A_152 = arith.constant 0 : i32
      %add3A_153 = arith.addi %mul3A_151, %add3A_152 : i32
      %dma_wait3A = arith.constant 0 : i32
      %dma_wait3A_154 = arith.constant 0 : i32
      %dma_wait3A_155 = arith.constant 0 : i32
      %dma_wait3A_156 = tpu.memref_slice %arg7[%dma_wait3A, %dma_wait3A_154, %dma_wait3A_155] : memref<2x128x64xf32, #tpu.memory_space<vmem>> -> memref<1x128x64xf32, #tpu.memory_space<vmem>>
      %dma_wait3A_157 = tpu.memref_squeeze %dma_wait3A_156 : memref<1x128x64xf32, #tpu.memory_space<vmem>> -> memref<128x64xf32, #tpu.memory_space<vmem>>
      %dma_wait3A_158 = arith.constant 0 : i32
      %dma_wait3A_159 = tpu.memref_slice %arg5[%dma_wait3A_158] : memref<10112xi32, #tpu.memory_space<vmem>> -> memref<128xi32, #tpu.memory_space<vmem>>
      %dma_wait3A_160 = arith.constant 0 : i32
      %dma_wait3A_161 = arith.constant 0 : i32
      %dma_wait3A_162 = tpu.memref_slice %arg9[%dma_wait3A_160, %dma_wait3A_161] : memref<10240x64xf32, #tpu.memory_space<vmem_shared>> -> memref<10240x64xf32, #tpu.memory_space<vmem_shared>>
      tpu.wait_indirect_dma semaphore(%arg11 : memref<!tpu.dma_semaphore, #tpu.memory_space<semaphore_mem>>) src(%dma_wait3A_162 : memref<10240x64xf32, #tpu.memory_space<vmem_shared>>) dst(%dma_wait3A_157 : memref<128x64xf32, #tpu.memory_space<vmem>>)
      %mul3A_163 = arith.constant 128 : i32
      %mul3A_164 = arith.muli %add3A_153, %mul3A_163 : i32
      %run_scoped3A = arith.constant 0 : i32
      "tpu.region"() ({
        %run_scoped3A_193 = tpu.sem_alloc : memref<!tpu.dma_semaphore, #tpu.memory_space<semaphore_mem>>
        %dma_start3A_194 = arith.constant 0 : i32
        %dma_start3A_195 = arith.constant 0 : i32
        %dma_start3A_196 = tpu.memref_slice %arg7[%run_scoped3A, %dma_start3A_194, %dma_start3A_195] : memref<2x128x64xf32, #tpu.memory_space<vmem>> -> memref<1x128x64xf32, #tpu.memory_space<vmem>>
        %dma_start3A_197 = tpu.memref_squeeze %dma_start3A_196 : memref<1x128x64xf32, #tpu.memory_space<vmem>> -> memref<128x64xf32, #tpu.memory_space<vmem>>
        %dma_start3A_198 = tpu.memref_slice %arg6[%mul3A_164] : memref<10112xi32, #tpu.memory_space<vmem>> -> memref<128xi32, #tpu.memory_space<vmem>>
        %dma_start3A_199 = arith.constant 0 : i32
        %dma_start3A_200 = arith.constant 0 : i32
        %dma_start3A_201 = tpu.memref_slice %arg10[%dma_start3A_199, %dma_start3A_200] : memref<10240x64xf32, #tpu.memory_space<vmem_shared>> -> memref<10240x64xf32, #tpu.memory_space<vmem_shared>>
        tpu.enqueue_indirect_dma source(%dma_start3A_197 : memref<128x64xf32, #tpu.memory_space<vmem>>) target(%dma_start3A_201 : memref<10240x64xf32, #tpu.memory_space<vmem_shared>>) offsets(%dma_start3A_198 : memref<128xi32, #tpu.memory_space<vmem>>) semaphore(%run_scoped3A_193 : memref<!tpu.dma_semaphore, #tpu.memory_space<semaphore_mem>>) {add = true}
        %dma_wait3A_202 = arith.constant 0 : i32
        %dma_wait3A_203 = arith.constant 0 : i32
        %dma_wait3A_204 = tpu.memref_slice %arg7[%run_scoped3A, %dma_wait3A_202, %dma_wait3A_203] : memref<2x128x64xf32, #tpu.memory_space<vmem>> -> memref<1x128x64xf32, #tpu.memory_space<vmem>>
        %dma_wait3A_205 = tpu.memref_squeeze %dma_wait3A_204 : memref<1x128x64xf32, #tpu.memory_space<vmem>> -> memref<128x64xf32, #tpu.memory_space<vmem>>
        %dma_wait3A_206 = tpu.memref_slice %arg6[%mul3A_164] : memref<10112xi32, #tpu.memory_space<vmem>> -> memref<128xi32, #tpu.memory_space<vmem>>
        %dma_wait3A_207 = arith.constant 0 : i32
        %dma_wait3A_208 = arith.constant 0 : i32
        %dma_wait3A_209 = tpu.memref_slice %arg10[%dma_wait3A_207, %dma_wait3A_208] : memref<10240x64xf32, #tpu.memory_space<vmem_shared>> -> memref<10240x64xf32, #tpu.memory_space<vmem_shared>>
        tpu.wait_indirect_dma semaphore(%run_scoped3A_193 : memref<!tpu.dma_semaphore, #tpu.memory_space<semaphore_mem>>) src(%dma_wait3A_205 : memref<128x64xf32, #tpu.memory_space<vmem>>) dst(%dma_wait3A_209 : memref<10240x64xf32, #tpu.memory_space<vmem_shared>>)
        tpu.yield
      }) : () -> ()
      %add3A_165 = arith.constant 2 : i32
      %add3A_166 = arith.addi %add3A_153, %add3A_165 : i32
      %lt3A = arith.cmpi slt, %add3A_166, %select_n3A : i32
      %convert_element_type3A_167 = arith.extui %lt3A : i1 to i32
      %cond3A_168 = arith.constant 0 : i32
      %cond3A_169 = arith.cmpi ne, %convert_element_type3A_167, %cond3A_168 : i32
      scf.if %cond3A_169 {
        %add3A_193 = arith.constant 2 : i32
        %add3A_194 = arith.addi %add3A_153, %add3A_193 : i32
        %mul3A_195 = arith.constant 128 : i32
        %mul3A_196 = arith.muli %add3A_194, %mul3A_195 : i32
        %dma_start3A_197 = arith.constant 0 : i32
        %dma_start3A_198 = arith.constant 0 : i32
        %dma_start3A_199 = arith.constant 0 : i32
        %dma_start3A_200 = tpu.memref_slice %arg7[%dma_start3A_197, %dma_start3A_198, %dma_start3A_199] : memref<2x128x64xf32, #tpu.memory_space<vmem>> -> memref<1x128x64xf32, #tpu.memory_space<vmem>>
        %dma_start3A_201 = tpu.memref_squeeze %dma_start3A_200 : memref<1x128x64xf32, #tpu.memory_space<vmem>> -> memref<128x64xf32, #tpu.memory_space<vmem>>
        %dma_start3A_202 = tpu.memref_slice %arg5[%mul3A_196] : memref<10112xi32, #tpu.memory_space<vmem>> -> memref<128xi32, #tpu.memory_space<vmem>>
        %dma_start3A_203 = arith.constant 0 : i32
        %dma_start3A_204 = arith.constant 0 : i32
        %dma_start3A_205 = tpu.memref_slice %arg9[%dma_start3A_203, %dma_start3A_204] : memref<10240x64xf32, #tpu.memory_space<vmem_shared>> -> memref<10240x64xf32, #tpu.memory_space<vmem_shared>>
        tpu.enqueue_indirect_dma source(%dma_start3A_205 : memref<10240x64xf32, #tpu.memory_space<vmem_shared>>) target(%dma_start3A_201 : memref<128x64xf32, #tpu.memory_space<vmem>>) offsets(%dma_start3A_202 : memref<128xi32, #tpu.memory_space<vmem>>) semaphore(%arg11 : memref<!tpu.dma_semaphore, #tpu.memory_space<semaphore_mem>>)
      } else {
      }
      %mul3A_170 = arith.constant 2 : i32
      %mul3A_171 = arith.muli %while3A_149, %mul3A_170 : i32
      %add3A_172 = arith.constant 1 : i32
      %add3A_173 = arith.addi %mul3A_171, %add3A_172 : i32
      %dma_wait3A_174 = arith.constant 1 : i32
      %dma_wait3A_175 = arith.constant 0 : i32
      %dma_wait3A_176 = arith.constant 0 : i32
      %dma_wait3A_177 = tpu.memref_slice %arg7[%dma_wait3A_174, %dma_wait3A_175, %dma_wait3A_176] : memref<2x128x64xf32, #tpu.memory_space<vmem>> -> memref<1x128x64xf32, #tpu.memory_space<vmem>>
      %dma_wait3A_178 = tpu.memref_squeeze %dma_wait3A_177 : memref<1x128x64xf32, #tpu.memory_space<vmem>> -> memref<128x64xf32, #tpu.memory_space<vmem>>
      %dma_wait3A_179 = arith.constant 0 : i32
      %dma_wait3A_180 = tpu.memref_slice %arg5[%dma_wait3A_179] : memref<10112xi32, #tpu.memory_space<vmem>> -> memref<128xi32, #tpu.memory_space<vmem>>
      %dma_wait3A_181 = arith.constant 0 : i32
      %dma_wait3A_182 = arith.constant 0 : i32
      %dma_wait3A_183 = tpu.memref_slice %arg9[%dma_wait3A_181, %dma_wait3A_182] : memref<10240x64xf32, #tpu.memory_space<vmem_shared>> -> memref<10240x64xf32, #tpu.memory_space<vmem_shared>>
      tpu.wait_indirect_dma semaphore(%arg12 : memref<!tpu.dma_semaphore, #tpu.memory_space<semaphore_mem>>) src(%dma_wait3A_183 : memref<10240x64xf32, #tpu.memory_space<vmem_shared>>) dst(%dma_wait3A_178 : memref<128x64xf32, #tpu.memory_space<vmem>>)
      %mul3A_184 = arith.constant 128 : i32
      %mul3A_185 = arith.muli %add3A_173, %mul3A_184 : i32
      %run_scoped3A_186 = arith.constant 1 : i32
      "tpu.region"() ({
        %run_scoped3A_193 = tpu.sem_alloc : memref<!tpu.dma_semaphore, #tpu.memory_space<semaphore_mem>>
        %dma_start3A_194 = arith.constant 0 : i32
        %dma_start3A_195 = arith.constant 0 : i32
        %dma_start3A_196 = tpu.memref_slice %arg7[%run_scoped3A_186, %dma_start3A_194, %dma_start3A_195] : memref<2x128x64xf32, #tpu.memory_space<vmem>> -> memref<1x128x64xf32, #tpu.memory_space<vmem>>
        %dma_start3A_197 = tpu.memref_squeeze %dma_start3A_196 : memref<1x128x64xf32, #tpu.memory_space<vmem>> -> memref<128x64xf32, #tpu.memory_space<vmem>>
        %dma_start3A_198 = tpu.memref_slice %arg6[%mul3A_185] : memref<10112xi32, #tpu.memory_space<vmem>> -> memref<128xi32, #tpu.memory_space<vmem>>
        %dma_start3A_199 = arith.constant 0 : i32
        %dma_start3A_200 = arith.constant 0 : i32
        %dma_start3A_201 = tpu.memref_slice %arg10[%dma_start3A_199, %dma_start3A_200] : memref<10240x64xf32, #tpu.memory_space<vmem_shared>> -> memref<10240x64xf32, #tpu.memory_space<vmem_shared>>
        tpu.enqueue_indirect_dma source(%dma_start3A_197 : memref<128x64xf32, #tpu.memory_space<vmem>>) target(%dma_start3A_201 : memref<10240x64xf32, #tpu.memory_space<vmem_shared>>) offsets(%dma_start3A_198 : memref<128xi32, #tpu.memory_space<vmem>>) semaphore(%run_scoped3A_193 : memref<!tpu.dma_semaphore, #tpu.memory_space<semaphore_mem>>) {add = true}
        %dma_wait3A_202 = arith.constant 0 : i32
        %dma_wait3A_203 = arith.constant 0 : i32
        %dma_wait3A_204 = tpu.memref_slice %arg7[%run_scoped3A_186, %dma_wait3A_202, %dma_wait3A_203] : memref<2x128x64xf32, #tpu.memory_space<vmem>> -> memref<1x128x64xf32, #tpu.memory_space<vmem>>
        %dma_wait3A_205 = tpu.memref_squeeze %dma_wait3A_204 : memref<1x128x64xf32, #tpu.memory_space<vmem>> -> memref<128x64xf32, #tpu.memory_space<vmem>>
        %dma_wait3A_206 = tpu.memref_slice %arg6[%mul3A_185] : memref<10112xi32, #tpu.memory_space<vmem>> -> memref<128xi32, #tpu.memory_space<vmem>>
        %dma_wait3A_207 = arith.constant 0 : i32
        %dma_wait3A_208 = arith.constant 0 : i32
        %dma_wait3A_209 = tpu.memref_slice %arg10[%dma_wait3A_207, %dma_wait3A_208] : memref<10240x64xf32, #tpu.memory_space<vmem_shared>> -> memref<10240x64xf32, #tpu.memory_space<vmem_shared>>
        tpu.wait_indirect_dma semaphore(%run_scoped3A_193 : memref<!tpu.dma_semaphore, #tpu.memory_space<semaphore_mem>>) src(%dma_wait3A_205 : memref<128x64xf32, #tpu.memory_space<vmem>>) dst(%dma_wait3A_209 : memref<10240x64xf32, #tpu.memory_space<vmem_shared>>)
        tpu.yield
      }) : () -> ()
      %add3A_187 = arith.constant 2 : i32
      %add3A_188 = arith.addi %add3A_173, %add3A_187 : i32
      %lt3A_189 = arith.cmpi slt, %add3A_188, %select_n3A : i32
      %convert_element_type3A_190 = arith.extui %lt3A_189 : i1 to i32
      %cond3A_191 = arith.constant 0 : i32
      %cond3A_192 = arith.cmpi ne, %convert_element_type3A_190, %cond3A_191 : i32
      scf.if %cond3A_192 {
        %add3A_193 = arith.constant 2 : i32
        %add3A_194 = arith.addi %add3A_173, %add3A_193 : i32
        %mul3A_195 = arith.constant 128 : i32
        %mul3A_196 = arith.muli %add3A_194, %mul3A_195 : i32
        %dma_start3A_197 = arith.constant 1 : i32
        %dma_start3A_198 = arith.constant 0 : i32
        %dma_start3A_199 = arith.constant 0 : i32
        %dma_start3A_200 = tpu.memref_slice %arg7[%dma_start3A_197, %dma_start3A_198, %dma_start3A_199] : memref<2x128x64xf32, #tpu.memory_space<vmem>> -> memref<1x128x64xf32, #tpu.memory_space<vmem>>
        %dma_start3A_201 = tpu.memref_squeeze %dma_start3A_200 : memref<1x128x64xf32, #tpu.memory_space<vmem>> -> memref<128x64xf32, #tpu.memory_space<vmem>>
        %dma_start3A_202 = tpu.memref_slice %arg5[%mul3A_196] : memref<10112xi32, #tpu.memory_space<vmem>> -> memref<128xi32, #tpu.memory_space<vmem>>
        %dma_start3A_203 = arith.constant 0 : i32
        %dma_start3A_204 = arith.constant 0 : i32
        %dma_start3A_205 = tpu.memref_slice %arg9[%dma_start3A_203, %dma_start3A_204] : memref<10240x64xf32, #tpu.memory_space<vmem_shared>> -> memref<10240x64xf32, #tpu.memory_space<vmem_shared>>
        tpu.enqueue_indirect_dma source(%dma_start3A_205 : memref<10240x64xf32, #tpu.memory_space<vmem_shared>>) target(%dma_start3A_201 : memref<128x64xf32, #tpu.memory_space<vmem>>) offsets(%dma_start3A_202 : memref<128xi32, #tpu.memory_space<vmem>>) semaphore(%arg12 : memref<!tpu.dma_semaphore, #tpu.memory_space<semaphore_mem>>)
      } else {
      }
    }
    %while3A_96 = arith.constant 1 : i32
    scf.for %while3A_149 = %while3A_94 to %while3A_90 step %while3A_96  : i32 {
      %mul3A_150 = arith.constant 2 : i32
      %mul3A_151 = arith.muli %while3A_149, %mul3A_150 : i32
      %add3A_152 = arith.constant 0 : i32
      %add3A_153 = arith.addi %mul3A_151, %add3A_152 : i32
      %dma_wait3A = arith.constant 0 : i32
      %dma_wait3A_154 = arith.constant 0 : i32
      %dma_wait3A_155 = arith.constant 0 : i32
      %dma_wait3A_156 = tpu.memref_slice %arg7[%dma_wait3A, %dma_wait3A_154, %dma_wait3A_155] : memref<2x128x64xf32, #tpu.memory_space<vmem>> -> memref<1x128x64xf32, #tpu.memory_space<vmem>>
      %dma_wait3A_157 = tpu.memref_squeeze %dma_wait3A_156 : memref<1x128x64xf32, #tpu.memory_space<vmem>> -> memref<128x64xf32, #tpu.memory_space<vmem>>
      %dma_wait3A_158 = arith.constant 0 : i32
      %dma_wait3A_159 = tpu.memref_slice %arg5[%dma_wait3A_158] : memref<10112xi32, #tpu.memory_space<vmem>> -> memref<128xi32, #tpu.memory_space<vmem>>
      %dma_wait3A_160 = arith.constant 0 : i32
      %dma_wait3A_161 = arith.constant 0 : i32
      %dma_wait3A_162 = tpu.memref_slice %arg9[%dma_wait3A_160, %dma_wait3A_161] : memref<10240x64xf32, #tpu.memory_space<vmem_shared>> -> memref<10240x64xf32, #tpu.memory_space<vmem_shared>>
      tpu.wait_indirect_dma semaphore(%arg11 : memref<!tpu.dma_semaphore, #tpu.memory_space<semaphore_mem>>) src(%dma_wait3A_162 : memref<10240x64xf32, #tpu.memory_space<vmem_shared>>) dst(%dma_wait3A_157 : memref<128x64xf32, #tpu.memory_space<vmem>>)
      %mul3A_163 = arith.constant 128 : i32
      %mul3A_164 = arith.muli %add3A_153, %mul3A_163 : i32
      %run_scoped3A = arith.constant 0 : i32
      "tpu.region"() ({
        %run_scoped3A_193 = tpu.sem_alloc : memref<!tpu.dma_semaphore, #tpu.memory_space<semaphore_mem>>
        %dma_start3A_194 = arith.constant 0 : i32
        %dma_start3A_195 = arith.constant 0 : i32
        %dma_start3A_196 = tpu.memref_slice %arg7[%run_scoped3A, %dma_start3A_194, %dma_start3A_195] : memref<2x128x64xf32, #tpu.memory_space<vmem>> -> memref<1x128x64xf32, #tpu.memory_space<vmem>>
        %dma_start3A_197 = tpu.memref_squeeze %dma_start3A_196 : memref<1x128x64xf32, #tpu.memory_space<vmem>> -> memref<128x64xf32, #tpu.memory_space<vmem>>
        %dma_start3A_198 = tpu.memref_slice %arg6[%mul3A_164] : memref<10112xi32, #tpu.memory_space<vmem>> -> memref<128xi32, #tpu.memory_space<vmem>>
        %dma_start3A_199 = arith.constant 0 : i32
        %dma_start3A_200 = arith.constant 0 : i32
        %dma_start3A_201 = tpu.memref_slice %arg10[%dma_start3A_199, %dma_start3A_200] : memref<10240x64xf32, #tpu.memory_space<vmem_shared>> -> memref<10240x64xf32, #tpu.memory_space<vmem_shared>>
        tpu.enqueue_indirect_dma source(%dma_start3A_197 : memref<128x64xf32, #tpu.memory_space<vmem>>) target(%dma_start3A_201 : memref<10240x64xf32, #tpu.memory_space<vmem_shared>>) offsets(%dma_start3A_198 : memref<128xi32, #tpu.memory_space<vmem>>) semaphore(%run_scoped3A_193 : memref<!tpu.dma_semaphore, #tpu.memory_space<semaphore_mem>>) {add = true}
        %dma_wait3A_202 = arith.constant 0 : i32
        %dma_wait3A_203 = arith.constant 0 : i32
        %dma_wait3A_204 = tpu.memref_slice %arg7[%run_scoped3A, %dma_wait3A_202, %dma_wait3A_203] : memref<2x128x64xf32, #tpu.memory_space<vmem>> -> memref<1x128x64xf32, #tpu.memory_space<vmem>>
        %dma_wait3A_205 = tpu.memref_squeeze %dma_wait3A_204 : memref<1x128x64xf32, #tpu.memory_space<vmem>> -> memref<128x64xf32, #tpu.memory_space<vmem>>
        %dma_wait3A_206 = tpu.memref_slice %arg6[%mul3A_164] : memref<10112xi32, #tpu.memory_space<vmem>> -> memref<128xi32, #tpu.memory_space<vmem>>
        %dma_wait3A_207 = arith.constant 0 : i32
        %dma_wait3A_208 = arith.constant 0 : i32
        %dma_wait3A_209 = tpu.memref_slice %arg10[%dma_wait3A_207, %dma_wait3A_208] : memref<10240x64xf32, #tpu.memory_space<vmem_shared>> -> memref<10240x64xf32, #tpu.memory_space<vmem_shared>>
        tpu.wait_indirect_dma semaphore(%run_scoped3A_193 : memref<!tpu.dma_semaphore, #tpu.memory_space<semaphore_mem>>) src(%dma_wait3A_205 : memref<128x64xf32, #tpu.memory_space<vmem>>) dst(%dma_wait3A_209 : memref<10240x64xf32, #tpu.memory_space<vmem_shared>>)
        tpu.yield
      }) : () -> ()
      %add3A_165 = arith.constant 2 : i32
      %add3A_166 = arith.addi %add3A_153, %add3A_165 : i32
      %lt3A = arith.cmpi slt, %add3A_166, %select_n3A : i32
      %convert_element_type3A_167 = arith.extui %lt3A : i1 to i32
      %cond3A_168 = arith.constant 0 : i32
      %cond3A_169 = arith.cmpi ne, %convert_element_type3A_167, %cond3A_168 : i32
      scf.if %cond3A_169 {
        %add3A_193 = arith.constant 2 : i32
        %add3A_194 = arith.addi %add3A_153, %add3A_193 : i32
        %mul3A_195 = arith.constant 128 : i32
        %mul3A_196 = arith.muli %add3A_194, %mul3A_195 : i32
        %dma_start3A_197 = arith.constant 0 : i32
        %dma_start3A_198 = arith.constant 0 : i32
        %dma_start3A_199 = arith.constant 0 : i32
        %dma_start3A_200 = tpu.memref_slice %arg7[%dma_start3A_197, %dma_start3A_198, %dma_start3A_199] : memref<2x128x64xf32, #tpu.memory_space<vmem>> -> memref<1x128x64xf32, #tpu.memory_space<vmem>>
        %dma_start3A_201 = tpu.memref_squeeze %dma_start3A_200 : memref<1x128x64xf32, #tpu.memory_space<vmem>> -> memref<128x64xf32, #tpu.memory_space<vmem>>
        %dma_start3A_202 = tpu.memref_slice %arg5[%mul3A_196] : memref<10112xi32, #tpu.memory_space<vmem>> -> memref<128xi32, #tpu.memory_space<vmem>>
        %dma_start3A_203 = arith.constant 0 : i32
        %dma_start3A_204 = arith.constant 0 : i32
        %dma_start3A_205 = tpu.memref_slice %arg9[%dma_start3A_203, %dma_start3A_204] : memref<10240x64xf32, #tpu.memory_space<vmem_shared>> -> memref<10240x64xf32, #tpu.memory_space<vmem_shared>>
        tpu.enqueue_indirect_dma source(%dma_start3A_205 : memref<10240x64xf32, #tpu.memory_space<vmem_shared>>) target(%dma_start3A_201 : memref<128x64xf32, #tpu.memory_space<vmem>>) offsets(%dma_start3A_202 : memref<128xi32, #tpu.memory_space<vmem>>) semaphore(%arg11 : memref<!tpu.dma_semaphore, #tpu.memory_space<semaphore_mem>>)
      } else {
      }
      %mul3A_170 = arith.constant 2 : i32
      %mul3A_171 = arith.muli %while3A_149, %mul3A_170 : i32
      %add3A_172 = arith.constant 1 : i32
      %add3A_173 = arith.addi %mul3A_171, %add3A_172 : i32
      %dma_wait3A_174 = arith.constant 1 : i32
      %dma_wait3A_175 = arith.constant 0 : i32
      %dma_wait3A_176 = arith.constant 0 : i32
      %dma_wait3A_177 = tpu.memref_slice %arg7[%dma_wait3A_174, %dma_wait3A_175, %dma_wait3A_176] : memref<2x128x64xf32, #tpu.memory_space<vmem>> -> memref<1x128x64xf32, #tpu.memory_space<vmem>>
      %dma_wait3A_178 = tpu.memref_squeeze %dma_wait3A_177 : memref<1x128x64xf32, #tpu.memory_space<vmem>> -> memref<128x64xf32, #tpu.memory_space<vmem>>
      %dma_wait3A_179 = arith.constant 0 : i32
      %dma_wait3A_180 = tpu.memref_slice %arg5[%dma_wait3A_179] : memref<10112xi32, #tpu.memory_space<vmem>> -> memref<128xi32, #tpu.memory_space<vmem>>
      %dma_wait3A_181 = arith.constant 0 : i32
      %dma_wait3A_182 = arith.constant 0 : i32
      %dma_wait3A_183 = tpu.memref_slice %arg9[%dma_wait3A_181, %dma_wait3A_182] : memref<10240x64xf32, #tpu.memory_space<vmem_shared>> -> memref<10240x64xf32, #tpu.memory_space<vmem_shared>>
      tpu.wait_indirect_dma semaphore(%arg12 : memref<!tpu.dma_semaphore, #tpu.memory_space<semaphore_mem>>) src(%dma_wait3A_183 : memref<10240x64xf32, #tpu.memory_space<vmem_shared>>) dst(%dma_wait3A_178 : memref<128x64xf32, #tpu.memory_space<vmem>>)
      %mul3A_184 = arith.constant 128 : i32
      %mul3A_185 = arith.muli %add3A_173, %mul3A_184 : i32
      %run_scoped3A_186 = arith.constant 1 : i32
      "tpu.region"() ({
        %run_scoped3A_193 = tpu.sem_alloc : memref<!tpu.dma_semaphore, #tpu.memory_space<semaphore_mem>>
        %dma_start3A_194 = arith.constant 0 : i32
        %dma_start3A_195 = arith.constant 0 : i32
        %dma_start3A_196 = tpu.memref_slice %arg7[%run_scoped3A_186, %dma_start3A_194, %dma_start3A_195] : memref<2x128x64xf32, #tpu.memory_space<vmem>> -> memref<1x128x64xf32, #tpu.memory_space<vmem>>
        %dma_start3A_197 = tpu.memref_squeeze %dma_start3A_196 : memref<1x128x64xf32, #tpu.memory_space<vmem>> -> memref<128x64xf32, #tpu.memory_space<vmem>>
        %dma_start3A_198 = tpu.memref_slice %arg6[%mul3A_185] : memref<10112xi32, #tpu.memory_space<vmem>> -> memref<128xi32, #tpu.memory_space<vmem>>
        %dma_start3A_199 = arith.constant 0 : i32
        %dma_start3A_200 = arith.constant 0 : i32
        %dma_start3A_201 = tpu.memref_slice %arg10[%dma_start3A_199, %dma_start3A_200] : memref<10240x64xf32, #tpu.memory_space<vmem_shared>> -> memref<10240x64xf32, #tpu.memory_space<vmem_shared>>
        tpu.enqueue_indirect_dma source(%dma_start3A_197 : memref<128x64xf32, #tpu.memory_space<vmem>>) target(%dma_start3A_201 : memref<10240x64xf32, #tpu.memory_space<vmem_shared>>) offsets(%dma_start3A_198 : memref<128xi32, #tpu.memory_space<vmem>>) semaphore(%run_scoped3A_193 : memref<!tpu.dma_semaphore, #tpu.memory_space<semaphore_mem>>) {add = true}
        %dma_wait3A_202 = arith.constant 0 : i32
        %dma_wait3A_203 = arith.constant 0 : i32
        %dma_wait3A_204 = tpu.memref_slice %arg7[%run_scoped3A_186, %dma_wait3A_202, %dma_wait3A_203] : memref<2x128x64xf32, #tpu.memory_space<vmem>> -> memref<1x128x64xf32, #tpu.memory_space<vmem>>
        %dma_wait3A_205 = tpu.memref_squeeze %dma_wait3A_204 : memref<1x128x64xf32, #tpu.memory_space<vmem>> -> memref<128x64xf32, #tpu.memory_space<vmem>>
        %dma_wait3A_206 = tpu.memref_slice %arg6[%mul3A_185] : memref<10112xi32, #tpu.memory_space<vmem>> -> memref<128xi32, #tpu.memory_space<vmem>>
        %dma_wait3A_207 = arith.constant 0 : i32
        %dma_wait3A_208 = arith.constant 0 : i32
        %dma_wait3A_209 = tpu.memref_slice %arg10[%dma_wait3A_207, %dma_wait3A_208] : memref<10240x64xf32, #tpu.memory_space<vmem_shared>> -> memref<10240x64xf32, #tpu.memory_space<vmem_shared>>
        tpu.wait_indirect_dma semaphore(%run_scoped3A_193 : memref<!tpu.dma_semaphore, #tpu.memory_space<semaphore_mem>>) src(%dma_wait3A_205 : memref<128x64xf32, #tpu.memory_space<vmem>>) dst(%dma_wait3A_209 : memref<10240x64xf32, #tpu.memory_space<vmem_shared>>)
        tpu.yield
      }) : () -> ()
      %add3A_187 = arith.constant 2 : i32
      %add3A_188 = arith.addi %add3A_173, %add3A_187 : i32
      %lt3A_189 = arith.cmpi slt, %add3A_188, %select_n3A : i32
      %convert_element_type3A_190 = arith.extui %lt3A_189 : i1 to i32
      %cond3A_191 = arith.constant 0 : i32
      %cond3A_192 = arith.cmpi ne, %convert_element_type3A_190, %cond3A_191 : i32
      scf.if %cond3A_192 {
        %add3A_193 = arith.constant 2 : i32
        %add3A_194 = arith.addi %add3A_173, %add3A_193 : i32
        %mul3A_195 = arith.constant 128 : i32
        %mul3A_196 = arith.muli %add3A_194, %mul3A_195 : i32
        %dma_start3A_197 = arith.constant 1 : i32
        %dma_start3A_198 = arith.constant 0 : i32
        %dma_start3A_199 = arith.constant 0 : i32
        %dma_start3A_200 = tpu.memref_slice %arg7[%dma_start3A_197, %dma_start3A_198, %dma_start3A_199] : memref<2x128x64xf32, #tpu.memory_space<vmem>> -> memref<1x128x64xf32, #tpu.memory_space<vmem>>
        %dma_start3A_201 = tpu.memref_squeeze %dma_start3A_200 : memref<1x128x64xf32, #tpu.memory_space<vmem>> -> memref<128x64xf32, #tpu.memory_space<vmem>>
        %dma_start3A_202 = tpu.memref_slice %arg5[%mul3A_196] : memref<10112xi32, #tpu.memory_space<vmem>> -> memref<128xi32, #tpu.memory_space<vmem>>
        %dma_start3A_203 = arith.constant 0 : i32
        %dma_start3A_204 = arith.constant 0 : i32
        %dma_start3A_205 = tpu.memref_slice %arg9[%dma_start3A_203, %dma_start3A_204] : memref<10240x64xf32, #tpu.memory_space<vmem_shared>> -> memref<10240x64xf32, #tpu.memory_space<vmem_shared>>
        tpu.enqueue_indirect_dma source(%dma_start3A_205 : memref<10240x64xf32, #tpu.memory_space<vmem_shared>>) target(%dma_start3A_201 : memref<128x64xf32, #tpu.memory_space<vmem>>) offsets(%dma_start3A_202 : memref<128xi32, #tpu.memory_space<vmem>>) semaphore(%arg12 : memref<!tpu.dma_semaphore, #tpu.memory_space<semaphore_mem>>)
      } else {
      }
    }
    %sub3A_97 = arith.constant 1 : i32
    %sub3A_98 = arith.subi %select_n3A, %sub3A_97 : i32
    %while3A_99 = arith.constant 0 : i32
    %while3A_100 = arith.subi %select_n3A, %sub3A_98 : i32
    %while3A_101 = arith.addi %sub3A_98, %while3A_100 : i32
    %while3A_102 = arith.constant 1 : i32
    %while3A_103 = arith.divsi %while3A_100, %while3A_102 : i32
    %while3A_104 = arith.muli %while3A_103, %while3A_102 : i32
    %while3A_105 = arith.addi %sub3A_98, %while3A_104 : i32
    %while3A_106 = arith.constant 1 : i32
    scf.for %while3A_149 = %sub3A_98 to %while3A_105 step %while3A_106  : i32 {
      %dma_wait3A = arith.constant 0 : i32
      %dma_wait3A_150 = arith.constant 0 : i32
      %dma_wait3A_151 = arith.constant 0 : i32
      %dma_wait3A_152 = tpu.memref_slice %arg7[%dma_wait3A, %dma_wait3A_150, %dma_wait3A_151] : memref<2x128x64xf32, #tpu.memory_space<vmem>> -> memref<1x128x64xf32, #tpu.memory_space<vmem>>
      %dma_wait3A_153 = tpu.memref_squeeze %dma_wait3A_152 : memref<1x128x64xf32, #tpu.memory_space<vmem>> -> memref<128x64xf32, #tpu.memory_space<vmem>>
      %dma_wait3A_154 = arith.constant 0 : i32
      %dma_wait3A_155 = tpu.memref_slice %arg5[%dma_wait3A_154] : memref<10112xi32, #tpu.memory_space<vmem>> -> memref<128xi32, #tpu.memory_space<vmem>>
      %dma_wait3A_156 = arith.constant 0 : i32
      %dma_wait3A_157 = arith.constant 0 : i32
      %dma_wait3A_158 = tpu.memref_slice %arg9[%dma_wait3A_156, %dma_wait3A_157] : memref<10240x64xf32, #tpu.memory_space<vmem_shared>> -> memref<10240x64xf32, #tpu.memory_space<vmem_shared>>
      tpu.wait_indirect_dma semaphore(%arg11 : memref<!tpu.dma_semaphore, #tpu.memory_space<semaphore_mem>>) src(%dma_wait3A_158 : memref<10240x64xf32, #tpu.memory_space<vmem_shared>>) dst(%dma_wait3A_153 : memref<128x64xf32, #tpu.memory_space<vmem>>)
      %mul3A_159 = arith.constant 128 : i32
      %mul3A_160 = arith.muli %while3A_149, %mul3A_159 : i32
      %run_scoped3A = arith.constant 0 : i32
      "tpu.region"() ({
        %run_scoped3A_161 = tpu.sem_alloc : memref<!tpu.dma_semaphore, #tpu.memory_space<semaphore_mem>>
        %dma_start3A_162 = arith.constant 0 : i32
        %dma_start3A_163 = arith.constant 0 : i32
        %dma_start3A_164 = tpu.memref_slice %arg7[%run_scoped3A, %dma_start3A_162, %dma_start3A_163] : memref<2x128x64xf32, #tpu.memory_space<vmem>> -> memref<1x128x64xf32, #tpu.memory_space<vmem>>
        %dma_start3A_165 = tpu.memref_squeeze %dma_start3A_164 : memref<1x128x64xf32, #tpu.memory_space<vmem>> -> memref<128x64xf32, #tpu.memory_space<vmem>>
        %dma_start3A_166 = tpu.memref_slice %arg6[%mul3A_160] : memref<10112xi32, #tpu.memory_space<vmem>> -> memref<128xi32, #tpu.memory_space<vmem>>
        %dma_start3A_167 = arith.constant 0 : i32
        %dma_start3A_168 = arith.constant 0 : i32
        %dma_start3A_169 = tpu.memref_slice %arg10[%dma_start3A_167, %dma_start3A_168] : memref<10240x64xf32, #tpu.memory_space<vmem_shared>> -> memref<10240x64xf32, #tpu.memory_space<vmem_shared>>
        tpu.enqueue_indirect_dma source(%dma_start3A_165 : memref<128x64xf32, #tpu.memory_space<vmem>>) target(%dma_start3A_169 : memref<10240x64xf32, #tpu.memory_space<vmem_shared>>) offsets(%dma_start3A_166 : memref<128xi32, #tpu.memory_space<vmem>>) semaphore(%run_scoped3A_161 : memref<!tpu.dma_semaphore, #tpu.memory_space<semaphore_mem>>) {add = true}
        %dma_wait3A_170 = arith.constant 0 : i32
        %dma_wait3A_171 = arith.constant 0 : i32
        %dma_wait3A_172 = tpu.memref_slice %arg7[%run_scoped3A, %dma_wait3A_170, %dma_wait3A_171] : memref<2x128x64xf32, #tpu.memory_space<vmem>> -> memref<1x128x64xf32, #tpu.memory_space<vmem>>
        %dma_wait3A_173 = tpu.memref_squeeze %dma_wait3A_172 : memref<1x128x64xf32, #tpu.memory_space<vmem>> -> memref<128x64xf32, #tpu.memory_space<vmem>>
        %dma_wait3A_174 = tpu.memref_slice %arg6[%mul3A_160] : memref<10112xi32, #tpu.memory_space<vmem>> -> memref<128xi32, #tpu.memory_space<vmem>>
        %dma_wait3A_175 = arith.constant 0 : i32
        %dma_wait3A_176 = arith.constant 0 : i32
        %dma_wait3A_177 = tpu.memref_slice %arg10[%dma_wait3A_175, %dma_wait3A_176] : memref<10240x64xf32, #tpu.memory_space<vmem_shared>> -> memref<10240x64xf32, #tpu.memory_space<vmem_shared>>
        tpu.wait_indirect_dma semaphore(%run_scoped3A_161 : memref<!tpu.dma_semaphore, #tpu.memory_space<semaphore_mem>>) src(%dma_wait3A_173 : memref<128x64xf32, #tpu.memory_space<vmem>>) dst(%dma_wait3A_177 : memref<10240x64xf32, #tpu.memory_space<vmem_shared>>)
        tpu.yield
      }) : () -> ()
    }
    %while3A_107 = arith.constant 1 : i32
    scf.for %while3A_149 = %while3A_105 to %while3A_101 step %while3A_107  : i32 {
      %dma_wait3A = arith.constant 0 : i32
      %dma_wait3A_150 = arith.constant 0 : i32
      %dma_wait3A_151 = arith.constant 0 : i32
      %dma_wait3A_152 = tpu.memref_slice %arg7[%dma_wait3A, %dma_wait3A_150, %dma_wait3A_151] : memref<2x128x64xf32, #tpu.memory_space<vmem>> -> memref<1x128x64xf32, #tpu.memory_space<vmem>>
      %dma_wait3A_153 = tpu.memref_squeeze %dma_wait3A_152 : memref<1x128x64xf32, #tpu.memory_space<vmem>> -> memref<128x64xf32, #tpu.memory_space<vmem>>
      %dma_wait3A_154 = arith.constant 0 : i32
      %dma_wait3A_155 = tpu.memref_slice %arg5[%dma_wait3A_154] : memref<10112xi32, #tpu.memory_space<vmem>> -> memref<128xi32, #tpu.memory_space<vmem>>
      %dma_wait3A_156 = arith.constant 0 : i32
      %dma_wait3A_157 = arith.constant 0 : i32
      %dma_wait3A_158 = tpu.memref_slice %arg9[%dma_wait3A_156, %dma_wait3A_157] : memref<10240x64xf32, #tpu.memory_space<vmem_shared>> -> memref<10240x64xf32, #tpu.memory_space<vmem_shared>>
      tpu.wait_indirect_dma semaphore(%arg11 : memref<!tpu.dma_semaphore, #tpu.memory_space<semaphore_mem>>) src(%dma_wait3A_158 : memref<10240x64xf32, #tpu.memory_space<vmem_shared>>) dst(%dma_wait3A_153 : memref<128x64xf32, #tpu.memory_space<vmem>>)
      %mul3A_159 = arith.constant 128 : i32
      %mul3A_160 = arith.muli %while3A_149, %mul3A_159 : i32
      %run_scoped3A = arith.constant 0 : i32
      "tpu.region"() ({
        %run_scoped3A_161 = tpu.sem_alloc : memref<!tpu.dma_semaphore, #tpu.memory_space<semaphore_mem>>
        %dma_start3A_162 = arith.constant 0 : i32
        %dma_start3A_163 = arith.constant 0 : i32
        %dma_start3A_164 = tpu.memref_slice %arg7[%run_scoped3A, %dma_start3A_162, %dma_start3A_163] : memref<2x128x64xf32, #tpu.memory_space<vmem>> -> memref<1x128x64xf32, #tpu.memory_space<vmem>>
        %dma_start3A_165 = tpu.memref_squeeze %dma_start3A_164 : memref<1x128x64xf32, #tpu.memory_space<vmem>> -> memref<128x64xf32, #tpu.memory_space<vmem>>
        %dma_start3A_166 = tpu.memref_slice %arg6[%mul3A_160] : memref<10112xi32, #tpu.memory_space<vmem>> -> memref<128xi32, #tpu.memory_space<vmem>>
        %dma_start3A_167 = arith.constant 0 : i32
        %dma_start3A_168 = arith.constant 0 : i32
        %dma_start3A_169 = tpu.memref_slice %arg10[%dma_start3A_167, %dma_start3A_168] : memref<10240x64xf32, #tpu.memory_space<vmem_shared>> -> memref<10240x64xf32, #tpu.memory_space<vmem_shared>>
        tpu.enqueue_indirect_dma source(%dma_start3A_165 : memref<128x64xf32, #tpu.memory_space<vmem>>) target(%dma_start3A_169 : memref<10240x64xf32, #tpu.memory_space<vmem_shared>>) offsets(%dma_start3A_166 : memref<128xi32, #tpu.memory_space<vmem>>) semaphore(%run_scoped3A_161 : memref<!tpu.dma_semaphore, #tpu.memory_space<semaphore_mem>>) {add = true}
        %dma_wait3A_170 = arith.constant 0 : i32
        %dma_wait3A_171 = arith.constant 0 : i32
        %dma_wait3A_172 = tpu.memref_slice %arg7[%run_scoped3A, %dma_wait3A_170, %dma_wait3A_171] : memref<2x128x64xf32, #tpu.memory_space<vmem>> -> memref<1x128x64xf32, #tpu.memory_space<vmem>>
        %dma_wait3A_173 = tpu.memref_squeeze %dma_wait3A_172 : memref<1x128x64xf32, #tpu.memory_space<vmem>> -> memref<128x64xf32, #tpu.memory_space<vmem>>
        %dma_wait3A_174 = tpu.memref_slice %arg6[%mul3A_160] : memref<10112xi32, #tpu.memory_space<vmem>> -> memref<128xi32, #tpu.memory_space<vmem>>
        %dma_wait3A_175 = arith.constant 0 : i32
        %dma_wait3A_176 = arith.constant 0 : i32
        %dma_wait3A_177 = tpu.memref_slice %arg10[%dma_wait3A_175, %dma_wait3A_176] : memref<10240x64xf32, #tpu.memory_space<vmem_shared>> -> memref<10240x64xf32, #tpu.memory_space<vmem_shared>>
        tpu.wait_indirect_dma semaphore(%run_scoped3A_161 : memref<!tpu.dma_semaphore, #tpu.memory_space<semaphore_mem>>) src(%dma_wait3A_173 : memref<128x64xf32, #tpu.memory_space<vmem>>) dst(%dma_wait3A_177 : memref<10240x64xf32, #tpu.memory_space<vmem_shared>>)
        tpu.yield
      }) : () -> ()
    }
    %barrier3A_108 = arith.constant 0 : index
    tpu.barrier barrier_id(%barrier3A_108)
    %mul3A_109 = arith.constant 640 : i32
    %mul3A_110 = arith.muli %arg1, %mul3A_109 : i32
    %add3A_111 = arith.constant 0 : i32
    %add3A_112 = arith.addi %mul3A_110, %add3A_111 : i32
    %mul3A_113 = arith.constant 640 : i32
    %mul3A_114 = arith.muli %arg1, %mul3A_113 : i32
    %add3A_115 = arith.constant 0 : i32
    %add3A_116 = arith.addi %mul3A_114, %add3A_115 : i32
    "tpu.region"() ({
      %run_scoped3A = tpu.sem_alloc : memref<!tpu.dma_semaphore, #tpu.memory_space<semaphore_mem>>
      %dma_start3A_149 = arith.constant 0 : i32
      %dma_start3A_150 = arith.constant 0 : i32
      %dma_start3A_151 = tpu.memref_slice %arg4[%arg0, %dma_start3A_149, %dma_start3A_150] : memref<2x10240x64xf32, #tpu.memory_space<hbm>> -> memref<1x10240x64xf32, #tpu.memory_space<hbm>>
      %dma_start3A_152 = tpu.memref_squeeze %dma_start3A_151 : memref<1x10240x64xf32, #tpu.memory_space<hbm>> -> memref<10240x64xf32, #tpu.memory_space<hbm>>
      %dma_start3A_153 = arith.constant 0 : i32
      %dma_start3A_154 = tpu.memref_slice %dma_start3A_152[%add3A_116, %dma_start3A_153] : memref<10240x64xf32, #tpu.memory_space<hbm>> -> memref<128x64xf32, #tpu.memory_space<hbm>>
      %dma_start3A_155 = arith.constant 0 : i32
      %dma_start3A_156 = tpu.memref_slice %arg10[%add3A_112, %dma_start3A_155] : memref<10240x64xf32, #tpu.memory_space<vmem_shared>> -> memref<128x64xf32, #tpu.memory_space<vmem_shared>>
      tpu.enqueue_dma source(%dma_start3A_156 : memref<128x64xf32, #tpu.memory_space<vmem_shared>>) target(%dma_start3A_154 : memref<128x64xf32, #tpu.memory_space<hbm>>) target_semaphore(%run_scoped3A : memref<!tpu.dma_semaphore, #tpu.memory_space<semaphore_mem>>)
      %dma_wait3A = arith.constant 0 : i32
      %dma_wait3A_157 = arith.constant 0 : i32
      %dma_wait3A_158 = tpu.memref_slice %arg4[%arg0, %dma_wait3A, %dma_wait3A_157] : memref<2x10240x64xf32, #tpu.memory_space<hbm>> -> memref<1x10240x64xf32, #tpu.memory_space<hbm>>
      %dma_wait3A_159 = tpu.memref_squeeze %dma_wait3A_158 : memref<1x10240x64xf32, #tpu.memory_space<hbm>> -> memref<10240x64xf32, #tpu.memory_space<hbm>>
      %dma_wait3A_160 = arith.constant 0 : i32
      %dma_wait3A_161 = tpu.memref_slice %dma_wait3A_159[%add3A_116, %dma_wait3A_160] : memref<10240x64xf32, #tpu.memory_space<hbm>> -> memref<128x64xf32, #tpu.memory_space<hbm>>
      %dma_wait3A_162 = arith.constant 0 : i32
      %dma_wait3A_163 = tpu.memref_slice %arg10[%add3A_112, %dma_wait3A_162] : memref<10240x64xf32, #tpu.memory_space<vmem_shared>> -> memref<128x64xf32, #tpu.memory_space<vmem_shared>>
      tpu.wait_dma2 semaphore(%run_scoped3A : memref<!tpu.dma_semaphore, #tpu.memory_space<semaphore_mem>>) src(%dma_wait3A_163 : memref<128x64xf32, #tpu.memory_space<vmem_shared>>) dst(%dma_wait3A_161 : memref<128x64xf32, #tpu.memory_space<hbm>>)
      tpu.yield
    }) : () -> ()
    %mul3A_117 = arith.constant 640 : i32
    %mul3A_118 = arith.muli %arg1, %mul3A_117 : i32
    %add3A_119 = arith.constant 128 : i32
    %add3A_120 = arith.addi %mul3A_118, %add3A_119 : i32
    %mul3A_121 = arith.constant 640 : i32
    %mul3A_122 = arith.muli %arg1, %mul3A_121 : i32
    %add3A_123 = arith.constant 128 : i32
    %add3A_124 = arith.addi %mul3A_122, %add3A_123 : i32
    "tpu.region"() ({
      %run_scoped3A = tpu.sem_alloc : memref<!tpu.dma_semaphore, #tpu.memory_space<semaphore_mem>>
      %dma_start3A_149 = arith.constant 0 : i32
      %dma_start3A_150 = arith.constant 0 : i32
      %dma_start3A_151 = tpu.memref_slice %arg4[%arg0, %dma_start3A_149, %dma_start3A_150] : memref<2x10240x64xf32, #tpu.memory_space<hbm>> -> memref<1x10240x64xf32, #tpu.memory_space<hbm>>
      %dma_start3A_152 = tpu.memref_squeeze %dma_start3A_151 : memref<1x10240x64xf32, #tpu.memory_space<hbm>> -> memref<10240x64xf32, #tpu.memory_space<hbm>>
      %dma_start3A_153 = arith.constant 0 : i32
      %dma_start3A_154 = tpu.memref_slice %dma_start3A_152[%add3A_124, %dma_start3A_153] : memref<10240x64xf32, #tpu.memory_space<hbm>> -> memref<128x64xf32, #tpu.memory_space<hbm>>
      %dma_start3A_155 = arith.constant 0 : i32
      %dma_start3A_156 = tpu.memref_slice %arg10[%add3A_120, %dma_start3A_155] : memref<10240x64xf32, #tpu.memory_space<vmem_shared>> -> memref<128x64xf32, #tpu.memory_space<vmem_shared>>
      tpu.enqueue_dma source(%dma_start3A_156 : memref<128x64xf32, #tpu.memory_space<vmem_shared>>) target(%dma_start3A_154 : memref<128x64xf32, #tpu.memory_space<hbm>>) target_semaphore(%run_scoped3A : memref<!tpu.dma_semaphore, #tpu.memory_space<semaphore_mem>>)
      %dma_wait3A = arith.constant 0 : i32
      %dma_wait3A_157 = arith.constant 0 : i32
      %dma_wait3A_158 = tpu.memref_slice %arg4[%arg0, %dma_wait3A, %dma_wait3A_157] : memref<2x10240x64xf32, #tpu.memory_space<hbm>> -> memref<1x10240x64xf32, #tpu.memory_space<hbm>>
      %dma_wait3A_159 = tpu.memref_squeeze %dma_wait3A_158 : memref<1x10240x64xf32, #tpu.memory_space<hbm>> -> memref<10240x64xf32, #tpu.memory_space<hbm>>
      %dma_wait3A_160 = arith.constant 0 : i32
      %dma_wait3A_161 = tpu.memref_slice %dma_wait3A_159[%add3A_124, %dma_wait3A_160] : memref<10240x64xf32, #tpu.memory_space<hbm>> -> memref<128x64xf32, #tpu.memory_space<hbm>>
      %dma_wait3A_162 = arith.constant 0 : i32
      %dma_wait3A_163 = tpu.memref_slice %arg10[%add3A_120, %dma_wait3A_162] : memref<10240x64xf32, #tpu.memory_space<vmem_shared>> -> memref<128x64xf32, #tpu.memory_space<vmem_shared>>
      tpu.wait_dma2 semaphore(%run_scoped3A : memref<!tpu.dma_semaphore, #tpu.memory_space<semaphore_mem>>) src(%dma_wait3A_163 : memref<128x64xf32, #tpu.memory_space<vmem_shared>>) dst(%dma_wait3A_161 : memref<128x64xf32, #tpu.memory_space<hbm>>)
      tpu.yield
    }) : () -> ()
    %mul3A_125 = arith.constant 640 : i32
    %mul3A_126 = arith.muli %arg1, %mul3A_125 : i32
    %add3A_127 = arith.constant 256 : i32
    %add3A_128 = arith.addi %mul3A_126, %add3A_127 : i32
    %mul3A_129 = arith.constant 640 : i32
    %mul3A_130 = arith.muli %arg1, %mul3A_129 : i32
    %add3A_131 = arith.constant 256 : i32
    %add3A_132 = arith.addi %mul3A_130, %add3A_131 : i32
    "tpu.region"() ({
      %run_scoped3A = tpu.sem_alloc : memref<!tpu.dma_semaphore, #tpu.memory_space<semaphore_mem>>
      %dma_start3A_149 = arith.constant 0 : i32
      %dma_start3A_150 = arith.constant 0 : i32
      %dma_start3A_151 = tpu.memref_slice %arg4[%arg0, %dma_start3A_149, %dma_start3A_150] : memref<2x10240x64xf32, #tpu.memory_space<hbm>> -> memref<1x10240x64xf32, #tpu.memory_space<hbm>>
      %dma_start3A_152 = tpu.memref_squeeze %dma_start3A_151 : memref<1x10240x64xf32, #tpu.memory_space<hbm>> -> memref<10240x64xf32, #tpu.memory_space<hbm>>
      %dma_start3A_153 = arith.constant 0 : i32
      %dma_start3A_154 = tpu.memref_slice %dma_start3A_152[%add3A_132, %dma_start3A_153] : memref<10240x64xf32, #tpu.memory_space<hbm>> -> memref<128x64xf32, #tpu.memory_space<hbm>>
      %dma_start3A_155 = arith.constant 0 : i32
      %dma_start3A_156 = tpu.memref_slice %arg10[%add3A_128, %dma_start3A_155] : memref<10240x64xf32, #tpu.memory_space<vmem_shared>> -> memref<128x64xf32, #tpu.memory_space<vmem_shared>>
      tpu.enqueue_dma source(%dma_start3A_156 : memref<128x64xf32, #tpu.memory_space<vmem_shared>>) target(%dma_start3A_154 : memref<128x64xf32, #tpu.memory_space<hbm>>) target_semaphore(%run_scoped3A : memref<!tpu.dma_semaphore, #tpu.memory_space<semaphore_mem>>)
      %dma_wait3A = arith.constant 0 : i32
      %dma_wait3A_157 = arith.constant 0 : i32
      %dma_wait3A_158 = tpu.memref_slice %arg4[%arg0, %dma_wait3A, %dma_wait3A_157] : memref<2x10240x64xf32, #tpu.memory_space<hbm>> -> memref<1x10240x64xf32, #tpu.memory_space<hbm>>
      %dma_wait3A_159 = tpu.memref_squeeze %dma_wait3A_158 : memref<1x10240x64xf32, #tpu.memory_space<hbm>> -> memref<10240x64xf32, #tpu.memory_space<hbm>>
      %dma_wait3A_160 = arith.constant 0 : i32
      %dma_wait3A_161 = tpu.memref_slice %dma_wait3A_159[%add3A_132, %dma_wait3A_160] : memref<10240x64xf32, #tpu.memory_space<hbm>> -> memref<128x64xf32, #tpu.memory_space<hbm>>
      %dma_wait3A_162 = arith.constant 0 : i32
      %dma_wait3A_163 = tpu.memref_slice %arg10[%add3A_128, %dma_wait3A_162] : memref<10240x64xf32, #tpu.memory_space<vmem_shared>> -> memref<128x64xf32, #tpu.memory_space<vmem_shared>>
      tpu.wait_dma2 semaphore(%run_scoped3A : memref<!tpu.dma_semaphore, #tpu.memory_space<semaphore_mem>>) src(%dma_wait3A_163 : memref<128x64xf32, #tpu.memory_space<vmem_shared>>) dst(%dma_wait3A_161 : memref<128x64xf32, #tpu.memory_space<hbm>>)
      tpu.yield
    }) : () -> ()
    %mul3A_133 = arith.constant 640 : i32
    %mul3A_134 = arith.muli %arg1, %mul3A_133 : i32
    %add3A_135 = arith.constant 384 : i32
    %add3A_136 = arith.addi %mul3A_134, %add3A_135 : i32
    %mul3A_137 = arith.constant 640 : i32
    %mul3A_138 = arith.muli %arg1, %mul3A_137 : i32
    %add3A_139 = arith.constant 384 : i32
    %add3A_140 = arith.addi %mul3A_138, %add3A_139 : i32
    "tpu.region"() ({
      %run_scoped3A = tpu.sem_alloc : memref<!tpu.dma_semaphore, #tpu.memory_space<semaphore_mem>>
      %dma_start3A_149 = arith.constant 0 : i32
      %dma_start3A_150 = arith.constant 0 : i32
      %dma_start3A_151 = tpu.memref_slice %arg4[%arg0, %dma_start3A_149, %dma_start3A_150] : memref<2x10240x64xf32, #tpu.memory_space<hbm>> -> memref<1x10240x64xf32, #tpu.memory_space<hbm>>
      %dma_start3A_152 = tpu.memref_squeeze %dma_start3A_151 : memref<1x10240x64xf32, #tpu.memory_space<hbm>> -> memref<10240x64xf32, #tpu.memory_space<hbm>>
      %dma_start3A_153 = arith.constant 0 : i32
      %dma_start3A_154 = tpu.memref_slice %dma_start3A_152[%add3A_140, %dma_start3A_153] : memref<10240x64xf32, #tpu.memory_space<hbm>> -> memref<128x64xf32, #tpu.memory_space<hbm>>
      %dma_start3A_155 = arith.constant 0 : i32
      %dma_start3A_156 = tpu.memref_slice %arg10[%add3A_136, %dma_start3A_155] : memref<10240x64xf32, #tpu.memory_space<vmem_shared>> -> memref<128x64xf32, #tpu.memory_space<vmem_shared>>
      tpu.enqueue_dma source(%dma_start3A_156 : memref<128x64xf32, #tpu.memory_space<vmem_shared>>) target(%dma_start3A_154 : memref<128x64xf32, #tpu.memory_space<hbm>>) target_semaphore(%run_scoped3A : memref<!tpu.dma_semaphore, #tpu.memory_space<semaphore_mem>>)
      %dma_wait3A = arith.constant 0 : i32
      %dma_wait3A_157 = arith.constant 0 : i32
      %dma_wait3A_158 = tpu.memref_slice %arg4[%arg0, %dma_wait3A, %dma_wait3A_157] : memref<2x10240x64xf32, #tpu.memory_space<hbm>> -> memref<1x10240x64xf32, #tpu.memory_space<hbm>>
      %dma_wait3A_159 = tpu.memref_squeeze %dma_wait3A_158 : memref<1x10240x64xf32, #tpu.memory_space<hbm>> -> memref<10240x64xf32, #tpu.memory_space<hbm>>
      %dma_wait3A_160 = arith.constant 0 : i32
      %dma_wait3A_161 = tpu.memref_slice %dma_wait3A_159[%add3A_140, %dma_wait3A_160] : memref<10240x64xf32, #tpu.memory_space<hbm>> -> memref<128x64xf32, #tpu.memory_space<hbm>>
      %dma_wait3A_162 = arith.constant 0 : i32
      %dma_wait3A_163 = tpu.memref_slice %arg10[%add3A_136, %dma_wait3A_162] : memref<10240x64xf32, #tpu.memory_space<vmem_shared>> -> memref<128x64xf32, #tpu.memory_space<vmem_shared>>
      tpu.wait_dma2 semaphore(%run_scoped3A : memref<!tpu.dma_semaphore, #tpu.memory_space<semaphore_mem>>) src(%dma_wait3A_163 : memref<128x64xf32, #tpu.memory_space<vmem_shared>>) dst(%dma_wait3A_161 : memref<128x64xf32, #tpu.memory_space<hbm>>)
      tpu.yield
    }) : () -> ()
    %mul3A_141 = arith.constant 640 : i32
    %mul3A_142 = arith.muli %arg1, %mul3A_141 : i32
    %add3A_143 = arith.constant 512 : i32
    %add3A_144 = arith.addi %mul3A_142, %add3A_143 : i32
    %mul3A_145 = arith.constant 640 : i32
    %mul3A_146 = arith.muli %arg1, %mul3A_145 : i32
    %add3A_147 = arith.constant 512 : i32
    %add3A_148 = arith.addi %mul3A_146, %add3A_147 : i32
    "tpu.region"() ({
      %run_scoped3A = tpu.sem_alloc : memref<!tpu.dma_semaphore, #tpu.memory_space<semaphore_mem>>
      %dma_start3A_149 = arith.constant 0 : i32
      %dma_start3A_150 = arith.constant 0 : i32
      %dma_start3A_151 = tpu.memref_slice %arg4[%arg0, %dma_start3A_149, %dma_start3A_150] : memref<2x10240x64xf32, #tpu.memory_space<hbm>> -> memref<1x10240x64xf32, #tpu.memory_space<hbm>>
      %dma_start3A_152 = tpu.memref_squeeze %dma_start3A_151 : memref<1x10240x64xf32, #tpu.memory_space<hbm>> -> memref<10240x64xf32, #tpu.memory_space<hbm>>
      %dma_start3A_153 = arith.constant 0 : i32
      %dma_start3A_154 = tpu.memref_slice %dma_start3A_152[%add3A_148, %dma_start3A_153] : memref<10240x64xf32, #tpu.memory_space<hbm>> -> memref<128x64xf32, #tpu.memory_space<hbm>>
      %dma_start3A_155 = arith.constant 0 : i32
      %dma_start3A_156 = tpu.memref_slice %arg10[%add3A_144, %dma_start3A_155] : memref<10240x64xf32, #tpu.memory_space<vmem_shared>> -> memref<128x64xf32, #tpu.memory_space<vmem_shared>>
      tpu.enqueue_dma source(%dma_start3A_156 : memref<128x64xf32, #tpu.memory_space<vmem_shared>>) target(%dma_start3A_154 : memref<128x64xf32, #tpu.memory_space<hbm>>) target_semaphore(%run_scoped3A : memref<!tpu.dma_semaphore, #tpu.memory_space<semaphore_mem>>)
      %dma_wait3A = arith.constant 0 : i32
      %dma_wait3A_157 = arith.constant 0 : i32
      %dma_wait3A_158 = tpu.memref_slice %arg4[%arg0, %dma_wait3A, %dma_wait3A_157] : memref<2x10240x64xf32, #tpu.memory_space<hbm>> -> memref<1x10240x64xf32, #tpu.memory_space<hbm>>
      %dma_wait3A_159 = tpu.memref_squeeze %dma_wait3A_158 : memref<1x10240x64xf32, #tpu.memory_space<hbm>> -> memref<10240x64xf32, #tpu.memory_space<hbm>>
      %dma_wait3A_160 = arith.constant 0 : i32
      %dma_wait3A_161 = tpu.memref_slice %dma_wait3A_159[%add3A_148, %dma_wait3A_160] : memref<10240x64xf32, #tpu.memory_space<hbm>> -> memref<128x64xf32, #tpu.memory_space<hbm>>
      %dma_wait3A_162 = arith.constant 0 : i32
      %dma_wait3A_163 = tpu.memref_slice %arg10[%add3A_144, %dma_wait3A_162] : memref<10240x64xf32, #tpu.memory_space<vmem_shared>> -> memref<128x64xf32, #tpu.memory_space<vmem_shared>>
      tpu.wait_dma2 semaphore(%run_scoped3A : memref<!tpu.dma_semaphore, #tpu.memory_space<semaphore_mem>>) src(%dma_wait3A_163 : memref<128x64xf32, #tpu.memory_space<vmem_shared>>) dst(%dma_wait3A_161 : memref<128x64xf32, #tpu.memory_space<hbm>>)
      tpu.yield
    }) : () -> ()
    return
  }
}

module attributes {stable_mosaic.version = 14 : i64} {
  func.func @_tc_b_body(%arg0: memref<10000x128xf32, #tpu.memory_space<vmem>>, %arg1: memref<128x64xf32, #tpu.memory_space<vmem>>, %arg2: memref<64xf32, #tpu.memory_space<vmem>>, %arg3: memref<2x10240x1xf32, #tpu.memory_space<vmem>>, %arg4: memref<1x128xf32, #tpu.memory_space<vmem>>, %arg5: memref<10240x64xf32, #tpu.memory_space<vmem>>, %arg6: memref<10240x64xf32, #tpu.memory_space<vmem>>, %arg7: memref<10240x1xf32, #tpu.memory_space<vmem>>, %arg8: memref<1x128xi32, #tpu.memory_space<vmem>>) attributes {dimension_semantics = [], scalar_prefetch = 0 : i64, scratch_operands = 0 : i64, tpu.core_type = #tpu.core_type<tc>} {
    %get3A = arith.constant 0 : index
    %get3A_0 = arith.constant 0 : index
    %get3A_1 = vector.load %arg0[%get3A, %get3A_0] : memref<10000x128xf32, #tpu.memory_space<vmem>>, vector<10000x128xf32>
    %get3A_2 = arith.constant 0 : index
    %get3A_3 = arith.constant 0 : index
    %get3A_4 = vector.load %arg1[%get3A_2, %get3A_3] : memref<128x64xf32, #tpu.memory_space<vmem>>, vector<128x64xf32>
    %dot_general3A = arith.constant dense<0.000000e+00> : vector<10000x64xf32>
    %dot_general3A_5 = tpu.matmul %get3A_1, %get3A_4, %dot_general3A {dimension_numbers = #tpu.dot_dimension_numbers<[1], [0], [0], [1], [0, 0, 1, 1], [], []>, transpose_lhs_hint = false} : vector<10000x128xf32>, vector<128x64xf32>, vector<10000x64xf32> -> vector<10000x64xf32>
    %broadcast_in_dim3A = arith.constant 0.000000e+00 : f32
    %broadcast_in_dim3A_6 = vector.broadcast %broadcast_in_dim3A : f32 to vector<240x64xf32>
    %concatenate3A = tpu.concatenate %dot_general3A_5, %broadcast_in_dim3A_6 in 0 : vector<10000x64xf32>, vector<240x64xf32> -> vector<10240x64xf32>
    %get3A_7 = arith.constant 0 : index
    %get3A_8 = arith.constant 0 : index
    %get3A_9 = arith.constant 0 : index
    %get3A_10 = vector.load %arg3[%get3A_7, %get3A_8, %get3A_9] : memref<2x10240x1xf32, #tpu.memory_space<vmem>>, vector<1x10240x1xf32>
    %get3A_11 = vector.shape_cast %get3A_10 : vector<1x10240x1xf32> to vector<10240x1xf32>
    %get3A_12 = arith.constant 1 : index
    %get3A_13 = arith.constant 0 : index
    %get3A_14 = arith.constant 0 : index
    %get3A_15 = vector.load %arg3[%get3A_12, %get3A_13, %get3A_14] : memref<2x10240x1xf32, #tpu.memory_space<vmem>>, vector<1x10240x1xf32>
    %get3A_16 = vector.shape_cast %get3A_15 : vector<1x10240x1xf32> to vector<10240x1xf32>
    %add3A = arith.addf %get3A_11, %get3A_16 : vector<10240x1xf32>
    %add3A_17 = arith.constant 1.000000e+00 : f32
    %add3A_18 = vector.broadcast %add3A_17 : f32 to vector<10240x1xf32>
    %add3A_19 = arith.addf %add3A, %add3A_18 : vector<10240x1xf32>
    %rsqrt3A = math.rsqrt %add3A_19 : vector<10240x1xf32>
    %mul3A = vector.broadcast %rsqrt3A : vector<10240x1xf32> to vector<10240x64xf32>
    %mul3A_20 = arith.mulf %concatenate3A, %mul3A : vector<10240x64xf32>
    %swap3A = arith.constant 0 : index
    %swap3A_21 = arith.constant 0 : index
    %swap3A_22 = vector.load %arg5[%swap3A, %swap3A_21] : memref<10240x64xf32, #tpu.memory_space<vmem>>, vector<10240x64xf32>
    tpu.vector_store %arg5[%swap3A, %swap3A_21], %mul3A_20 {strides = array<i32>} : memref<10240x64xf32, #tpu.memory_space<vmem>>, vector<10240x64xf32>,
    %mul3A_23 = arith.mulf %rsqrt3A, %rsqrt3A : vector<10240x1xf32>
    %mul3A_24 = vector.broadcast %mul3A_23 : vector<10240x1xf32> to vector<10240x64xf32>
    %mul3A_25 = arith.mulf %concatenate3A, %mul3A_24 : vector<10240x64xf32>
    %get3A_26 = arith.constant 0 : index
    %get3A_27 = vector.load %arg2[%get3A_26] : memref<64xf32, #tpu.memory_space<vmem>>, vector<64xf32>
    %broadcast_in_dim3A_28 = vector.shape_cast %get3A_27 : vector<64xf32> to vector<1x64xf32>
    %add3A_29 = vector.broadcast %broadcast_in_dim3A_28 : vector<1x64xf32> to vector<10240x64xf32>
    %add3A_30 = arith.addf %mul3A_25, %add3A_29 : vector<10240x64xf32>
    %swap3A_31 = arith.constant 0 : index
    %swap3A_32 = arith.constant 0 : index
    %swap3A_33 = vector.load %arg6[%swap3A_31, %swap3A_32] : memref<10240x64xf32, #tpu.memory_space<vmem>>, vector<10240x64xf32>
    tpu.vector_store %arg6[%swap3A_31, %swap3A_32], %add3A_30 {strides = array<i32>} : memref<10240x64xf32, #tpu.memory_space<vmem>>, vector<10240x64xf32>,
    %swap3A_34 = arith.constant 0 : index
    %swap3A_35 = arith.constant 0 : index
    %swap3A_36 = vector.load %arg7[%swap3A_34, %swap3A_35] : memref<10240x1xf32, #tpu.memory_space<vmem>>, vector<10240x1xf32>
    tpu.vector_store %arg7[%swap3A_34, %swap3A_35], %rsqrt3A {strides = array<i32>} : memref<10240x1xf32, #tpu.memory_space<vmem>>, vector<10240x1xf32>,
    %iota3A = tpu.iota {dimensions = array<i32: 0>} : vector<128x128xi32>
    %iota3A_37 = tpu.iota {dimensions = array<i32: 1>} : vector<128x128xi32>
    %le3A = arith.cmpi sle, %iota3A, %iota3A_37 : vector<128x128xi32>
    %convert_element_type3A = arith.extui %le3A : vector<128x128xi1> to vector<128x128xi32>
    %convert_element_type3A_38 = arith.sitofp %convert_element_type3A : vector<128x128xi32> to vector<128x128xf32>
    %get3A_39 = arith.constant 0 : index
    %get3A_40 = arith.constant 0 : index
    %get3A_41 = vector.load %arg4[%get3A_39, %get3A_40] : memref<1x128xf32, #tpu.memory_space<vmem>>, vector<1x128xf32>
    %dot_general3A_42 = arith.constant dense<0.000000e+00> : vector<1x128xf32>
    %dot_general3A_43 = tpu.matmul %get3A_41, %convert_element_type3A_38, %dot_general3A_42 {dimension_numbers = #tpu.dot_dimension_numbers<[1], [0], [0], [1], [0, 0, 1, 1], [], []>, transpose_lhs_hint = false} : vector<1x128xf32>, vector<128x128xf32>, vector<1x128xf32> -> vector<1x128xf32>
    %sub3A = arith.constant 1.000000e+00 : f32
    %sub3A_44 = vector.broadcast %sub3A : f32 to vector<1x128xf32>
    %sub3A_45 = arith.subf %dot_general3A_43, %sub3A_44 : vector<1x128xf32>
    %lt3A = arith.constant 0.000000e+00 : f32
    %lt3A_46 = vector.broadcast %lt3A : f32 to vector<1x128xf32>
    %lt3A_47 = arith.cmpf olt, %sub3A_45, %lt3A_46 : vector<1x128xf32>
    %add3A_48 = arith.constant 1.000000e+04 : f32
    %add3A_49 = vector.broadcast %add3A_48 : f32 to vector<1x128xf32>
    %add3A_50 = arith.addf %sub3A_45, %add3A_49 : vector<1x128xf32>
    %select_n3A = arith.select %lt3A_47, %add3A_50, %sub3A_45 : vector<1x128xi1>, vector<1x128xf32>
    %convert_element_type3A_51 = arith.fptosi %select_n3A : vector<1x128xf32> to vector<1x128xi32>
    %swap3A_52 = arith.constant 0 : index
    %swap3A_53 = arith.constant 0 : index
    %swap3A_54 = vector.load %arg8[%swap3A_52, %swap3A_53] : memref<1x128xi32, #tpu.memory_space<vmem>>, vector<1x128xi32>
    tpu.vector_store %arg8[%swap3A_52, %swap3A_53], %convert_element_type3A_51 {strides = array<i32>} : memref<1x128xi32, #tpu.memory_space<vmem>>, vector<1x128xi32>,
    return
  }
}

module attributes {stable_mosaic.version = 14 : i64} {
  func.func @_tc_d_body(%arg0: memref<2x10240x64xf32, #tpu.memory_space<vmem>>, %arg1: memref<10240x64xf32, #tpu.memory_space<vmem>>, %arg2: memref<10240x1xf32, #tpu.memory_space<vmem>>, %arg3: memref<64x1xf32, #tpu.memory_space<vmem>>, %arg4: memref<1xf32, #tpu.memory_space<vmem>>, %arg5: memref<10240x1xf32, #tpu.memory_space<vmem>>, %arg6: memref<10240x1xf32, #tpu.memory_space<vmem>>) attributes {dimension_semantics = [], scalar_prefetch = 0 : i64, scratch_operands = 0 : i64, tpu.core_type = #tpu.core_type<tc>} {
    %get3A = arith.constant 0 : index
    %get3A_0 = arith.constant 0 : index
    %get3A_1 = vector.load %arg2[%get3A, %get3A_0] : memref<10240x1xf32, #tpu.memory_space<vmem>>, vector<10240x1xf32>
    %get3A_2 = arith.constant 0 : index
    %get3A_3 = arith.constant 0 : index
    %get3A_4 = arith.constant 0 : index
    %get3A_5 = vector.load %arg0[%get3A_2, %get3A_3, %get3A_4] : memref<2x10240x64xf32, #tpu.memory_space<vmem>>, vector<1x10240x64xf32>
    %get3A_6 = vector.shape_cast %get3A_5 : vector<1x10240x64xf32> to vector<10240x64xf32>
    %get3A_7 = arith.constant 1 : index
    %get3A_8 = arith.constant 0 : index
    %get3A_9 = arith.constant 0 : index
    %get3A_10 = vector.load %arg0[%get3A_7, %get3A_8, %get3A_9] : memref<2x10240x64xf32, #tpu.memory_space<vmem>>, vector<1x10240x64xf32>
    %get3A_11 = vector.shape_cast %get3A_10 : vector<1x10240x64xf32> to vector<10240x64xf32>
    %add3A = arith.addf %get3A_6, %get3A_11 : vector<10240x64xf32>
    %mul3A = vector.broadcast %get3A_1 : vector<10240x1xf32> to vector<10240x64xf32>
    %mul3A_12 = arith.mulf %add3A, %mul3A : vector<10240x64xf32>
    %get3A_13 = arith.constant 0 : index
    %get3A_14 = arith.constant 0 : index
    %get3A_15 = vector.load %arg1[%get3A_13, %get3A_14] : memref<10240x64xf32, #tpu.memory_space<vmem>>, vector<10240x64xf32>
    %add3A_16 = arith.addf %mul3A_12, %get3A_15 : vector<10240x64xf32>
    %max3A = arith.constant 0.000000e+00 : f32
    %max3A_17 = vector.broadcast %max3A : f32 to vector<10240x64xf32>
    %max3A_18 = arith.maximumf %add3A_16, %max3A_17 : vector<10240x64xf32>
    %get3A_19 = arith.constant 0 : index
    %get3A_20 = arith.constant 0 : index
    %get3A_21 = vector.load %arg3[%get3A_19, %get3A_20] : memref<64x1xf32, #tpu.memory_space<vmem>>, vector<64x1xf32>
    %dot_general3A = arith.constant dense<0.000000e+00> : vector<10240x1xf32>
    %dot_general3A_22 = tpu.matmul %max3A_18, %get3A_21, %dot_general3A {dimension_numbers = #tpu.dot_dimension_numbers<[1], [0], [0], [1], [0, 0, 1, 1], [], []>, transpose_lhs_hint = false} : vector<10240x64xf32>, vector<64x1xf32>, vector<10240x1xf32> -> vector<10240x1xf32>
    %mul3A_23 = arith.mulf %get3A_1, %dot_general3A_22 : vector<10240x1xf32>
    %swap3A = arith.constant 0 : index
    %swap3A_24 = arith.constant 0 : index
    %swap3A_25 = vector.load %arg5[%swap3A, %swap3A_24] : memref<10240x1xf32, #tpu.memory_space<vmem>>, vector<10240x1xf32>
    tpu.vector_store %arg5[%swap3A, %swap3A_24], %mul3A_23 {strides = array<i32>} : memref<10240x1xf32, #tpu.memory_space<vmem>>, vector<10240x1xf32>,
    %mul3A_26 = arith.mulf %get3A_1, %get3A_1 : vector<10240x1xf32>
    %mul3A_27 = arith.mulf %mul3A_26, %dot_general3A_22 : vector<10240x1xf32>
    %get3A_28 = arith.constant 0 : index
    %get3A_29 = vector.load %arg4[%get3A_28] : memref<1xf32, #tpu.memory_space<vmem>>, vector<1xf32>
    %broadcast_in_dim3A = vector.shape_cast %get3A_29 : vector<1xf32> to vector<1x1xf32>
    %add3A_30 = vector.broadcast %broadcast_in_dim3A : vector<1x1xf32> to vector<10240x1xf32>
    %add3A_31 = arith.addf %mul3A_27, %add3A_30 : vector<10240x1xf32>
    %swap3A_32 = arith.constant 0 : index
    %swap3A_33 = arith.constant 0 : index
    %swap3A_34 = vector.load %arg6[%swap3A_32, %swap3A_33] : memref<10240x1xf32, #tpu.memory_space<vmem>>, vector<10240x1xf32>
    tpu.vector_store %arg6[%swap3A_32, %swap3A_33], %add3A_31 {strides = array<i32>} : memref<10240x1xf32, #tpu.memory_space<vmem>>, vector<10240x1xf32>,
    return
  }
}

</mosaic_0001>

<sc_bundles>
// kernel: kernel.10.cloned.1.call-start
scs
__scs_entry_jumppad:
0x0: {  	(pc) =	sbr.rel $0x88, $3  }
0x1: {  	(tag) =	ssettag $0x0;
	lr =	simm.s32 $0x1  }
0x2: {  	[smem:$0x3F9A] =	sst lr;
	_ =	strace $0xD0000000  }
0x3: {  	_ = 	snop  }
0x4: {  	_ = 	snop  }
0x5: {  	_ = 	snop  }
0x6: {  	_ = 	snop  }
0x7: {  	_ = 	snop  }
__scs_overlays_trampoline_lowered:
0x8: {  	[smem:$0x3FA9] =	sst s0  }
0x9: {  	[smem:$0x3FAA] =	sst s1  }
0xa: {  	[smem:$0x3FAB] =	sst s2  }
0xb: {  	[smem:$0x3FAC] =	sst s3  }
0xc: {  	[smem:$0x3FAD] =	sst s4  }
0xd: {  	[smem:$0x3FAE] =	sst s5  }
0xe: {  	[smem:$0x3FAF] =	sst s6  }
0xf: {  	[smem:$0x3FB0] =	sst s7  }
0x10: {  	[smem:$0x3FB1] =	sst s8  }
0x11: {  	[smem:$0x3FB2] =	sst s9;
	s0 =	simm.s32 @!p0 $0x0  }
0x12: {  	s1 =	sld [smem:$0x3F98];
	s0 =	simm.s32 @p0 $0x1  }
0x13: {  	[smem:$0x3FB3] =	sst s0;
	s0 =	simm.s32 @!p1 $0x0  }
0x14: {  	s2 =	sld [smem:$0x3F97];
	s0 =	simm.s32 @p1 $0x1  }
0x15: {  	[smem:$0x3FB4] =	sst s0;
	s0 =	simm.s32 @!p2 $0x0  }
0x16: {  	s3 =	sld [smem:$0x3FDB];
	s0 =	simm.s32 @p2 $0x1  }
0x17: {  	s4 =	simm.s32 $0x1BF5;
	[smem:$0x3FB6] =	sst s0  }
0x18: {  	s0 =	sld [smem:$0x3F99];
	_ =	swait.ge [sflag:s4], $0x0  }
0x19: {  	s7 =	sld [smem:$0x3F9A]  }
0x1a: {  	s8 =	sadd.s32 $0xFFFFE003, lr  }
0x1b: {  	s9 =	sadd.s32 $0xFFFFFEF7, lr;
	s5 =	simm.s32 $0xFFFFFFFF;
	p2 =	slt.u32 s8, $0xFFFFF086  }
0x1c: {  	p1 =	slt.u32 s9, $0xF7A;
	s5 =	simm.s32 @!p2 $0x0  }
0x1d: {  	s5 =	simm.s32 @p1 $0x1;
	p0 =	seq.s32 s7, s2  }
0x1e: {  	s7 =	smul.u32 @!p0 $0xF7A, s2;
	p2 =	seq.s32 @!p0 s5, $0x0  }
0x1f: {  	s9 =	smul.u32 $0xF7A, s1;
	s8 =	simm.s32 @!p0 $0x1BF5;
	p2 =	por !p2, p0  }
0x20: {  	[sflag:s8] =	ssyncset.s32 @!p0 $0xFFFFF086;
	s6 =	sadd.s32 @!p0 s3, s7;
	s7 =	simm.s32 @!p0 $0x108  }
0x21: {  	s3 =	sadd.s32 s3, s9;
	s6 =	sadd.s32 @!p0 $0x88, s6;
	s7 =	simm.s32 @p2 $0x1082  }
0x22: {  	[simem:s7], [sflag:s8] =	dma.local @!p0 [hbm:s6], $0xF7A  }
0x23: {  	s9 =	sor.u32 $0xD0000000, s2;
	s6 =	simm.s32 $0x108;
	_ =	swait.ge @!p0 [sflag:s8], $0x0  }
0x24: {  	s3 =	sadd.s32 $0x88, s3;
	s6 =	simm.s32 @!p1 $0x1082;
	[sflag:s4] =	ssyncset.s32 $0xFFFFF086  }
0x25: {  	[simem:s6], [sflag:s4] =	dma.local [hbm:s3], $0xF7A  }
0x26: {  	[smem:$0x3F9A] =	sst s1;
	(tag) =	ssettag s2;
	_ =	strace s9  }
0x27: {  	s1 =	sld [smem:$0x3FAA]  }
0x28: {  	s2 =	sld [smem:$0x3FAB]  }
0x29: {  	s4 =	sld [smem:$0x3FAD]  }
0x2a: {  	p0 =	seq.s32 s5, $0x0;
	s5 =	sld [smem:$0x3FAE]  }
0x2b: {  	s6 =	sld [smem:$0x3FAF]  }
0x2c: {  	s7 =	sld [smem:$0x3FB0]  }
0x2d: {  	s3 =	simm.s32 $0x108;
	s8 =	sld [smem:$0x3FB1]  }
0x2e: {  	s3 =	simm.s32 @!p0 $0x1082;
	s9 =	sld [smem:$0x3FB2]  }
0x2f: {  	lr =	sadd.s32 s0, s3;
	s0 =	sld [smem:$0x3FA9]  }
0x30: {  	s3 =	sld [smem:$0x3FAC]  }
0x31: {  	[smem:$0x3FB5] =	sst s10  }
0x32: {  	s10 =	sld [smem:$0x3FB3];
	_ =	sdelay $0x3  }
0x33: {  	p0 =	seq.s32 s10, $0x1;
	s10 =	sld [smem:$0x3FB5];
	_ =	sdelay $0x3  }
0x34: {  	[smem:$0x3FB5] =	sst s10  }
0x35: {  	s10 =	sld [smem:$0x3FB4];
	_ =	sdelay $0x3  }
0x36: {  	p1 =	seq.s32 s10, $0x1;
	s10 =	sld [smem:$0x3FB5];
	_ =	sdelay $0x3  }
0x37: {  	[smem:$0x3FB5] =	sst s10  }
0x38: {  	s10 =	sld [smem:$0x3FB6]  }
0x39: {  	_ = 	snop;
	(pc) =	sbr.ind lr, $3  }
0x3a: {  	_ = 	snop  }
0x3b: {  	_ = 	snop  }
0x3c: {  	p2 =	seq.s32 s10, $0x1;
	s10 =	sld [smem:$0x3FB5]  }
0x3d: {  	_ =	shalt  }
0x3e: {  	_ =	shalt  }
0x3f: {  	_ =	shalt  }
0x40: {  	_ =	shalt  }
0x41: {  	_ =	shalt  }
0x42: {  	_ =	shalt  }
0x43: {  	_ =	shalt  }
0x44: {  	_ =	shalt  }
0x45: {  	_ =	shalt  }
0x46: {  	_ =	shalt  }
0x47: {  	_ =	shalt  }
0x48: {  	_ =	shalt  }
0x49: {  	_ =	shalt  }
0x4a: {  	_ =	shalt  }
0x4b: {  	_ =	shalt  }
0x4c: {  	_ =	shalt  }
0x4d: {  	_ =	shalt  }
0x4e: {  	_ =	shalt  }
0x4f: {  	_ =	shalt  }
0x50: {  	_ =	shalt  }
0x51: {  	_ =	shalt  }
0x52: {  	_ =	shalt  }
0x53: {  	_ =	shalt  }
0x54: {  	_ =	shalt  }
0x55: {  	_ =	shalt  }
0x56: {  	_ =	shalt  }
0x57: {  	_ =	shalt  }
0x58: {  	_ =	shalt  }
0x59: {  	_ =	shalt  }
0x5a: {  	_ =	shalt  }
0x5b: {  	_ =	shalt  }
0x5c: {  	_ =	shalt  }
0x5d: {  	_ =	shalt  }
0x5e: {  	_ =	shalt  }
0x5f: {  	_ =	shalt  }
0x60: {  	_ =	shalt  }
0x61: {  	_ =	shalt  }
0x62: {  	_ =	shalt  }
0x63: {  	_ =	shalt  }
0x64: {  	_ =	shalt  }
0x65: {  	_ =	shalt  }
0x66: {  	_ =	shalt  }
0x67: {  	_ =	shalt  }
0x68: {  	_ =	shalt  }
0x69: {  	_ =	shalt  }
0x6a: {  	_ =	shalt  }
0x6b: {  	_ =	shalt  }
0x6c: {  	_ =	shalt  }
0x6d: {  	_ =	shalt  }
0x6e: {  	_ =	shalt  }
0x6f: {  	_ =	shalt  }
0x70: {  	_ =	shalt  }
0x71: {  	_ =	shalt  }
0x72: {  	_ =	shalt  }
0x73: {  	_ =	shalt  }
0x74: {  	_ =	shalt  }
0x75: {  	_ =	shalt  }
0x76: {  	_ =	shalt  }
0x77: {  	_ =	shalt  }
0x78: {  	_ =	shalt  }
0x79: {  	_ =	shalt  }
0x7a: {  	_ =	shalt  }
0x7b: {  	_ =	shalt  }
0x7c: {  	_ =	shalt  }
0x7d: {  	_ =	shalt  }
0x7e: {  	_ =	shalt  }
0x7f: {  	_ =	shalt  }
0x80: {  	_ =	shalt  }
0x81: {  	_ =	shalt  }
0x82: {  	_ =	shalt  }
0x83: {  	_ =	shalt  }
0x84: {  	_ =	shalt  }
0x85: {  	_ =	shalt  }
0x86: {  	_ =	shalt  }
0x87: {  	_ =	shalt  }
.Lfunc_end0:
.L_simem_size_0:
called_computation.1_lowered:
.L_overlay_start_0:
0x88: {  	s2 =	sld [smem:$0x3FD9]  }
0x89: {  	s3 =	sld [smem:$0x3FFE];
	_ =	sdelay $0x1  }
0x8a: {  	s1 =	srdreg.scid  }
0x8b: {  	s0 =	sand.u32 $0x1, s1  }
0x8c: {  	s16 =	sshll.u32 s0, $0xA;
	s2 =	sadd.s32 s3, s2  }
0x8d: {  	s2 =	sadd.s32 s2, s16  }
0x8e: {  	[smem:$0x3FC1] =	sst s2  }
0x8f: {  	_ = 	snop  }
0x90: {  	(tm) =	ssettm $0x1  }
0x91: {  	s17 =	sld [smem:$0x3FFB];
	_ =	sdelay $0x3  }
0x92: {  	_ =	strace s17  }
0x93: {  	s2 =	sld [smem:$0x3FFC];
	_ =	sdelay $0x3  }
0x94: {  	_ =	strace s2  }
0x95: {  	s2 =	sld [smem:$0x3FFD];
	_ =	sdelay $0x3  }
0x96: {  	_ =	strace s2  }
0x97: {  	_ =	strace $0x8FFFFFFF  }
0x98: {  	s18 =	sld [smem:$0x3FDB];
	_ =	sdelay $0x1  }
0x99: {  	s19 =	simm.s32 $_scs_section_size  }
0x9a: {  	s4 =	simm.s32 $_size__tile_overlayer_lowered;
	s5 =	simm.s32 $_tile_overlayer_lowered  }
0x9b: {  	s22 =	simm.s32 $0x1BFF;
	s21 =	sshll.u32 s5, $0x1;
	s2 =	sadd.s32 s19, s18  }
0x9c: {  	s6 =	simm.s32 $0x0;
	s20 =	sshll.u32 s4, $0x1;
	s4 =	sadd.s32 s21, s2  }
0x9d: {  	[timem:s6], [sflag:s22] =	dma.local [hbm:s4], s20  }
0x9e: {  	_ =	swait.ge [sflag:s22], s20  }
0x9f: {  	s3 =	ssub.s32 $0x0, s20;
	[sflag:s22] =	ssyncset.done $0x0  }
0xa0: {  	[sflag:s22] =	ssyncadd.s32 s3;
	_ =	sdelay $0x1  }
0xa1: {  	s23 =	simm.s32 $0x1B8B  }
0xa2: {  	_ =	swait.ge [sflag:s23], $0x1  }
0xa3: {  	[sflag:s23] =	ssyncset.done $0x0  }
0xa4: {  	s25 =	simm.s32 $0x1B8E;
	s24 =	sld [smem:$0x3FFE];
	[sflag:s23] =	ssyncadd.s32 $0xFFFFFFFF  }
0xa5: {  	s26 =	simm.s32 $execute0_lowered;
	[smem:$0x3FD2] =	sst s25  }
0xa6: {  	s4 =	sshll.u32 s26, $0x1;
	_ =	strace $0x80000049;
	[dreg:$0x1] =	wrdreg $0xFFFFFFFF  }
0xa7: {  	s28 =	simm.s32 $_size_execute0_lowered;
	s2 =	sadd.s32 s2, s4;
	[dreg:$0x0] =	wrdreg $0x0  }
0xa8: {  	s4 =	sshll.u32 s28, $0x1;
	[dreg:$0x2] =	wrdreg s2  }
0xa9: {  	[dreg:$0x3] =	wrdreg s4  }
0xaa: {  	[dreg:$0x4] =	wrdreg $0xC0  }
0xab: {  	_ =	task [dreg:s6], $0x5FFFF  }
0xac: {  	[dreg:$0x1] =	wrdreg $0xFFFFFFFF  }
0xad: {  	[dreg:$0x0] =	wrdreg $0x60  }
0xae: {  	[dreg:$0x2] =	wrdreg s24  }
0xaf: {  	[dreg:$0x3] =	wrdreg $0x14F000  }
0xb0: {  	[dreg:$0x4] =	wrdreg $0xAF000  }
0xb1: {  	[dreg:$0x5] =	wrdreg $0x9  }
0xb2: {  	_ =	task.clear_ibuf [dreg:s6], $0x6FFFF;
	_ =	strace $0x90000049  }
0xb3: {  	s29 =	simm.s32 $0x9;
	_ =	strace $0x8000004B  }
0xb4: {  	_ =	swait.ge [sflag:s29], $0x1  }
0xb5: {  	[sflag:s29] =	ssyncadd.s32 $0xFFFFFFFF  }
0xb6: {  	_ =	strace $0x9000004B  }
0xb7: {  	_ =	sfence  }
0xb8: {  	s30 =	sld [smem:$0x0];
	_ =	sdelay $0x2  }
0xb9: {  	s31 =	sshll.u32 s1, $0xD;
	s1 =	sshrl.u32 s1, $0x2  }
0xba: {  	s3 =	sand.u32 $0x4000, s31;
	s1 =	sadd.s32 s1, s30  }
0xbb: {  	s0 =	sor.u32 s3, s0;
	s1 =	sshll.u32 s1, $0x11  }
0xbc: {  	s0 =	sor.u32 s1, s0  }
0xbd: {  	s0 =	sadd.s32 $0x8F2B, s0  }
0xbe: {  	[sflag:s0] =	ssyncadd.remote.s32 $0x1  }
0xbf: {  	_ =	sfence.sel $0xFFFF  }
0xc0: {  	[dreg:$0x0] =	wrdreg $0xFFFFFFFF;
	(pc) =	sbr.abs _section_cstart, $3  }
0xc1: {  	[dreg:$0x1] =	wrdreg $0xFFFFFFFF  }
0xc2: {  	_ =	task.clear_ibuf [dreg:s6], $0x2FFFF;
	_ =	strace $0x9FFFFFFF  }
0xc3: {  	(tm) =	ssettm $0x7FFFFFFF  }
tec
execute0_lowered:
.L_overlay_start_1:
0x0: {  	(tag) =	ssettag $0x1  }
0x1: {  	s1 =	rddreg [dreg:$0x0]  }
0x2: {  	s0 =	srdreg.scid;
	s2 =	rddreg [dreg:$0x1]  }
0x3: {  	s6 =	stileid.u32;
	s3 =	rddreg [dreg:$0x2]  }
0x4: {  	s28 =	simm.s32 $0x3;
	s29 =	simm.s32 $0x80;
	s30 =	simm.s32 $0x4F00  }
0x5: {  	s31 =	simm.s32 $0x6F00;
	s0 =	sand.u32 $0x1, s0;
	s5 =	smul.u32 $0xA000, s6  }
0x6: {  	s15 =	sadd.s32 $0xB240, s1;
	s4 =	sshll.u32 s0, $0x4;
	s7 =	smul.u32 $0x14000, s0  }
0x7: {  	s0 =	ssub.s32 $0x2, s0;
	s6 =	sor.u32 s6, s4;
	s4 =	simm.s32 $0x0  }
0x8: {  	s9 =	sshrl.u32 s5, $0x3;
	s24 =	sshrl.u32 s0, $0x1;
	s25 =	sadd.s32 $0x2000, s5  }
0x9: {  	s19 =	sadd.s32 $0x4000, s5;
	s20 =	sadd.s32 $0x6000, s5;
	s21 =	sadd.s32 $0x8000, s5  }
0xa: {  	s8 =	smul.u32 $0x4F0, s6;
	[smem:$0x7FF] =	sst s4;
	s13 =	sadd.s32 s9, s1  }
0xb: {  	s16 =	sadd.s32 s7, s1;
	s0 =	ssub.s32 s0, s24;
	p0 =	seq.s32 s6, $0x1F  }
0xc: {  	s7 =	simm.s32 $0x33;
	s10 =	sadd.s32 s19, s2;
	s11 =	sadd.s32 s20, s2  }
0xd: {  	s12 =	sadd.s32 s21, s2;
	s22 =	sshrl.u32 s21, $0x3;
	_ =	strace $0x8000004A  }
0xe: {  	[dreg:$0x5] =	wrdreg s9;
	s7 =	simm.s32 @!p0 $0x4F;
	s9 =	sadd.s32 s25, s2  }
0xf: {  	s13 =	sadd.s32 $0x15000, s13;
	s18 =	sadd.s32 $0x29000, s16;
	s16 =	sshrl.u32 s19, $0x3  }
0x10: {  	s19 =	sshrl.u32 s20, $0x3;
	s0 =	smax.u32 s0, $0x1;
	[dreg:$0x4] =	wrdreg s8  }
0x11: {  	s14 =	sadd.s32 s8, s1;
	s8 =	sadd.s32 s5, s2;
	s5 =	sadd.s32 s5, s3  }
0x12: {  	[dreg:$0x6] =	wrdreg s13;
	s1 =	sadd.s32 $0xAF10, s1;
	s17 =	sadd.s32 $0xFFFFFFFF, s7  }
0x13: {  	s13 =	sshrl.u32 s25, $0x3;
	[dreg:$0x9] =	wrdreg s0;
	s23 =	sadd.s32 s16, s18  }
0x14: {  	s0 =	simm.s32 $0x2;
	s26 =	sadd.s32 $0x1600, s14;
	[dreg:$0x8] =	wrdreg s1  }
0x15: {  	s20 =	sshll.u32 s17, $0x7;
	s25 =	sshrl.u32 s5, $0x3;
	[dreg:$0x7] =	wrdreg s26  }
0x16: {  	s1 =	simm.s32 $0x1;
	s24 =	sadd.s32 $0x2780, s20;
	[dreg:$0xb] =	wrdreg s25  }
0x17: {  	s26 =	sadd.s32 s13, s18;
	s25 =	sadd.s32 s22, s18;
	[dreg:$0xa] =	wrdreg s24  }
0x18: {  	v0 =	vimm.f32 $0.0e+00;
	[dreg:$0xc] =	wrdreg s26;
	s24 =	sadd.s32 s19, s18;
	s26 =	simm.s32 $0x8F00  }
.LBB2_1:
0x19: {  	s6 =	simm.s32 $0x100;
	s5 =	simm.s32 $0x0  }
.LBB2_2:
0x1a: {  	p1 =	sne.s32 s6, $0x7F00;
	[tilespmem:s5+$0x8F30] =	vst v0;
	s13 =	smov.u32 s6;
	s6 =	sadd.s32 $0x100, s6  }
.Ltmp0:
0x1b: {  	[tilespmem:s5+$0x8F20] =	vst v0;
	(pc) =	sbr.rel @p1 .LBB2_2-.Ltmp0, $3  }
0x1c: {  	[tilespmem:s5+$0x8F00] =	vst v0  }
0x1d: {  	[tilespmem:s5+$0x8F10] =	vst v0;
	_ =	sdelay $0x1  }
0x1e: {  	s5 =	sshra.s32 s13, $0x2  }
0x1f: {  	[tilespmem:s5+$0x8F30] =	vst v0  }
0x20: {  	[tilespmem:s5+$0x8F20] =	vst v0  }
0x21: {  	[tilespmem:s5+$0x8F00] =	vst v0  }
0x22: {  	[tilespmem:s5+$0x8F10] =	vst v0  }
0x23: {  	[spmem:s8] =	stream.linear.scatter [tilespmem:s26], [sflag:$0x3], $0x2000, $0x38;
	[tilespmem:$0x1EF00] =	vst v63  }
0x24: {  	_ =	swait.ge [sflag:s28], $0x2000  }
0x25: {  	[sflag:s28] =	ssyncset.done $0x0  }
0x26: {  	[sflag:s28] =	ssyncadd.s32 $0xFFFFE000  }
0x27: {  	[spmem:s9] =	stream.linear.scatter [tilespmem:s26], [sflag:$0x3], $0x2000, $0x38;
	[tilespmem:$0x1EF00] =	vst v63  }
0x28: {  	_ =	swait.ge [sflag:s28], $0x2000  }
0x29: {  	[sflag:s28] =	ssyncset.done $0x0  }
0x2a: {  	[sflag:s28] =	ssyncadd.s32 $0xFFFFE000  }
0x2b: {  	[spmem:s10] =	stream.linear.scatter [tilespmem:s26], [sflag:$0x3], $0x2000, $0x38;
	[tilespmem:$0x1EF00] =	vst v63  }
0x2c: {  	_ =	swait.ge [sflag:s28], $0x2000  }
0x2d: {  	[sflag:s28] =	ssyncset.done $0x0  }
0x2e: {  	[sflag:s28] =	ssyncadd.s32 $0xFFFFE000  }
0x2f: {  	[spmem:s11] =	stream.linear.scatter [tilespmem:s26], [sflag:$0x3], $0x2000, $0x38;
	[tilespmem:$0x1EF00] =	vst v63  }
0x30: {  	_ =	swait.ge [sflag:s28], $0x2000  }
0x31: {  	[sflag:s28] =	ssyncset.done $0x0  }
0x32: {  	[sflag:s28] =	ssyncadd.s32 $0xFFFFE000  }
0x33: {  	[spmem:s12] =	stream.linear.scatter [tilespmem:s26], [sflag:$0x3], $0x2000, $0x38;
	[tilespmem:$0x1EF00] =	vst v63  }
0x34: {  	s19 =	stileid.u32;
	_ =	swait.ge [sflag:s28], $0x2000  }
0x35: {  	s5 =	sshll.u32 s19, $0x6;
	[sflag:s28] =	ssyncset.done $0x0;
	s6 =	rddreg [dreg:$0x6]  }
0x36: {  	s5 =	sor.u32 $0x1C03, s5;
	s13 =	rddreg [dreg:$0xb];
	[sflag:s28] =	ssyncadd.s32 $0xFFFFE000  }
0x37: {  	[spmem:s13], [sflag:s5] =	dma.local [hbm:s6], $0x1400  }
0x38: {  	_ =	swait.ge [sflag:s28], $0x1400  }
0x39: {  	[sflag:s28] =	ssyncset.done $0x0  }
0x3a: {  	[sflag:s28] =	ssyncadd.s32 $0xFFFFEC00  }
0x3b: {  	[bflag:$0x0] =	sbarrier.arrive $0xFFFF  }
0x3c: {  	s6 =	simm.s32 @p0 $0x0;
	s13 =	rddreg [dreg:$0x8]  }
0x3d: {  	[tilespmem:s6], [sflag:$0x3] =	stream.linear.gather @p0 [hbm4b:s13+s6], $0x1980, $0x38;
	[tilespmem:$0x1EF00] =	vst v63  }
0x3e: {  	s13 =	simm.s32 @p0 $0x3  }
0x3f: {  	_ =	swait.ge @p0 [sflag:s13], $0x1980  }
0x40: {  	[sflag:s13] =	ssyncset.done @p0 $0x0  }
0x41: {  	s14 =	sadd.s32 @p0 $0x9910, s15;
	s16 =	simm.s32 @p0 $0x2780;
	[sflag:s13] =	ssyncadd.s32 @p0 $0xFFFFE680  }
0x42: {  	[tilespmem:s16], [sflag:$0x3] =	stream.linear.gather @p0 [hbm4b:s14+s6], $0x1980, $0x38;
	[tilespmem:$0x1EF00] =	vst v63  }
0x43: {  	_ =	swait.ge @p0 [sflag:s13], $0x1980  }
0x44: {  	[sflag:s13] =	ssyncset.done @p0 $0x0  }
0x45: {  	s6 =	simm.s32 @!p0 $0x0;
	[sflag:s13] =	ssyncadd.s32 @p0 $0xFFFFE680;
	s13 =	rddreg [dreg:$0x7]  }
0x46: {  	[tilespmem:s6], [sflag:$0x3] =	stream.linear.gather @!p0 [hbm4b:s13+s6], $0x2780, $0x38;
	[tilespmem:$0x1EF00] =	vst v63  }
0x47: {  	s13 =	simm.s32 @!p0 $0x3  }
0x48: {  	_ =	swait.ge @!p0 [sflag:s13], $0x2780  }
0x49: {  	[sflag:s13] =	ssyncset.done @!p0 $0x0;
	s14 =	rddreg [dreg:$0x4]  }
0x4a: {  	s16 =	simm.s32 @!p0 $0x2780;
	[sflag:s13] =	ssyncadd.s32 @!p0 $0xFFFFD880;
	s14 =	sadd.s32 @!p0 s14, s15  }
0x4b: {  	[tilespmem:s16], [sflag:$0x3] =	stream.linear.gather @!p0 [hbm4b:s14+s6], $0x2780, $0x38;
	[tilespmem:$0x1EF00] =	vst v63  }
0x4c: {  	_ =	swait.ge @!p0 [sflag:s13], $0x2780  }
0x4d: {  	[sflag:s13] =	ssyncset.done @!p0 $0x0  }
0x4e: {  	s20 =	simm.s32 $0x0;
	[sflag:s13] =	ssyncadd.s32 @!p0 $0xFFFFD880  }
0x4f: {  	[tilespmem:s30], [sflag:$0x1] =	stream.indirect.gather [spmem:s3], $0x40, s20, s29, $0xb8;
	[tilespmem:$0x1EF00] =	vst v63  }
0x50: {  	_ = 	snop  }
0x51: {  	[tilespmem:s31], [sflag:$0x2] =	stream.indirect.gather [spmem:s3], $0x40, s29, s29, $0xb8;
	[tilespmem:$0x1EF00] =	vst v63  }
0x52: {  	_ =	swait.ge [sflag:s1], $0x2000  }
0x53: {  	[sflag:s1] =	ssyncset.done $0x0  }
0x54: {  	s21 =	simm.s32 $0x2780;
	[sflag:s1] =	ssyncadd.s32 $0xFFFFE000  }
0x55: {  	[spmem:s2] =	stream.indirect.scatter.add.f32 [tilespmem:s30], [sflag:$0x3], $0x40, s21, s29, $0xb8;
	[tilespmem:$0x1EF00] =	vst v63  }
0x56: {  	_ =	swait.ge [sflag:s28], $0x2000  }
0x57: {  	p1 =	sle.u32 s7, $0x2;
	s6 =	simm.s32 $0x100;
	[sflag:s28] =	ssyncset.done $0x0  }
0x58: {  	s14 =	simm.s32 @!p1 $0x4F00;
	s13 =	simm.s32 @!p1 $0x80;
	[sflag:s28] =	ssyncadd.s32 $0xFFFFE000  }
0x59: {  	[tilespmem:s14], [sflag:$0x1] =	stream.indirect.gather @!p1 [spmem:s3], $0x40, s6, s13, $0xb8;
	[tilespmem:$0x1EF00] =	vst v63  }
0x5a: {  	p1 =	sne.s32 s17, $0x2;
	_ =	swait.ge [sflag:s0], $0x2000  }
.Ltmp1:
0x5b: {  	p2 =	sle.u32 s7, $0x3;
	[sflag:s0] =	ssyncset.done $0x0;
	(pc) =	sbr.rel @!p1 .LBB2_5-.Ltmp1, $4  }
0x5c: {  	s22 =	simm.s32 $0x2800;
	s19 =	simm.s32 @!p2 $0x80;
	[sflag:s0] =	ssyncadd.s32 $0xFFFFE000  }
0x5d: {  	[spmem:s2] =	stream.indirect.scatter.add.f32 [tilespmem:s31], [sflag:$0x3], $0x40, s22, s29, $0xb8;
	[tilespmem:$0x1EF00] =	vst v63  }
0x5e: {  	s16 =	simm.s32 @!p2 $0x180;
	s6 =	simm.s32 $0x2;
	_ =	swait.ge [sflag:s28], $0x2000  }
0x5f: {  	s13 =	simm.s32 $0x200;
	s14 =	simm.s32 $0x2900;
	[sflag:s28] =	ssyncset.done $0x0  }
.LBB2_4:
0x60: {  	[sflag:s28] =	ssyncadd.s32 $0xFFFFE000;
	s20 =	simm.s32 @!p2 $0x6F00  }
0x61: {  	s21 =	smov.u32 s6;
	s6 =	sadd.s32 $0x2, s6;
	s22 =	smov.u32 s13  }
0x62: {  	[tilespmem:s20], [sflag:$0x2] =	stream.indirect.gather @!p2 [spmem:s3], $0x40, s16, s19, $0xb8;
	[tilespmem:$0x1EF00] =	vst v63  }
0x63: {  	p1 =	sne.s32 s17, s6;
	_ =	swait.ge [sflag:s1], $0x2000  }
0x64: {  	s16 =	sadd.s32 $0xFFFFFF80, s14;
	[sflag:s1] =	ssyncset.done $0x0  }
0x65: {  	[sflag:s1] =	ssyncadd.s32 $0xFFFFE000  }
0x66: {  	[spmem:s2] =	stream.indirect.scatter.add.f32 [tilespmem:s30], [sflag:$0x3], $0x40, s16, s29, $0xb8;
	[tilespmem:$0x1EF00] =	vst v63  }
0x67: {  	p2 =	sge.u32 s6, s7;
	_ =	swait.ge [sflag:s28], $0x2000  }
0x68: {  	s19 =	simm.s32 @!p2 $0x4F00;
	s16 =	simm.s32 @!p2 $0x80;
	[sflag:s28] =	ssyncset.done $0x0  }
0x69: {  	[sflag:s28] =	ssyncadd.s32 $0xFFFFE000  }
0x6a: {  	[tilespmem:s19], [sflag:$0x1] =	stream.indirect.gather @!p2 [spmem:s3], $0x40, s13, s16, $0xb8;
	[tilespmem:$0x1EF00] =	vst v63  }
0x6b: {  	_ =	swait.ge [sflag:s0], $0x2000  }
.Ltmp2:
0x6c: {  	[sflag:s0] =	ssyncset.done $0x0;
	(pc) =	sbr.rel @p1 .LBB2_4-.Ltmp2, $4  }
0x6d: {  	s16 =	sadd.s32 $0x3, s21;
	s13 =	sadd.s32 $0x100, s13;
	[sflag:s0] =	ssyncadd.s32 $0xFFFFE000  }
0x6e: {  	[spmem:s2] =	stream.indirect.scatter.add.f32 [tilespmem:s31], [sflag:$0x3], $0x40, s14, s29, $0xb8;
	[tilespmem:$0x1EF00] =	vst v63  }
0x6f: {  	p2 =	sge.u32 s16, s7;
	s14 =	sadd.s32 $0x100, s14;
	_ =	swait.ge [sflag:s28], $0x2000  }
0x70: {  	s16 =	sadd.s32 @!p2 $0x80, s22;
	s19 =	simm.s32 @!p2 $0x80;
	[sflag:s28] =	ssyncset.done $0x0  }
.LBB2_5:
0x71: {  	[sflag:s28] =	ssyncadd.s32 $0xFFFFE000;
	s6 =	simm.s32 @!p2 $0x6F00  }
0x72: {  	[tilespmem:s6], [sflag:$0x2] =	stream.indirect.gather @!p2 [spmem:s3], $0x40, s16, s19, $0xb8;
	[tilespmem:$0x1EF00] =	vst v63  }
0x73: {  	_ =	swait.ge [sflag:s1], $0x2000  }
0x74: {  	[sflag:s1] =	ssyncset.done $0x0  }
0x75: {  	s22 =	rddreg [dreg:$0xa];
	[sflag:s1] =	ssyncadd.s32 $0xFFFFE000  }
0x76: {  	[spmem:s2] =	stream.indirect.scatter.add.f32 [tilespmem:s30], [sflag:$0x3], $0x40, s22, s29, $0xb8;
	[tilespmem:$0x1EF00] =	vst v63  }
0x77: {  	_ =	swait.ge [sflag:s28], $0x2000  }
0x78: {  	[sflag:s28] =	ssyncset.done $0x0  }
0x79: {  	[sflag:s28] =	ssyncadd.s32 $0xFFFFE000  }
0x7a: {  	[bflag:$0x0] =	sbarrier.arrive $0xFFFF  }
0x7b: {  	s13 =	rddreg [dreg:$0x5]  }
0x7c: {  	s6 =	sadd.s32 s13, s18;
	s13 =	sshrl.u32 s8, $0x3  }
0x7d: {  	[hbm:s6], [sflag:s5] =	dma.local [spmem:s13], $0x400  }
0x7e: {  	_ =	swait.ge [sflag:s28], $0x400  }
0x7f: {  	[sflag:s28] =	ssyncset.done $0x0  }
0x80: {  	s14 =	sshrl.u32 s9, $0x3;
	s16 =	rddreg [dreg:$0xc];
	[sflag:s28] =	ssyncadd.s32 $0xFFFFFC00  }
0x81: {  	[hbm:s16], [sflag:s5] =	dma.local [spmem:s14], $0x400  }
0x82: {  	_ =	swait.ge [sflag:s28], $0x400  }
0x83: {  	[sflag:s28] =	ssyncset.done $0x0  }
0x84: {  	s19 =	sshrl.u32 s10, $0x3;
	[sflag:s28] =	ssyncadd.s32 $0xFFFFFC00  }
0x85: {  	[hbm:s23], [sflag:s5] =	dma.local [spmem:s19], $0x400  }
0x86: {  	_ =	swait.ge [sflag:s28], $0x400  }
0x87: {  	[sflag:s28] =	ssyncset.done $0x0  }
0x88: {  	s20 =	sshrl.u32 s11, $0x3;
	[sflag:s28] =	ssyncadd.s32 $0xFFFFFC00  }
0x89: {  	[hbm:s24], [sflag:s5] =	dma.local [spmem:s20], $0x400  }
0x8a: {  	_ =	swait.ge [sflag:s28], $0x400  }
0x8b: {  	[sflag:s28] =	ssyncset.done $0x0  }
0x8c: {  	s21 =	sshrl.u32 s12, $0x3;
	[sflag:s28] =	ssyncadd.s32 $0xFFFFFC00  }
0x8d: {  	[hbm:s25], [sflag:s5] =	dma.local [spmem:s21], $0x400  }
0x8e: {  	_ =	swait.ge [sflag:s28], $0x400  }
0x8f: {  	s4 =	sadd.s32 $0x1, s4;
	s22 =	rddreg [dreg:$0x9]  }
0x90: {  	p1 =	sne.s32 s4, s22  }
.Ltmp3:
0x91: {  	_ = 	snop;
	(pc) =	sbr.rel @p1 .LBB2_1-.Ltmp3, $3  }
0x92: {  	_ =	sdelay $0x1  }
0x93: {  	[sflag:s28] =	ssyncset.done $0x0  }
0x94: {  	[sflag:s28] =	ssyncadd.s32 $0xFFFFFC00  }
0x95: {  	_ =	sfence.sel $0x180000  }
0x96: {  	[bflag:$0x0] =	sbarrier.arrive $0xFFFF  }
0x97: {  	_ =	strace $0x9000004A  }
0x98: {  	s0 =	stileid.u32;
	[bflag:$0x2] =	sbarrier.arrive $0xFFFF  }
0x99: {  	p0 =	sne.s32 s0, $0x0;
	s0 =	rddreg [dreg:$0x3]  }
0x9a: {  	s0 =	sadd.s32 @!p0 $0x100000, s0  }
0x9b: {  	[sflag:s0] =	ssyncadd.tile.s32 @!p0 $0x1;
	_ =	shalt  }
.Lfunc_end2:
_tile_overlayer_lowered:
.L_overlay_start_2:
0x9c: {  	(tag) =	ssettag $0x2  }
0x9d: {  	s0 =	rddreg [dreg:$0x0];
	s2 =	stileid.u32  }
0x9e: {  	s1 =	rddreg [dreg:$0x1];
	p0 =	sne.s32 s2, $0x0  }
0x9f: {  	s3 =	rddreg [dreg:$0x2];
	[bflag:$0x3] =	sbarrier.arrive $0xFFFF;
	s2 =	simm.s32 @!p0 $0x1C03  }
0xa0: {  	[timem:s3], [sflag:s2] =	dma.local @!p0 [hbm:s0], s1  }
0xa1: {  	s0 =	simm.s32 @!p0 $0x3  }
0xa2: {  	_ =	swait.ge @!p0 [sflag:s0], s1  }
0xa3: {  	s1 =	ssub.s32 @!p0 $0x0, s1;
	[sflag:s0] =	ssyncset.done @!p0 $0x0  }
0xa4: {  	[sflag:s0] =	ssyncadd.s32 @!p0 s1  }
0xa5: {  	[bflag:$0x3] =	sbarrier.arrive $0xFFFF  }
0xa6: {  	_ =	shalt  }

// kernel: kernel.13.cloned.1.call-start
scs
__scs_entry_jumppad:
0x0: {  	(pc) =	sbr.rel $0x88, $3  }
0x1: {  	(tag) =	ssettag $0x0;
	lr =	simm.s32 $0x1  }
0x2: {  	[smem:$0x3F9A] =	sst lr;
	_ =	strace $0xD0000000  }
0x3: {  	_ = 	snop  }
0x4: {  	_ = 	snop  }
0x5: {  	_ = 	snop  }
0x6: {  	_ = 	snop  }
0x7: {  	_ = 	snop  }
__scs_overlays_trampoline_lowered:
0x8: {  	[smem:$0x3FA9] =	sst s0  }
0x9: {  	[smem:$0x3FAA] =	sst s1  }
0xa: {  	[smem:$0x3FAB] =	sst s2  }
0xb: {  	[smem:$0x3FAC] =	sst s3  }
0xc: {  	[smem:$0x3FAD] =	sst s4  }
0xd: {  	[smem:$0x3FAE] =	sst s5  }
0xe: {  	[smem:$0x3FAF] =	sst s6  }
0xf: {  	[smem:$0x3FB0] =	sst s7  }
0x10: {  	[smem:$0x3FB1] =	sst s8  }
0x11: {  	[smem:$0x3FB2] =	sst s9;
	s0 =	simm.s32 @!p0 $0x0  }
0x12: {  	s1 =	sld [smem:$0x3F98];
	s0 =	simm.s32 @p0 $0x1  }
0x13: {  	[smem:$0x3FB3] =	sst s0;
	s0 =	simm.s32 @!p1 $0x0  }
0x14: {  	s2 =	sld [smem:$0x3F97];
	s0 =	simm.s32 @p1 $0x1  }
0x15: {  	[smem:$0x3FB4] =	sst s0;
	s0 =	simm.s32 @!p2 $0x0  }
0x16: {  	s3 =	sld [smem:$0x3FDB];
	s0 =	simm.s32 @p2 $0x1  }
0x17: {  	s4 =	simm.s32 $0x1BF5;
	[smem:$0x3FB6] =	sst s0  }
0x18: {  	s0 =	sld [smem:$0x3F99];
	_ =	swait.ge [sflag:s4], $0x0  }
0x19: {  	s7 =	sld [smem:$0x3F9A]  }
0x1a: {  	s8 =	sadd.s32 $0xFFFFE003, lr  }
0x1b: {  	s9 =	sadd.s32 $0xFFFFFEF7, lr;
	s5 =	simm.s32 $0xFFFFFFFF;
	p2 =	slt.u32 s8, $0xFFFFF086  }
0x1c: {  	p1 =	slt.u32 s9, $0xF7A;
	s5 =	simm.s32 @!p2 $0x0  }
0x1d: {  	s5 =	simm.s32 @p1 $0x1;
	p0 =	seq.s32 s7, s2  }
0x1e: {  	s7 =	smul.u32 @!p0 $0xF7A, s2;
	p2 =	seq.s32 @!p0 s5, $0x0  }
0x1f: {  	s9 =	smul.u32 $0xF7A, s1;
	s8 =	simm.s32 @!p0 $0x1BF5;
	p2 =	por !p2, p0  }
0x20: {  	[sflag:s8] =	ssyncset.s32 @!p0 $0xFFFFF086;
	s6 =	sadd.s32 @!p0 s3, s7;
	s7 =	simm.s32 @!p0 $0x108  }
0x21: {  	s3 =	sadd.s32 s3, s9;
	s6 =	sadd.s32 @!p0 $0x88, s6;
	s7 =	simm.s32 @p2 $0x1082  }
0x22: {  	[simem:s7], [sflag:s8] =	dma.local @!p0 [hbm:s6], $0xF7A  }
0x23: {  	s9 =	sor.u32 $0xD0000000, s2;
	s6 =	simm.s32 $0x108;
	_ =	swait.ge @!p0 [sflag:s8], $0x0  }
0x24: {  	s3 =	sadd.s32 $0x88, s3;
	s6 =	simm.s32 @!p1 $0x1082;
	[sflag:s4] =	ssyncset.s32 $0xFFFFF086  }
0x25: {  	[simem:s6], [sflag:s4] =	dma.local [hbm:s3], $0xF7A  }
0x26: {  	[smem:$0x3F9A] =	sst s1;
	(tag) =	ssettag s2;
	_ =	strace s9  }
0x27: {  	s1 =	sld [smem:$0x3FAA]  }
0x28: {  	s2 =	sld [smem:$0x3FAB]  }
0x29: {  	s4 =	sld [smem:$0x3FAD]  }
0x2a: {  	p0 =	seq.s32 s5, $0x0;
	s5 =	sld [smem:$0x3FAE]  }
0x2b: {  	s6 =	sld [smem:$0x3FAF]  }
0x2c: {  	s7 =	sld [smem:$0x3FB0]  }
0x2d: {  	s3 =	simm.s32 $0x108;
	s8 =	sld [smem:$0x3FB1]  }
0x2e: {  	s3 =	simm.s32 @!p0 $0x1082;
	s9 =	sld [smem:$0x3FB2]  }
0x2f: {  	lr =	sadd.s32 s0, s3;
	s0 =	sld [smem:$0x3FA9]  }
0x30: {  	s3 =	sld [smem:$0x3FAC]  }
0x31: {  	[smem:$0x3FB5] =	sst s10  }
0x32: {  	s10 =	sld [smem:$0x3FB3];
	_ =	sdelay $0x3  }
0x33: {  	p0 =	seq.s32 s10, $0x1;
	s10 =	sld [smem:$0x3FB5];
	_ =	sdelay $0x3  }
0x34: {  	[smem:$0x3FB5] =	sst s10  }
0x35: {  	s10 =	sld [smem:$0x3FB4];
	_ =	sdelay $0x3  }
0x36: {  	p1 =	seq.s32 s10, $0x1;
	s10 =	sld [smem:$0x3FB5];
	_ =	sdelay $0x3  }
0x37: {  	[smem:$0x3FB5] =	sst s10  }
0x38: {  	s10 =	sld [smem:$0x3FB6]  }
0x39: {  	_ = 	snop;
	(pc) =	sbr.ind lr, $3  }
0x3a: {  	_ = 	snop  }
0x3b: {  	_ = 	snop  }
0x3c: {  	p2 =	seq.s32 s10, $0x1;
	s10 =	sld [smem:$0x3FB5]  }
0x3d: {  	_ =	shalt  }
0x3e: {  	_ =	shalt  }
0x3f: {  	_ =	shalt  }
0x40: {  	_ =	shalt  }
0x41: {  	_ =	shalt  }
0x42: {  	_ =	shalt  }
0x43: {  	_ =	shalt  }
0x44: {  	_ =	shalt  }
0x45: {  	_ =	shalt  }
0x46: {  	_ =	shalt  }
0x47: {  	_ =	shalt  }
0x48: {  	_ =	shalt  }
0x49: {  	_ =	shalt  }
0x4a: {  	_ =	shalt  }
0x4b: {  	_ =	shalt  }
0x4c: {  	_ =	shalt  }
0x4d: {  	_ =	shalt  }
0x4e: {  	_ =	shalt  }
0x4f: {  	_ =	shalt  }
0x50: {  	_ =	shalt  }
0x51: {  	_ =	shalt  }
0x52: {  	_ =	shalt  }
0x53: {  	_ =	shalt  }
0x54: {  	_ =	shalt  }
0x55: {  	_ =	shalt  }
0x56: {  	_ =	shalt  }
0x57: {  	_ =	shalt  }
0x58: {  	_ =	shalt  }
0x59: {  	_ =	shalt  }
0x5a: {  	_ =	shalt  }
0x5b: {  	_ =	shalt  }
0x5c: {  	_ =	shalt  }
0x5d: {  	_ =	shalt  }
0x5e: {  	_ =	shalt  }
0x5f: {  	_ =	shalt  }
0x60: {  	_ =	shalt  }
0x61: {  	_ =	shalt  }
0x62: {  	_ =	shalt  }
0x63: {  	_ =	shalt  }
0x64: {  	_ =	shalt  }
0x65: {  	_ =	shalt  }
0x66: {  	_ =	shalt  }
0x67: {  	_ =	shalt  }
0x68: {  	_ =	shalt  }
0x69: {  	_ =	shalt  }
0x6a: {  	_ =	shalt  }
0x6b: {  	_ =	shalt  }
0x6c: {  	_ =	shalt  }
0x6d: {  	_ =	shalt  }
0x6e: {  	_ =	shalt  }
0x6f: {  	_ =	shalt  }
0x70: {  	_ =	shalt  }
0x71: {  	_ =	shalt  }
0x72: {  	_ =	shalt  }
0x73: {  	_ =	shalt  }
0x74: {  	_ =	shalt  }
0x75: {  	_ =	shalt  }
0x76: {  	_ =	shalt  }
0x77: {  	_ =	shalt  }
0x78: {  	_ =	shalt  }
0x79: {  	_ =	shalt  }
0x7a: {  	_ =	shalt  }
0x7b: {  	_ =	shalt  }
0x7c: {  	_ =	shalt  }
0x7d: {  	_ =	shalt  }
0x7e: {  	_ =	shalt  }
0x7f: {  	_ =	shalt  }
0x80: {  	_ =	shalt  }
0x81: {  	_ =	shalt  }
0x82: {  	_ =	shalt  }
0x83: {  	_ =	shalt  }
0x84: {  	_ =	shalt  }
0x85: {  	_ =	shalt  }
0x86: {  	_ =	shalt  }
0x87: {  	_ =	shalt  }
.Lfunc_end0:
.L_simem_size_0:
called_computation.2_lowered:
.L_overlay_start_0:
0x88: {  	s2 =	sld [smem:$0x3FD9]  }
0x89: {  	s3 =	sld [smem:$0x3FFE];
	_ =	sdelay $0x1  }
0x8a: {  	s1 =	srdreg.scid  }
0x8b: {  	s0 =	sand.u32 $0x1, s1  }
0x8c: {  	s17 =	sshll.u32 s0, $0xA;
	s2 =	sadd.s32 s3, s2  }
0x8d: {  	s2 =	sadd.s32 s2, s17  }
0x8e: {  	[smem:$0x3FC1] =	sst s2  }
0x8f: {  	_ = 	snop  }
0x90: {  	s2 =	sld [smem:$0x3FD0];
	(tm) =	ssettm $0x1  }
0x91: {  	s18 =	sld [smem:$0x3FFB];
	_ =	sdelay $0x3  }
0x92: {  	_ =	strace s18  }
0x93: {  	s3 =	sld [smem:$0x3FFC];
	_ =	sdelay $0x3  }
0x94: {  	_ =	strace s3  }
0x95: {  	s3 =	sld [smem:$0x3FFD];
	_ =	sdelay $0x3  }
0x96: {  	_ =	strace s3  }
0x97: {  	_ =	strace $0x8FFFFFFF  }
0x98: {  	s19 =	sld [smem:$0x3FDB];
	_ =	sdelay $0x1  }
0x99: {  	s4 =	simm.s32 $_scs_section_size  }
0x9a: {  	s5 =	simm.s32 $_size__tile_overlayer_lowered;
	s6 =	simm.s32 $_tile_overlayer_lowered  }
0x9b: {  	s22 =	simm.s32 $0x1BFF;
	s21 =	sshll.u32 s6, $0x1;
	s3 =	sadd.s32 s4, s19  }
0x9c: {  	s7 =	simm.s32 $0x0;
	s20 =	sshll.u32 s5, $0x1;
	s5 =	sadd.s32 s21, s3  }
0x9d: {  	[timem:s7], [sflag:s22] =	dma.local [hbm:s5], s20  }
0x9e: {  	_ =	swait.ge [sflag:s22], s20  }
0x9f: {  	s4 =	ssub.s32 $0x0, s20;
	[sflag:s22] =	ssyncset.done $0x0  }
0xa0: {  	[sflag:s22] =	ssyncadd.s32 s4;
	_ =	sdelay $0x1  }
0xa1: {  	s23 =	simm.s32 $0x1B8B  }
0xa2: {  	_ =	swait.ge [sflag:s23], $0x1  }
0xa3: {  	[sflag:s23] =	ssyncset.done $0x0  }
0xa4: {  	s25 =	simm.s32 $0x1B8E;
	s24 =	sld [smem:$0x3FFE];
	[sflag:s23] =	ssyncadd.s32 $0xFFFFFFFF  }
0xa5: {  	s26 =	simm.s32 $execute0_lowered;
	[smem:$0x3FD2] =	sst s25  }
0xa6: {  	s5 =	sshll.u32 s26, $0x1;
	_ =	strace $0x8000004C;
	[dreg:$0x1] =	wrdreg $0xFFFFFFFF  }
0xa7: {  	s28 =	simm.s32 $_size_execute0_lowered;
	s3 =	sadd.s32 s3, s5;
	[dreg:$0x0] =	wrdreg $0x0  }
0xa8: {  	s5 =	sshll.u32 s28, $0x1;
	[dreg:$0x2] =	wrdreg s3  }
0xa9: {  	[dreg:$0x3] =	wrdreg s5  }
0xaa: {  	[dreg:$0x4] =	wrdreg $0xC0  }
0xab: {  	_ =	task [dreg:s7], $0x5FFFF  }
0xac: {  	[dreg:$0x1] =	wrdreg $0xFFFFFFFF  }
0xad: {  	[dreg:$0x0] =	wrdreg $0x60  }
0xae: {  	[dreg:$0x2] =	wrdreg s24  }
0xaf: {  	[dreg:$0x3] =	wrdreg s2  }
0xb0: {  	[dreg:$0x4] =	wrdreg $0xF1000  }
0xb1: {  	[dreg:$0x5] =	wrdreg $0x9  }
0xb2: {  	_ =	task.clear_ibuf [dreg:s7], $0x6FFFF;
	_ =	strace $0x9000004C  }
0xb3: {  	s29 =	simm.s32 $0x9;
	_ =	strace $0x8000004E  }
0xb4: {  	_ =	swait.ge [sflag:s29], $0x1  }
0xb5: {  	[sflag:s29] =	ssyncadd.s32 $0xFFFFFFFF  }
0xb6: {  	_ =	strace $0x9000004E  }
0xb7: {  	_ =	sfence  }
0xb8: {  	s30 =	sld [smem:$0x0];
	_ =	sdelay $0x2  }
0xb9: {  	s31 =	sshll.u32 s1, $0xD;
	s1 =	sshrl.u32 s1, $0x2  }
0xba: {  	s3 =	sand.u32 $0x4000, s31;
	s1 =	sadd.s32 s1, s30  }
0xbb: {  	s0 =	sor.u32 s3, s0;
	s1 =	sshll.u32 s1, $0x11  }
0xbc: {  	s0 =	sor.u32 s1, s0  }
0xbd: {  	s0 =	sadd.s32 $0x8F2B, s0  }
0xbe: {  	[sflag:s0] =	ssyncadd.remote.s32 $0x1  }
0xbf: {  	_ =	sfence.sel $0xFFFF  }
0xc0: {  	[dreg:$0x0] =	wrdreg $0xFFFFFFFF;
	(pc) =	sbr.abs _section_cstart, $3  }
0xc1: {  	[dreg:$0x1] =	wrdreg $0xFFFFFFFF  }
0xc2: {  	_ =	task.clear_ibuf [dreg:s7], $0x2FFFF;
	_ =	strace $0x9FFFFFFF  }
0xc3: {  	(tm) =	ssettm $0x7FFFFFFF  }
tec
execute0_lowered:
.L_overlay_start_1:
0x0: {  	(tag) =	ssettag $0x1  }
0x1: {  	s14 =	rddreg [dreg:$0x0]  }
0x2: {  	s0 =	srdreg.scid;
	s1 =	rddreg [dreg:$0x1]  }
0x3: {  	s2 =	rddreg [dreg:$0x2];
	s24 =	stileid.u32  }
0x4: {  	s3 =	simm.s32 $0x0;
	s17 =	simm.s32 $0x7780;
	s18 =	simm.s32 $0x1  }
0x5: {  	s22 =	simm.s32 $0x7700;
	s25 =	simm.s32 $0xF000;
	s26 =	simm.s32 $0xF080  }
0x6: {  	s28 =	simm.s32 $0x0;
	s23 =	sand.u32 $0x1, s0;
	s0 =	rddreg [dreg:$0x3]  }
0x7: {  	[smem:$0x7FF] =	sst s3;
	s4 =	sadd.s32 $0x15600, s14;
	s9 =	smul.u32 $0xA00, s24  }
0x8: {  	s5 =	sadd.s32 $0x51000, s14;
	s6 =	sadd.s32 $0x15000, s14;
	s21 =	sadd.s32 $0xB240, s14  }
0x9: {  	p1 =	sne.s32 s24, $0x0;
	s7 =	sshll.u32 s23, $0x4;
	_ =	strace $0x8000004D  }
0xa: {  	s10 =	ssub.s32 $0x2, s23;
	p2 =	sne.s32 s23, $0x0;
	s23 =	simm.s32 $0x7800  }
0xb: {  	s8 =	sor.u32 s24, s7;
	s15 =	sadd.s32 s7, s14;
	s11 =	sshrl.u32 s10, $0x1  }
0xc: {  	s9 =	sshrl.u32 s9, $0x2;
	s7 =	simm.s32 $0x33;
	s24 =	simm.s32 $0xA000  }
0xd: {  	s20 =	smul.u32 $0x4F0, s8;
	p0 =	seq.s32 s8, $0x1F;
	s8 =	sadd.s32 s9, s2  }
.Ltmp0:
0xe: {  	s16 =	ssub.s32 s10, s11;
	s15 =	sadd.s32 $0x15C00, s15;
	(pc) =	sbr.rel .LBB2_1-.Ltmp0, $4  }
0xf: {  	s7 =	simm.s32 @!p0 $0x4F;
	s9 =	sadd.s32 $0x80, s8;
	s10 =	sadd.s32 $0x100, s8  }
0x10: {  	s11 =	sadd.s32 $0x180, s8;
	s12 =	sadd.s32 $0x200, s8;
	s16 =	smax.u32 s16, $0x1  }
0x11: {  	s19 =	sadd.s32 @p0 $0x9910, s21;
	s13 =	sadd.s32 s20, s14;
	s14 =	sadd.s32 $0xAF10, s14  }
0x12: {  	v0 =	vimm.f32 $0.0e+00;
	s20 =	sadd.s32 @!p0 s20, s21;
	s21 =	simm.s32 $0x80;
	s13 =	sadd.s32 $0x1600, s13  }
.LBB2_5:
0x13: {  	s28 =	sadd.s32 $0x1, s28  }
0x14: {  	p3 =	sne.s32 s28, s16  }
.Ltmp1:
0x15: {  	_ = 	snop;
	(pc) =	sbr.rel @!p3 .LBB2_6-.Ltmp1, $1  }
0x16: {  	_ =	sdelay $0x3  }
.LBB2_1:
0x17: {  	[tilespmem:$0x7780] =	vst v0  }
0x18: {  	[tilespmem:$0x7790] =	vst v0  }
0x19: {  	[tilespmem:$0x77A0] =	vst v0  }
0x1a: {  	[tilespmem:$0x77B0] =	vst v0  }
0x1b: {  	[tilespmem:$0x77C0] =	vst v0  }
0x1c: {  	[tilespmem:$0x77D0] =	vst v0  }
0x1d: {  	[tilespmem:$0x77E0] =	vst v0  }
0x1e: {  	[tilespmem:$0x77F0] =	vst v0  }
0x1f: {  	[spmem:s8] =	stream.linear.scatter [tilespmem:s17], [sflag:$0x1], $0x80, $0x38;
	[tilespmem:$0xF380] =	vst v63  }
0x20: {  	_ =	swait.ge [sflag:s18], $0x80  }
0x21: {  	[sflag:s18] =	ssyncset.done $0x0  }
0x22: {  	[sflag:s18] =	ssyncadd.s32 $0xFFFFFF80  }
0x23: {  	[spmem:s9] =	stream.linear.scatter [tilespmem:s17], [sflag:$0x1], $0x80, $0x38;
	[tilespmem:$0xF380] =	vst v63  }
0x24: {  	_ =	swait.ge [sflag:s18], $0x80  }
0x25: {  	[sflag:s18] =	ssyncset.done $0x0  }
0x26: {  	[sflag:s18] =	ssyncadd.s32 $0xFFFFFF80  }
0x27: {  	[spmem:s10] =	stream.linear.scatter [tilespmem:s17], [sflag:$0x1], $0x80, $0x38;
	[tilespmem:$0xF380] =	vst v63  }
0x28: {  	_ =	swait.ge [sflag:s18], $0x80  }
0x29: {  	[sflag:s18] =	ssyncset.done $0x0  }
0x2a: {  	[sflag:s18] =	ssyncadd.s32 $0xFFFFFF80  }
0x2b: {  	[spmem:s11] =	stream.linear.scatter [tilespmem:s17], [sflag:$0x1], $0x80, $0x38;
	[tilespmem:$0xF380] =	vst v63  }
0x2c: {  	_ =	swait.ge [sflag:s18], $0x80  }
0x2d: {  	[sflag:s18] =	ssyncset.done $0x0  }
0x2e: {  	[sflag:s18] =	ssyncadd.s32 $0xFFFFFF80  }
0x2f: {  	[spmem:s12] =	stream.linear.scatter [tilespmem:s17], [sflag:$0x1], $0x80, $0x38;
	[tilespmem:$0xF380] =	vst v63  }
0x30: {  	_ =	swait.ge [sflag:s18], $0x80  }
0x31: {  	[sflag:s18] =	ssyncset.done $0x0  }
0x32: {  	[sflag:s18] =	ssyncadd.s32 $0xFFFFFF80  }
0x33: {  	[bflag:$0x0] =	sbarrier.arrive $0xFFFF  }
0x34: {  	[tilespmem:s3], [sflag:$0x1] =	stream.linear.gather [hbm4b:s4+s3], $0x2800, $0x38;
	[tilespmem:$0xF380] =	vst v63  }
0x35: {  	_ =	swait.ge [sflag:s18], $0x2800  }
0x36: {  	[sflag:s18] =	ssyncset.done $0x0  }
0x37: {  	s29 =	simm.s32 @p0 $0x0;
	s30 =	simm.s32 @p0 $0x2800;
	[sflag:s18] =	ssyncadd.s32 $0xFFFFD800  }
0x38: {  	[tilespmem:s30], [sflag:$0x1] =	stream.linear.gather @p0 [hbm4b:s14+s29], $0x1980, $0x38;
	[tilespmem:$0xF380] =	vst v63  }
0x39: {  	s30 =	simm.s32 @p0 $0x1  }
0x3a: {  	_ =	swait.ge @p0 [sflag:s30], $0x1980  }
0x3b: {  	[sflag:s30] =	ssyncset.done @p0 $0x0  }
0x3c: {  	s31 =	simm.s32 @p0 $0x4F80;
	[sflag:s30] =	ssyncadd.s32 @p0 $0xFFFFE680  }
0x3d: {  	[tilespmem:s31], [sflag:$0x1] =	stream.linear.gather @p0 [hbm4b:s19+s29], $0x1980, $0x38;
	[tilespmem:$0xF380] =	vst v63  }
0x3e: {  	_ =	swait.ge @p0 [sflag:s30], $0x1980  }
0x3f: {  	[sflag:s30] =	ssyncset.done @p0 $0x0  }
0x40: {  	s29 =	simm.s32 @!p0 $0x0;
	[sflag:s30] =	ssyncadd.s32 @p0 $0xFFFFE680;
	s30 =	simm.s32 @!p0 $0x2800  }
0x41: {  	[tilespmem:s30], [sflag:$0x1] =	stream.linear.gather @!p0 [hbm4b:s13+s29], $0x2780, $0x38;
	[tilespmem:$0xF380] =	vst v63  }
0x42: {  	s30 =	simm.s32 @!p0 $0x1  }
0x43: {  	_ =	swait.ge @!p0 [sflag:s30], $0x2780  }
0x44: {  	[sflag:s30] =	ssyncset.done @!p0 $0x0  }
0x45: {  	s31 =	simm.s32 @!p0 $0x4F80;
	[sflag:s30] =	ssyncadd.s32 @!p0 $0xFFFFD880  }
0x46: {  	[tilespmem:s31], [sflag:$0x1] =	stream.linear.gather @!p0 [hbm4b:s20+s29], $0x2780, $0x38;
	[tilespmem:$0xF380] =	vst v63  }
0x47: {  	_ =	swait.ge @!p0 [sflag:s30], $0x2780  }
0x48: {  	s29 =	simm.s32 $0x4F80;
	[sflag:s30] =	ssyncset.done @!p0 $0x0  }
0x49: {  	s31 =	smov.u32 s7;
	[sflag:s30] =	ssyncadd.s32 @!p0 $0xFFFFD880;
	s30 =	simm.s32 $0x2840  }
.LBB2_2:
0x4a: {  	v1 =	vld [tilespmem:s30+$0xFFFFFFC0];
	_ =	sdelay $0x7  }
0x4b: {  	v1 =	vld.idx.msk [tilespmem:v1+s3+$0x0], $0xffff;
	_ =	sdelay $0x4  }
0x4c: {  	[tilespmem:$0x7700] =	vst v1  }
0x4d: {  	v1 =	vld [tilespmem:s30+$0xFFFFFFD0];
	_ =	sdelay $0x7  }
0x4e: {  	v1 =	vld.idx.msk [tilespmem:v1+s3+$0x0], $0xffff;
	_ =	sdelay $0x4  }
0x4f: {  	[tilespmem:$0x7710] =	vst v1  }
0x50: {  	v1 =	vld [tilespmem:s30+$0xFFFFFFE0];
	_ =	sdelay $0x7  }
0x51: {  	v1 =	vld.idx.msk [tilespmem:v1+s3+$0x0], $0xffff;
	_ =	sdelay $0x4  }
0x52: {  	[tilespmem:$0x7720] =	vst v1  }
0x53: {  	v1 =	vld [tilespmem:s30+$0xFFFFFFF0];
	_ =	sdelay $0x7  }
0x54: {  	v1 =	vld.idx.msk [tilespmem:v1+s3+$0x0], $0xffff;
	_ =	sdelay $0x4  }
0x55: {  	[tilespmem:$0x7730] =	vst v1  }
0x56: {  	v1 =	vld [tilespmem:s30+$0x0];
	_ =	sdelay $0x7  }
0x57: {  	v1 =	vld.idx.msk [tilespmem:v1+s3+$0x0], $0xffff;
	_ =	sdelay $0x4  }
0x58: {  	[tilespmem:$0x7740] =	vst v1  }
0x59: {  	v1 =	vld [tilespmem:s30+$0x10];
	_ =	sdelay $0x7  }
0x5a: {  	v1 =	vld.idx.msk [tilespmem:v1+s3+$0x0], $0xffff;
	_ =	sdelay $0x4  }
0x5b: {  	[tilespmem:$0x7750] =	vst v1  }
0x5c: {  	v1 =	vld [tilespmem:s30+$0x20];
	_ =	sdelay $0x7  }
0x5d: {  	v1 =	vld.idx.msk [tilespmem:v1+s3+$0x0], $0xffff;
	_ =	sdelay $0x4  }
0x5e: {  	[tilespmem:$0x7760] =	vst v1  }
0x5f: {  	v1 =	vld [tilespmem:s30+$0x30];
	_ =	sdelay $0x7  }
0x60: {  	v1 =	vld.idx.msk [tilespmem:v1+s3+$0x0], $0xffff;
	_ =	sdelay $0x3  }
0x61: {  	p3 =	sne.s32 s31, $0x1  }
.Ltmp2:
0x62: {  	[tilespmem:$0x7770] =	vst v1;
	(pc) =	sbr.rel @p3 .LBB2_2-.Ltmp2, $4  }
0x63: {  	[spmem:s2] =	stream.indirect.scatter.add.f32 [tilespmem:s22], [sflag:$0x1], $0x1, s29, s21, $0xb8;
	[tilespmem:$0xF380] =	vst v63  }
0x64: {  	_ =	swait.ge [sflag:s18], $0x80  }
0x65: {  	s31 =	sadd.s32 $0xFFFFFFFF, s31;
	[sflag:s18] =	ssyncset.done $0x0  }
0x66: {  	s30 =	sadd.s32 $0x80, s30;
	s29 =	sadd.s32 $0x80, s29;
	[sflag:s18] =	ssyncadd.s32 $0xFFFFFF80  }
.Ltmp3:
0x67: {  	(pc) =	sbr.rel @p1 .LBB2_5-.Ltmp3, $2  }
0x68: {  	_ =	sdelay $0x1  }
0x69: {  	[bflag:$0x0] =	sbarrier.arrive $0xFFFF;
	_ =	sdelay $0x1  }
0x6a: {  	[tilespmem:s23], [sflag:$0x1] =	stream.linear.gather [spmem:s2], $0x2800, $0x38;
	[tilespmem:$0xF380] =	vst v63  }
0x6b: {  	_ =	swait.ge [sflag:s18], $0x2800  }
0x6c: {  	[sflag:s18] =	ssyncset.done $0x0  }
0x6d: {  	[sflag:s18] =	ssyncadd.s32 $0xFFFFD800  }
0x6e: {  	[tilespmem:s24], [sflag:$0x1] =	stream.linear.gather [hbm4b:s5+s3], $0x2800, $0x38;
	[tilespmem:$0xF380] =	vst v63  }
0x6f: {  	_ =	swait.ge [sflag:s18], $0x2800  }
0x70: {  	[sflag:s18] =	ssyncset.done $0x0  }
0x71: {  	[sflag:s18] =	ssyncadd.s32 $0xFFFFD800  }
0x72: {  	[tilespmem:s25], [sflag:$0x1] =	stream.linear.gather [hbm4b:s1+s3], $0x80, $0x38;
	[tilespmem:$0xF380] =	vst v63  }
0x73: {  	_ =	swait.ge [sflag:s18], $0x80  }
0x74: {  	[sflag:s18] =	ssyncset.done $0x0  }
0x75: {  	s30 =	simm.s32 @!p2 $0x0;
	s29 =	simm.s32 @!p2 $0xC800;
	[sflag:s18] =	ssyncadd.s32 $0xFFFFFF80  }
0x76: {  	[tilespmem:s29], [sflag:$0x1] =	stream.linear.gather @!p2 [hbm4b:s6+s30], $0x2800, $0x38;
	[tilespmem:$0xF380] =	vst v63  }
0x77: {  	s30 =	simm.s32 @!p2 $0x1  }
0x78: {  	_ =	swait.ge @!p2 [sflag:s30], $0x2800  }
0x79: {  	[sflag:s30] =	ssyncset.done @!p2 $0x0  }
0x7a: {  	[sflag:s30] =	ssyncadd.s32 @!p2 $0xFFFFD800  }
0x7b: {  	v1 =	vld [tilespmem:$0xF000];
	_ =	sdelay $0x6  }
0x7c: {  	v3 =	vld [tilespmem:$0xF010]  }
0x7d: {  	v2 =	vld.idx.msk [tilespmem:v1+s23+$0x0], $0xffff  }
0x7e: {  	v1 =	vld.idx.msk [tilespmem:v1+s24+$0x0], $0xffff;
	_ =	sdelay $0x4  }
0x7f: {  	v1 =	vmul.f32 v1, v2;
	_ =	sdelay $0x1  }
0x80: {  	v4 =	vld [tilespmem:$0xF020];
	[tilespmem:$0xF080] =	vst v1  }
0x81: {  	v2 =	vld.idx.msk [tilespmem:v3+s23+$0x0], $0xffff  }
0x82: {  	v3 =	vld.idx.msk [tilespmem:v3+s24+$0x0], $0xffff;
	_ =	sdelay $0x4  }
0x83: {  	v2 =	vmul.f32 v3, v2;
	_ =	sdelay $0x1  }
0x84: {  	v5 =	vld [tilespmem:$0xF030];
	[tilespmem:$0xF090] =	vst v2  }
0x85: {  	v3 =	vld.idx.msk [tilespmem:v4+s23+$0x0], $0xffff  }
0x86: {  	v4 =	vld.idx.msk [tilespmem:v4+s24+$0x0], $0xffff;
	_ =	sdelay $0x4  }
0x87: {  	v3 =	vmul.f32 v4, v3;
	_ =	sdelay $0x1  }
0x88: {  	v6 =	vld [tilespmem:$0xF040];
	[tilespmem:$0xF0A0] =	vst v3  }
0x89: {  	v59 =	vld.idx.msk [tilespmem:v5+s23+$0x0], $0xffff  }
0x8a: {  	v5 =	vld.idx.msk [tilespmem:v5+s24+$0x0], $0xffff;
	_ =	sdelay $0x4  }
0x8b: {  	v4 =	vmul.f32 v5, v59;
	_ =	sdelay $0x1  }
0x8c: {  	v7 =	vld [tilespmem:$0xF050];
	[tilespmem:$0xF0B0] =	vst v4  }
0x8d: {  	v60 =	vld.idx.msk [tilespmem:v6+s23+$0x0], $0xffff  }
0x8e: {  	v6 =	vld.idx.msk [tilespmem:v6+s24+$0x0], $0xffff;
	_ =	sdelay $0x4  }
0x8f: {  	v5 =	vmul.f32 v6, v60;
	_ =	sdelay $0x1  }
0x90: {  	v8 =	vld [tilespmem:$0xF060];
	[tilespmem:$0xF0C0] =	vst v5  }
0x91: {  	v61 =	vld.idx.msk [tilespmem:v7+s23+$0x0], $0xffff  }
0x92: {  	v7 =	vld.idx.msk [tilespmem:v7+s24+$0x0], $0xffff;
	_ =	sdelay $0x4  }
0x93: {  	v6 =	vmul.f32 v7, v61;
	_ =	sdelay $0x1  }
0x94: {  	v9 =	vld [tilespmem:$0xF070];
	[tilespmem:$0xF0D0] =	vst v6  }
0x95: {  	v62 =	vld.idx.msk [tilespmem:v8+s23+$0x0], $0xffff  }
0x96: {  	v8 =	vld.idx.msk [tilespmem:v8+s24+$0x0], $0xffff;
	_ =	sdelay $0x4  }
0x97: {  	v7 =	vmul.f32 v8, v62;
	_ =	sdelay $0x1  }
0x98: {  	v10 =	vld @!p2 [tilespmem:$0xF000];
	[tilespmem:$0xF0E0] =	vst v7  }
0x99: {  	v63 =	vld.idx.msk [tilespmem:v9+s23+$0x0], $0xffff  }
0x9a: {  	v9 =	vld.idx.msk [tilespmem:v9+s24+$0x0], $0xffff;
	_ =	sdelay $0x4  }
0x9b: {  	v8 =	vmul.f32 v9, v63;
	_ =	sdelay $0x1  }
0x9c: {  	[tilespmem:$0xF0F0] =	vst v8  }
0x9d: {  	v9 =	vld.idx.msk @!p2 [tilespmem:v10+s29+$0x0], $0xffff  }
0x9e: {  	v10 =	vld @!p2 [tilespmem:$0xF010];
	_ =	sdelay $0x4  }
0x9f: {  	v1 =	vadd.f32 @!p2 v9, v1;
	_ =	sdelay $0x1  }
0xa0: {  	v9 =	vld @!p2 [tilespmem:$0xF020];
	[tilespmem:$0xF080] =	vst @!p2 v1  }
0xa1: {  	v1 =	vld.idx.msk @!p2 [tilespmem:v10+s29+$0x0], $0xffff;
	_ =	sdelay $0x4  }
0xa2: {  	v1 =	vadd.f32 @!p2 v1, v2;
	_ =	sdelay $0x1  }
0xa3: {  	v2 =	vld @!p2 [tilespmem:$0xF030];
	[tilespmem:$0xF090] =	vst @!p2 v1  }
0xa4: {  	v1 =	vld.idx.msk @!p2 [tilespmem:v9+s29+$0x0], $0xffff;
	_ =	sdelay $0x4  }
0xa5: {  	v1 =	vadd.f32 @!p2 v1, v3;
	_ =	sdelay $0x1  }
0xa6: {  	[tilespmem:$0xF0A0] =	vst @!p2 v1  }
0xa7: {  	v1 =	vld.idx.msk @!p2 [tilespmem:v2+s29+$0x0], $0xffff  }
0xa8: {  	v2 =	vld @!p2 [tilespmem:$0xF040];
	_ =	sdelay $0x4  }
0xa9: {  	v1 =	vadd.f32 @!p2 v1, v4;
	_ =	sdelay $0x1  }
0xaa: {  	[tilespmem:$0xF0B0] =	vst @!p2 v1  }
0xab: {  	v1 =	vld.idx.msk @!p2 [tilespmem:v2+s29+$0x0], $0xffff  }
0xac: {  	v2 =	vld @!p2 [tilespmem:$0xF050];
	_ =	sdelay $0x4  }
0xad: {  	v1 =	vadd.f32 @!p2 v1, v5;
	_ =	sdelay $0x1  }
0xae: {  	[tilespmem:$0xF0C0] =	vst @!p2 v1  }
0xaf: {  	v1 =	vld.idx.msk @!p2 [tilespmem:v2+s29+$0x0], $0xffff  }
0xb0: {  	v2 =	vld @!p2 [tilespmem:$0xF060];
	_ =	sdelay $0x4  }
0xb1: {  	v1 =	vadd.f32 @!p2 v1, v6;
	_ =	sdelay $0x1  }
0xb2: {  	[tilespmem:$0xF0D0] =	vst @!p2 v1  }
0xb3: {  	v1 =	vld.idx.msk @!p2 [tilespmem:v2+s29+$0x0], $0xffff  }
0xb4: {  	v2 =	vld @!p2 [tilespmem:$0xF070];
	_ =	sdelay $0x4  }
0xb5: {  	v1 =	vadd.f32 @!p2 v1, v7;
	_ =	sdelay $0x1  }
0xb6: {  	[tilespmem:$0xF0E0] =	vst @!p2 v1  }
0xb7: {  	v1 =	vld.idx.msk @!p2 [tilespmem:v2+s29+$0x0], $0xffff;
	_ =	sdelay $0x4  }
0xb8: {  	v1 =	vadd.f32 @!p2 v1, v8;
	_ =	sdelay $0x1  }
.Ltmp4:
0xb9: {  	[tilespmem:$0xF0F0] =	vst @!p2 v1;
	(pc) =	sbr.rel .LBB2_5-.Ltmp4, $4  }
0xba: {  	[hbm4b:s15+s3] =	stream.linear.scatter [tilespmem:s26], [sflag:$0x1], $0x80, $0x38;
	[tilespmem:$0xF380] =	vst v63  }
0xbb: {  	_ =	swait.ge [sflag:s18], $0x80  }
0xbc: {  	[sflag:s18] =	ssyncset.done $0x0  }
0xbd: {  	[sflag:s18] =	ssyncadd.s32 $0xFFFFFF80  }
.LBB2_6:
0xbe: {  	_ =	sfence.sel $0x180000  }
0xbf: {  	[bflag:$0x0] =	sbarrier.arrive $0xFFFF  }
0xc0: {  	_ =	strace $0x9000004D  }
0xc1: {  	s0 =	sadd.s32 @!p1 $0x100000, s0;
	[bflag:$0x2] =	sbarrier.arrive $0xFFFF  }
0xc2: {  	[sflag:s0] =	ssyncadd.tile.s32 @!p1 $0x1;
	_ =	shalt  }
.Lfunc_end2:
_tile_overlayer_lowered:
.L_overlay_start_2:
0xc3: {  	(tag) =	ssettag $0x2  }
0xc4: {  	s0 =	rddreg [dreg:$0x0];
	s2 =	stileid.u32  }
0xc5: {  	s1 =	rddreg [dreg:$0x1];
	p0 =	sne.s32 s2, $0x0  }
0xc6: {  	s3 =	rddreg [dreg:$0x2];
	[bflag:$0x3] =	sbarrier.arrive $0xFFFF;
	s2 =	simm.s32 @!p0 $0x1C01  }
0xc7: {  	[timem:s3], [sflag:s2] =	dma.local @!p0 [hbm:s0], s1  }
0xc8: {  	s0 =	simm.s32 @!p0 $0x1  }
0xc9: {  	_ =	swait.ge @!p0 [sflag:s0], s1  }
0xca: {  	s1 =	ssub.s32 @!p0 $0x0, s1;
	[sflag:s0] =	ssyncset.done @!p0 $0x0  }
0xcb: {  	[sflag:s0] =	ssyncadd.s32 @!p0 s1  }
0xcc: {  	[bflag:$0x3] =	sbarrier.arrive $0xFFFF  }
0xcd: {  	_ =	shalt  }

// kernel: kernel.7.cloned.1.call-start
scs
__scs_entry_jumppad:
0x0: {  	(pc) =	sbr.rel $0x88, $3  }
0x1: {  	(tag) =	ssettag $0x0;
	lr =	simm.s32 $0x1  }
0x2: {  	[smem:$0x3F9A] =	sst lr;
	_ =	strace $0xD0000000  }
0x3: {  	_ = 	snop  }
0x4: {  	_ = 	snop  }
0x5: {  	_ = 	snop  }
0x6: {  	_ = 	snop  }
0x7: {  	_ = 	snop  }
__scs_overlays_trampoline_lowered:
0x8: {  	[smem:$0x3FA9] =	sst s0  }
0x9: {  	[smem:$0x3FAA] =	sst s1  }
0xa: {  	[smem:$0x3FAB] =	sst s2  }
0xb: {  	[smem:$0x3FAC] =	sst s3  }
0xc: {  	[smem:$0x3FAD] =	sst s4  }
0xd: {  	[smem:$0x3FAE] =	sst s5  }
0xe: {  	[smem:$0x3FAF] =	sst s6  }
0xf: {  	[smem:$0x3FB0] =	sst s7  }
0x10: {  	[smem:$0x3FB1] =	sst s8  }
0x11: {  	[smem:$0x3FB2] =	sst s9;
	s0 =	simm.s32 @!p0 $0x0  }
0x12: {  	s1 =	sld [smem:$0x3F98];
	s0 =	simm.s32 @p0 $0x1  }
0x13: {  	[smem:$0x3FB3] =	sst s0;
	s0 =	simm.s32 @!p1 $0x0  }
0x14: {  	s2 =	sld [smem:$0x3F97];
	s0 =	simm.s32 @p1 $0x1  }
0x15: {  	[smem:$0x3FB4] =	sst s0;
	s0 =	simm.s32 @!p2 $0x0  }
0x16: {  	s3 =	sld [smem:$0x3FDB];
	s0 =	simm.s32 @p2 $0x1  }
0x17: {  	s4 =	simm.s32 $0x1BF5;
	[smem:$0x3FB6] =	sst s0  }
0x18: {  	s0 =	sld [smem:$0x3F99];
	_ =	swait.ge [sflag:s4], $0x0  }
0x19: {  	s7 =	sld [smem:$0x3F9A]  }
0x1a: {  	s8 =	sadd.s32 $0xFFFFE003, lr  }
0x1b: {  	s9 =	sadd.s32 $0xFFFFFEF7, lr;
	s5 =	simm.s32 $0xFFFFFFFF;
	p2 =	slt.u32 s8, $0xFFFFF086  }
0x1c: {  	p1 =	slt.u32 s9, $0xF7A;
	s5 =	simm.s32 @!p2 $0x0  }
0x1d: {  	s5 =	simm.s32 @p1 $0x1;
	p0 =	seq.s32 s7, s2  }
0x1e: {  	s7 =	smul.u32 @!p0 $0xF7A, s2;
	p2 =	seq.s32 @!p0 s5, $0x0  }
0x1f: {  	s9 =	smul.u32 $0xF7A, s1;
	s8 =	simm.s32 @!p0 $0x1BF5;
	p2 =	por !p2, p0  }
0x20: {  	[sflag:s8] =	ssyncset.s32 @!p0 $0xFFFFF086;
	s6 =	sadd.s32 @!p0 s3, s7;
	s7 =	simm.s32 @!p0 $0x108  }
0x21: {  	s3 =	sadd.s32 s3, s9;
	s6 =	sadd.s32 @!p0 $0x88, s6;
	s7 =	simm.s32 @p2 $0x1082  }
0x22: {  	[simem:s7], [sflag:s8] =	dma.local @!p0 [hbm:s6], $0xF7A  }
0x23: {  	s9 =	sor.u32 $0xD0000000, s2;
	s6 =	simm.s32 $0x108;
	_ =	swait.ge @!p0 [sflag:s8], $0x0  }
0x24: {  	s3 =	sadd.s32 $0x88, s3;
	s6 =	simm.s32 @!p1 $0x1082;
	[sflag:s4] =	ssyncset.s32 $0xFFFFF086  }
0x25: {  	[simem:s6], [sflag:s4] =	dma.local [hbm:s3], $0xF7A  }
0x26: {  	[smem:$0x3F9A] =	sst s1;
	(tag) =	ssettag s2;
	_ =	strace s9  }
0x27: {  	s1 =	sld [smem:$0x3FAA]  }
0x28: {  	s2 =	sld [smem:$0x3FAB]  }
0x29: {  	s4 =	sld [smem:$0x3FAD]  }
0x2a: {  	p0 =	seq.s32 s5, $0x0;
	s5 =	sld [smem:$0x3FAE]  }
0x2b: {  	s6 =	sld [smem:$0x3FAF]  }
0x2c: {  	s7 =	sld [smem:$0x3FB0]  }
0x2d: {  	s3 =	simm.s32 $0x108;
	s8 =	sld [smem:$0x3FB1]  }
0x2e: {  	s3 =	simm.s32 @!p0 $0x1082;
	s9 =	sld [smem:$0x3FB2]  }
0x2f: {  	lr =	sadd.s32 s0, s3;
	s0 =	sld [smem:$0x3FA9]  }
0x30: {  	s3 =	sld [smem:$0x3FAC]  }
0x31: {  	[smem:$0x3FB5] =	sst s10  }
0x32: {  	s10 =	sld [smem:$0x3FB3];
	_ =	sdelay $0x3  }
0x33: {  	p0 =	seq.s32 s10, $0x1;
	s10 =	sld [smem:$0x3FB5];
	_ =	sdelay $0x3  }
0x34: {  	[smem:$0x3FB5] =	sst s10  }
0x35: {  	s10 =	sld [smem:$0x3FB4];
	_ =	sdelay $0x3  }
0x36: {  	p1 =	seq.s32 s10, $0x1;
	s10 =	sld [smem:$0x3FB5];
	_ =	sdelay $0x3  }
0x37: {  	[smem:$0x3FB5] =	sst s10  }
0x38: {  	s10 =	sld [smem:$0x3FB6]  }
0x39: {  	_ = 	snop;
	(pc) =	sbr.ind lr, $3  }
0x3a: {  	_ = 	snop  }
0x3b: {  	_ = 	snop  }
0x3c: {  	p2 =	seq.s32 s10, $0x1;
	s10 =	sld [smem:$0x3FB5]  }
0x3d: {  	_ =	shalt  }
0x3e: {  	_ =	shalt  }
0x3f: {  	_ =	shalt  }
0x40: {  	_ =	shalt  }
0x41: {  	_ =	shalt  }
0x42: {  	_ =	shalt  }
0x43: {  	_ =	shalt  }
0x44: {  	_ =	shalt  }
0x45: {  	_ =	shalt  }
0x46: {  	_ =	shalt  }
0x47: {  	_ =	shalt  }
0x48: {  	_ =	shalt  }
0x49: {  	_ =	shalt  }
0x4a: {  	_ =	shalt  }
0x4b: {  	_ =	shalt  }
0x4c: {  	_ =	shalt  }
0x4d: {  	_ =	shalt  }
0x4e: {  	_ =	shalt  }
0x4f: {  	_ =	shalt  }
0x50: {  	_ =	shalt  }
0x51: {  	_ =	shalt  }
0x52: {  	_ =	shalt  }
0x53: {  	_ =	shalt  }
0x54: {  	_ =	shalt  }
0x55: {  	_ =	shalt  }
0x56: {  	_ =	shalt  }
0x57: {  	_ =	shalt  }
0x58: {  	_ =	shalt  }
0x59: {  	_ =	shalt  }
0x5a: {  	_ =	shalt  }
0x5b: {  	_ =	shalt  }
0x5c: {  	_ =	shalt  }
0x5d: {  	_ =	shalt  }
0x5e: {  	_ =	shalt  }
0x5f: {  	_ =	shalt  }
0x60: {  	_ =	shalt  }
0x61: {  	_ =	shalt  }
0x62: {  	_ =	shalt  }
0x63: {  	_ =	shalt  }
0x64: {  	_ =	shalt  }
0x65: {  	_ =	shalt  }
0x66: {  	_ =	shalt  }
0x67: {  	_ =	shalt  }
0x68: {  	_ =	shalt  }
0x69: {  	_ =	shalt  }
0x6a: {  	_ =	shalt  }
0x6b: {  	_ =	shalt  }
0x6c: {  	_ =	shalt  }
0x6d: {  	_ =	shalt  }
0x6e: {  	_ =	shalt  }
0x6f: {  	_ =	shalt  }
0x70: {  	_ =	shalt  }
0x71: {  	_ =	shalt  }
0x72: {  	_ =	shalt  }
0x73: {  	_ =	shalt  }
0x74: {  	_ =	shalt  }
0x75: {  	_ =	shalt  }
0x76: {  	_ =	shalt  }
0x77: {  	_ =	shalt  }
0x78: {  	_ =	shalt  }
0x79: {  	_ =	shalt  }
0x7a: {  	_ =	shalt  }
0x7b: {  	_ =	shalt  }
0x7c: {  	_ =	shalt  }
0x7d: {  	_ =	shalt  }
0x7e: {  	_ =	shalt  }
0x7f: {  	_ =	shalt  }
0x80: {  	_ =	shalt  }
0x81: {  	_ =	shalt  }
0x82: {  	_ =	shalt  }
0x83: {  	_ =	shalt  }
0x84: {  	_ =	shalt  }
0x85: {  	_ =	shalt  }
0x86: {  	_ =	shalt  }
0x87: {  	_ =	shalt  }
.Lfunc_end0:
.L_simem_size_0:
called_computation_lowered:
.L_overlay_start_0:
0x88: {  	s2 =	sld [smem:$0x3FD9]  }
0x89: {  	s3 =	sld [smem:$0x3FFE];
	_ =	sdelay $0x1  }
0x8a: {  	s1 =	srdreg.scid  }
0x8b: {  	s0 =	sand.u32 $0x1, s1  }
0x8c: {  	s17 =	sshll.u32 s0, $0xA;
	s2 =	sadd.s32 s3, s2  }
0x8d: {  	s2 =	sadd.s32 s2, s17  }
0x8e: {  	[smem:$0x3FC1] =	sst s2  }
0x8f: {  	_ = 	snop  }
0x90: {  	s2 =	sld [smem:$0x3FC7]  }
0x91: {  	s18 =	sld [smem:$0x3FD0];
	(tm) =	ssettm $0x1  }
0x92: {  	s4 =	sld [smem:$0x3FFB];
	_ =	sdelay $0x3  }
0x93: {  	_ =	strace s4  }
0x94: {  	s4 =	sld [smem:$0x3FFC];
	_ =	sdelay $0x3  }
0x95: {  	_ =	strace s4  }
0x96: {  	s4 =	sld [smem:$0x3FFD];
	_ =	sdelay $0x3  }
0x97: {  	_ =	strace s4  }
0x98: {  	_ =	strace $0x8FFFFFFF  }
0x99: {  	s19 =	sld [smem:$0x3FDB];
	_ =	sdelay $0x1  }
0x9a: {  	s5 =	simm.s32 $_scs_section_size  }
0x9b: {  	s6 =	simm.s32 $_size__tile_overlayer_lowered;
	s7 =	simm.s32 $_tile_overlayer_lowered  }
0x9c: {  	s22 =	simm.s32 $0x1BFF;
	s21 =	sshll.u32 s7, $0x1;
	s4 =	sadd.s32 s5, s19  }
0x9d: {  	s8 =	simm.s32 $0x0;
	s20 =	sshll.u32 s6, $0x1;
	s6 =	sadd.s32 s21, s4  }
0x9e: {  	[timem:s8], [sflag:s22] =	dma.local [hbm:s6], s20  }
0x9f: {  	_ =	swait.ge [sflag:s22], s20  }
0xa0: {  	s5 =	ssub.s32 $0x0, s20;
	[sflag:s22] =	ssyncset.done $0x0  }
0xa1: {  	[sflag:s22] =	ssyncadd.s32 s5;
	_ =	sdelay $0x1  }
0xa2: {  	s23 =	simm.s32 $0x1B8B  }
0xa3: {  	_ =	swait.ge [sflag:s23], $0x1  }
0xa4: {  	[sflag:s23] =	ssyncset.done $0x0  }
0xa5: {  	s25 =	simm.s32 $0x1B8E;
	s24 =	sld [smem:$0x3FFE];
	[sflag:s23] =	ssyncadd.s32 $0xFFFFFFFF  }
0xa6: {  	s26 =	simm.s32 $execute0_lowered;
	[smem:$0x3FD2] =	sst s25  }
0xa7: {  	s6 =	sshll.u32 s26, $0x1;
	_ =	strace $0x80000046;
	[dreg:$0x1] =	wrdreg $0xFFFFFFFF  }
0xa8: {  	s28 =	simm.s32 $_size_execute0_lowered;
	s4 =	sadd.s32 s4, s6;
	[dreg:$0x0] =	wrdreg $0x0  }
0xa9: {  	s6 =	sshll.u32 s28, $0x1;
	[dreg:$0x2] =	wrdreg s4  }
0xaa: {  	[dreg:$0x3] =	wrdreg s6  }
0xab: {  	[dreg:$0x4] =	wrdreg $0xC0  }
0xac: {  	_ =	task [dreg:s8], $0x5FFFF  }
0xad: {  	[dreg:$0x1] =	wrdreg $0xFFFFFFFF  }
0xae: {  	[dreg:$0x0] =	wrdreg $0x60  }
0xaf: {  	[dreg:$0x2] =	wrdreg s24  }
0xb0: {  	[dreg:$0x3] =	wrdreg s2  }
0xb1: {  	[dreg:$0x4] =	wrdreg s18  }
0xb2: {  	[dreg:$0x5] =	wrdreg $0x2B000  }
0xb3: {  	[dreg:$0x6] =	wrdreg $0x2D800  }
0xb4: {  	[dreg:$0x7] =	wrdreg $0x9  }
0xb5: {  	_ =	task.clear_ibuf [dreg:s8], $0x8FFFF;
	_ =	strace $0x90000046  }
0xb6: {  	s29 =	simm.s32 $0x9;
	_ =	strace $0x80000048  }
0xb7: {  	_ =	swait.ge [sflag:s29], $0x1  }
0xb8: {  	[sflag:s29] =	ssyncadd.s32 $0xFFFFFFFF  }
0xb9: {  	_ =	strace $0x90000048  }
0xba: {  	_ =	sfence  }
0xbb: {  	s30 =	sld [smem:$0x0];
	_ =	sdelay $0x2  }
0xbc: {  	s31 =	sshll.u32 s1, $0xD;
	s1 =	sshrl.u32 s1, $0x2  }
0xbd: {  	s3 =	sand.u32 $0x4000, s31;
	s1 =	sadd.s32 s1, s30  }
0xbe: {  	s0 =	sor.u32 s3, s0;
	s1 =	sshll.u32 s1, $0x11  }
0xbf: {  	s0 =	sor.u32 s1, s0  }
0xc0: {  	s0 =	sadd.s32 $0x8F2B, s0  }
0xc1: {  	[sflag:s0] =	ssyncadd.remote.s32 $0x1  }
0xc2: {  	_ =	sfence.sel $0xFFFF  }
0xc3: {  	[dreg:$0x0] =	wrdreg $0xFFFFFFFF;
	(pc) =	sbr.abs _section_cstart, $3  }
0xc4: {  	[dreg:$0x1] =	wrdreg $0xFFFFFFFF  }
0xc5: {  	_ =	task.clear_ibuf [dreg:s8], $0x2FFFF;
	_ =	strace $0x9FFFFFFF  }
0xc6: {  	(tm) =	ssettm $0x7FFFFFFF  }
0xc7: {  	_ =	shalt  }
tec
execute0_lowered:
.L_overlay_start_1:
0x0: {  	(tag) =	ssettag $0x1  }
0x1: {  	s12 =	rddreg [dreg:$0x0]  }
0x2: {  	s13 =	rddreg [dreg:$0x1]  }
0x3: {  	s1 =	rddreg [dreg:$0x2]  }
0x4: {  	s2 =	rddreg [dreg:$0x3]  }
0x5: {  	s3 =	rddreg [dreg:$0x4];
	s5 =	srdreg.scid  }
0x6: {  	s0 =	rddreg [dreg:$0x5];
	s4 =	simm.s32 $0x0;
	s20 =	simm.s32 $0x2A00  }
0x7: {  	s9 =	sand.u32 $0x1, s5;
	[smem:$0x7FF] =	sst s4;
	s18 =	sadd.s32 $0xB240, s12  }
0x8: {  	s5 =	smul.u32 $0x500, s9;
	_ =	strace $0x80000047;
	s7 =	ssub.s32 $0x2, s9  }
0x9: {  	s6 =	sshll.u32 s9, $0x4;
	p3 =	seq.s32 s9, $0x1;
	s8 =	sshrl.u32 s7, $0x1  }
0xa: {  	s14 =	sadd.s32 s5, s12;
	s5 =	stileid.u32;
	s17 =	ssub.s32 s7, s8  }
0xb: {  	s12 =	sadd.s32 $0x4B0, s13;
	s15 =	sor.u32 s5, s6;
	s16 =	smul.u32 $0x280, s5  }
0xc: {  	s6 =	simm.s32 $0x33;
	p1 =	seq.s32 s5, $0x0;
	p2 =	sne.s32 s5, $0xF  }
0xd: {  	p4 =	seq.s32 s5, $0xF;
	s22 =	sadd.s32 $0x15000, s14;
	s14 =	smax.u32 s17, $0x1  }
0xe: {  	p0 =	seq.s32 s15, $0x1F;
	p1 =	por !p1, !p3;
	p2 =	por !p2, !p3  }
0xf: {  	s19 =	smul.u32 $0x4F0, s15;
	p3 =	por !p4, !p3;
	s15 =	simm.s32 $0x2A80  }
0x10: {  	s6 =	simm.s32 @!p0 $0x4F;
	s7 =	sadd.s32 s16, s2;
	p1 =	por !p1, !p1  }
0x11: {  	p2 =	por !p2, !p2;
	p3 =	por !p3, !p3;
	s21 =	sshrl.u32 s16, $0x3  }
0x12: {  	s16 =	simm.s32 $0x1;
	s17 =	sadd.s32 @p0 $0x9910, s18;
	s8 =	sadd.s32 $0x80, s7  }
0x13: {  	s9 =	sadd.s32 $0x100, s7;
	s10 =	sadd.s32 $0x180, s7;
	s11 =	sadd.s32 $0x200, s7  }
0x14: {  	s13 =	sadd.s32 s13, s21;
	s18 =	sadd.s32 @!p0 s19, s18;
	s19 =	simm.s32 $0x80  }
0x15: {  	v0 =	vimm.f32 $1.000000000e+00;
	v1 =	vimm.f32 $0.0e+00;
	p3 =	por !p3, p2;
	s21 =	sadd.s32 s21, s22;
	s22 =	simm.s32 $0x0  }
.LBB2_1:
0x16: {  	[tilespmem:$0x2A00] =	vst v0  }
0x17: {  	[tilespmem:$0x2A80] =	vst v1  }
0x18: {  	[tilespmem:$0x2A10] =	vst v0  }
0x19: {  	[tilespmem:$0x2A90] =	vst v1  }
0x1a: {  	[tilespmem:$0x2A20] =	vst v0  }
0x1b: {  	[tilespmem:$0x2AA0] =	vst v1  }
0x1c: {  	[tilespmem:$0x2A30] =	vst v0  }
0x1d: {  	[tilespmem:$0x2AB0] =	vst v1  }
0x1e: {  	[tilespmem:$0x2A40] =	vst v0  }
0x1f: {  	[tilespmem:$0x2AC0] =	vst v1  }
0x20: {  	[tilespmem:$0x2A50] =	vst v0  }
0x21: {  	[tilespmem:$0x2AD0] =	vst v1  }
0x22: {  	[tilespmem:$0x2A60] =	vst v0  }
0x23: {  	[tilespmem:$0x2AE0] =	vst v1  }
0x24: {  	[tilespmem:$0x2A70] =	vst v0  }
0x25: {  	[tilespmem:$0x2AF0] =	vst v1  }
0x26: {  	[spmem:s7] =	stream.linear.scatter [tilespmem:s15], [sflag:$0x1], $0x80, $0x38;
	[tilespmem:$0x2D88] =	vst v63  }
0x27: {  	_ =	swait.ge [sflag:s16], $0x80  }
0x28: {  	[sflag:s16] =	ssyncset.done $0x0  }
0x29: {  	[sflag:s16] =	ssyncadd.s32 $0xFFFFFF80  }
0x2a: {  	[spmem:s8] =	stream.linear.scatter [tilespmem:s15], [sflag:$0x1], $0x80, $0x38;
	[tilespmem:$0x2D88] =	vst v63  }
0x2b: {  	_ =	swait.ge [sflag:s16], $0x80  }
0x2c: {  	[sflag:s16] =	ssyncset.done $0x0  }
0x2d: {  	[sflag:s16] =	ssyncadd.s32 $0xFFFFFF80  }
0x2e: {  	[spmem:s9] =	stream.linear.scatter [tilespmem:s15], [sflag:$0x1], $0x80, $0x38;
	[tilespmem:$0x2D88] =	vst v63  }
0x2f: {  	_ =	swait.ge [sflag:s16], $0x80  }
0x30: {  	[sflag:s16] =	ssyncset.done $0x0  }
0x31: {  	[sflag:s16] =	ssyncadd.s32 $0xFFFFFF80  }
0x32: {  	[spmem:s10] =	stream.linear.scatter [tilespmem:s15], [sflag:$0x1], $0x80, $0x38;
	[tilespmem:$0x2D88] =	vst v63  }
0x33: {  	_ =	swait.ge [sflag:s16], $0x80  }
0x34: {  	[sflag:s16] =	ssyncset.done $0x0  }
0x35: {  	[sflag:s16] =	ssyncadd.s32 $0xFFFFFF80  }
0x36: {  	[spmem:s11] =	stream.linear.scatter [tilespmem:s15], [sflag:$0x1], $0x80, $0x38;
	[tilespmem:$0x2D88] =	vst v63  }
0x37: {  	_ =	swait.ge [sflag:s16], $0x80  }
0x38: {  	[sflag:s16] =	ssyncset.done $0x0  }
0x39: {  	s23 =	simm.s32 @p1 $0x2A80;
	[sflag:s16] =	ssyncadd.s32 $0xFFFFFF80  }
0x3a: {  	[spmem:s3] =	stream.linear.scatter @p1 [tilespmem:s23], [sflag:$0x1], $0x80, $0x38;
	[tilespmem:$0x2D88] =	vst v63  }
0x3b: {  	s23 =	simm.s32 @p1 $0x1  }
0x3c: {  	_ =	swait.ge @p1 [sflag:s23], $0x80  }
0x3d: {  	[sflag:s23] =	ssyncset.done @p1 $0x0  }
0x3e: {  	[sflag:s23] =	ssyncadd.s32 @p1 $0xFFFFFF80  }
0x3f: {  	s24 =	simm.s32 @p0 $0x0;
	[bflag:$0x0] =	sbarrier.arrive $0xFFFF  }
0x40: {  	[tilespmem:s24], [sflag:$0x1] =	stream.linear.gather @p0 [hbm4b:s17+s24], $0x1980, $0x38;
	[tilespmem:$0x2D88] =	vst v63  }
0x41: {  	s24 =	simm.s32 @p0 $0x1  }
0x42: {  	_ =	swait.ge @p0 [sflag:s24], $0x1980  }
0x43: {  	[sflag:s24] =	ssyncset.done @p0 $0x0  }
0x44: {  	[sflag:s24] =	ssyncadd.s32 @p0 $0xFFFFE680;
	s24 =	simm.s32 @!p0 $0x0  }
0x45: {  	[tilespmem:s24], [sflag:$0x1] =	stream.linear.gather @!p0 [hbm4b:s18+s24], $0x2780, $0x38;
	[tilespmem:$0x2D88] =	vst v63  }
0x46: {  	s24 =	simm.s32 @!p0 $0x1  }
0x47: {  	p4 =	sne.s32 s6, $0x1;
	_ =	swait.ge @!p0 [sflag:s24], $0x2780  }
.Ltmp0:
0x48: {  	[sflag:s24] =	ssyncset.done @!p0 $0x0;
	(pc) =	sbr.rel @!p4 .LBB2_3-.Ltmp0, $4  }
0x49: {  	[sflag:s24] =	ssyncadd.s32 @!p0 $0xFFFFD880  }
0x4a: {  	[spmem:s2] =	stream.indirect.scatter.add.f32 [tilespmem:s20], [sflag:$0x1], $0x1, s4, s19, $0xb8;
	[tilespmem:$0x2D88] =	vst v63  }
0x4b: {  	_ =	swait.ge [sflag:s16], $0x80  }
0x4c: {  	s25 =	simm.s32 $0x0;
	s24 =	sadd.s32 $0xFFFFFFFF, s6;
	[sflag:s16] =	ssyncset.done $0x0  }
.LBB2_2:
0x4d: {  	p4 =	sne.s32 s24, $0x1;
	[sflag:s16] =	ssyncadd.s32 $0xFFFFFF80;
	s25 =	sadd.s32 $0x80, s25  }
.Ltmp1:
0x4e: {  	s24 =	sadd.s32 $0xFFFFFFFF, s24;
	(pc) =	sbr.rel @p4 .LBB2_2-.Ltmp1, $4  }
0x4f: {  	_ = 	snop  }
0x50: {  	[spmem:s2] =	stream.indirect.scatter.add.f32 [tilespmem:s20], [sflag:$0x1], $0x1, s25, s19, $0xb8;
	[tilespmem:$0x2D88] =	vst v63  }
0x51: {  	_ =	swait.ge [sflag:s16], $0x80  }
0x52: {  	[sflag:s16] =	ssyncset.done $0x0  }
.LBB2_3:
0x53: {  	[sflag:s16] =	ssyncadd.s32 $0xFFFFFF80;
	s24 =	simm.s32 @!p3 $0x0;
	s25 =	simm.s32 @!p3 $0x2780  }
0x54: {  	[tilespmem:s25], [sflag:$0x1] =	stream.linear.gather @!p3 [hbm4b:s12+s24], $0x190, $0x38;
	[tilespmem:$0x2D88] =	vst v63  }
0x55: {  	s24 =	simm.s32 @!p3 $0x1  }
0x56: {  	_ =	swait.ge @!p3 [sflag:s24], $0x190  }
0x57: {  	[sflag:s24] =	ssyncset.done @!p3 $0x0  }
0x58: {  	s26 =	simm.s32 @!p3 $0x80;
	s28 =	simm.s32 @!p3 $0x2A00;
	[sflag:s24] =	ssyncadd.s32 @!p3 $0xFFFFFE70  }
0x59: {  	[spmem:s3] =	stream.indirect.scatter.add.f32 @!p3 [tilespmem:s28], [sflag:$0x1], $0x1, s25, s26, $0xb8;
	[tilespmem:$0x2D88] =	vst v63  }
0x5a: {  	_ =	swait.ge @!p3 [sflag:s24], $0x80  }
0x5b: {  	[sflag:s24] =	ssyncset.done @!p3 $0x0  }
0x5c: {  	s25 =	simm.s32 @!p3 $0x2800;
	[sflag:s24] =	ssyncadd.s32 @!p3 $0xFFFFFF80  }
0x5d: {  	[spmem:s3] =	stream.indirect.scatter.add.f32 @!p3 [tilespmem:s28], [sflag:$0x1], $0x1, s25, s26, $0xb8;
	[tilespmem:$0x2D88] =	vst v63  }
0x5e: {  	_ =	swait.ge @!p3 [sflag:s24], $0x80  }
0x5f: {  	[sflag:s24] =	ssyncset.done @!p3 $0x0  }
0x60: {  	s25 =	simm.s32 @!p3 $0x2880;
	[sflag:s24] =	ssyncadd.s32 @!p3 $0xFFFFFF80  }
0x61: {  	[spmem:s3] =	stream.indirect.scatter.add.f32 @!p3 [tilespmem:s28], [sflag:$0x1], $0x1, s25, s26, $0xb8;
	[tilespmem:$0x2D88] =	vst v63  }
0x62: {  	_ =	swait.ge @!p3 [sflag:s24], $0x80  }
0x63: {  	[sflag:s24] =	ssyncset.done @!p3 $0x0  }
0x64: {  	s25 =	simm.s32 @!p3 $0x10;
	s26 =	simm.s32 @!p3 $0x2900;
	[sflag:s24] =	ssyncadd.s32 @!p3 $0xFFFFFF80  }
0x65: {  	[spmem:s3] =	stream.indirect.scatter.add.f32 @!p3 [tilespmem:s28], [sflag:$0x1], $0x1, s26, s25, $0xb8;
	[tilespmem:$0x2D88] =	vst v63  }
0x66: {  	_ =	swait.ge @!p3 [sflag:s24], $0x10  }
0x67: {  	[sflag:s24] =	ssyncset.done @!p3 $0x0  }
0x68: {  	s25 =	simm.s32 @p2 $0x2780;
	[sflag:s24] =	ssyncadd.s32 @!p3 $0xFFFFFFF0;
	s24 =	simm.s32 @p2 $0x0  }
0x69: {  	[tilespmem:s25], [sflag:$0x1] =	stream.linear.gather @p2 [hbm4b:s13+s24], $0x280, $0x38;
	[tilespmem:$0x2D88] =	vst v63  }
0x6a: {  	s24 =	simm.s32 @p2 $0x1  }
0x6b: {  	_ =	swait.ge @p2 [sflag:s24], $0x280  }
0x6c: {  	[sflag:s24] =	ssyncset.done @p2 $0x0  }
0x6d: {  	s26 =	simm.s32 @p2 $0x80;
	s28 =	simm.s32 @p2 $0x2A00;
	[sflag:s24] =	ssyncadd.s32 @p2 $0xFFFFFD80  }
0x6e: {  	[spmem:s3] =	stream.indirect.scatter.add.f32 @p2 [tilespmem:s28], [sflag:$0x1], $0x1, s25, s26, $0xb8;
	[tilespmem:$0x2D88] =	vst v63  }
0x6f: {  	_ =	swait.ge @p2 [sflag:s24], $0x80  }
0x70: {  	[sflag:s24] =	ssyncset.done @p2 $0x0  }
0x71: {  	s25 =	simm.s32 @p2 $0x2800;
	[sflag:s24] =	ssyncadd.s32 @p2 $0xFFFFFF80  }
0x72: {  	[spmem:s3] =	stream.indirect.scatter.add.f32 @p2 [tilespmem:s28], [sflag:$0x1], $0x1, s25, s26, $0xb8;
	[tilespmem:$0x2D88] =	vst v63  }
0x73: {  	_ =	swait.ge @p2 [sflag:s24], $0x80  }
0x74: {  	[sflag:s24] =	ssyncset.done @p2 $0x0  }
0x75: {  	s25 =	simm.s32 @p2 $0x2880;
	[sflag:s24] =	ssyncadd.s32 @p2 $0xFFFFFF80  }
0x76: {  	[spmem:s3] =	stream.indirect.scatter.add.f32 @p2 [tilespmem:s28], [sflag:$0x1], $0x1, s25, s26, $0xb8;
	[tilespmem:$0x2D88] =	vst v63  }
0x77: {  	_ =	swait.ge @p2 [sflag:s24], $0x80  }
0x78: {  	[sflag:s24] =	ssyncset.done @p2 $0x0  }
0x79: {  	s25 =	simm.s32 @p2 $0x2900;
	[sflag:s24] =	ssyncadd.s32 @p2 $0xFFFFFF80  }
0x7a: {  	[spmem:s3] =	stream.indirect.scatter.add.f32 @p2 [tilespmem:s28], [sflag:$0x1], $0x1, s25, s26, $0xb8;
	[tilespmem:$0x2D88] =	vst v63  }
0x7b: {  	_ =	swait.ge @p2 [sflag:s24], $0x80  }
0x7c: {  	[sflag:s24] =	ssyncset.done @p2 $0x0  }
0x7d: {  	s25 =	simm.s32 @p2 $0x2980;
	[sflag:s24] =	ssyncadd.s32 @p2 $0xFFFFFF80  }
0x7e: {  	[spmem:s3] =	stream.indirect.scatter.add.f32 @p2 [tilespmem:s28], [sflag:$0x1], $0x1, s25, s26, $0xb8;
	[tilespmem:$0x2D88] =	vst v63  }
0x7f: {  	_ =	swait.ge @p2 [sflag:s24], $0x80  }
0x80: {  	[sflag:s24] =	ssyncset.done @p2 $0x0  }
0x81: {  	s30 =	sshll.u32 s5, $0x6;
	[sflag:s24] =	ssyncadd.s32 @p2 $0xFFFFFF80  }
0x82: {  	s31 =	sshrl.u32 s7, $0x3;
	s24 =	sor.u32 $0x1C01, s30;
	[bflag:$0x0] =	sbarrier.arrive $0xFFFF  }
0x83: {  	[hbm:s21], [sflag:s24] =	dma.local [spmem:s31], $0x50  }
0x84: {  	s22 =	sadd.s32 $0x1, s22;
	_ =	swait.ge [sflag:s16], $0x50  }
0x85: {  	p4 =	sne.s32 s22, s14;
	[sflag:s16] =	ssyncset.done $0x0  }
.Ltmp2:
0x86: {  	s25 =	sshrl.u32 @p1 s3, $0x3;
	[sflag:s16] =	ssyncadd.s32 $0xFFFFFFB0;
	(pc) =	sbr.rel @p4 .LBB2_1-.Ltmp2, $4  }
0x87: {  	[hbm:s1], [sflag:s24] =	dma.local @p1 [spmem:s25], $0x10  }
0x88: {  	_ =	swait.ge @p1 [sflag:s23], $0x10  }
0x89: {  	[sflag:s23] =	ssyncset.done @p1 $0x0  }
0x8a: {  	[sflag:s23] =	ssyncadd.s32 @p1 $0xFFFFFFF0  }
0x8b: {  	_ =	sfence.sel $0x180000  }
0x8c: {  	[bflag:$0x0] =	sbarrier.arrive $0xFFFF  }
0x8d: {  	p0 =	sne.s32 s5, $0x0;
	_ =	strace $0x90000047  }
0x8e: {  	s0 =	sadd.s32 @!p0 $0x100000, s0;
	[bflag:$0x2] =	sbarrier.arrive $0xFFFF  }
0x8f: {  	[sflag:s0] =	ssyncadd.tile.s32 @!p0 $0x1;
	_ =	shalt  }
.Lfunc_end2:
_tile_overlayer_lowered:
.L_overlay_start_2:
0x90: {  	(tag) =	ssettag $0x2  }
0x91: {  	s0 =	rddreg [dreg:$0x0];
	s2 =	stileid.u32  }
0x92: {  	s1 =	rddreg [dreg:$0x1];
	p0 =	sne.s32 s2, $0x0  }
0x93: {  	s3 =	rddreg [dreg:$0x2];
	[bflag:$0x3] =	sbarrier.arrive $0xFFFF;
	s2 =	simm.s32 @!p0 $0x1C01  }
0x94: {  	[timem:s3], [sflag:s2] =	dma.local @!p0 [hbm:s0], s1  }
0x95: {  	s0 =	simm.s32 @!p0 $0x1  }
0x96: {  	_ =	swait.ge @!p0 [sflag:s0], s1  }
0x97: {  	s1 =	ssub.s32 @!p0 $0x0, s1;
	[sflag:s0] =	ssyncset.done @!p0 $0x0  }
0x98: {  	[sflag:s0] =	ssyncadd.s32 @!p0 s1  }
0x99: {  	[bflag:$0x3] =	sbarrier.arrive $0xFFFF  }
0x9a: {  	_ =	shalt  }

</sc_bundles>
